<compile_context>
chip_gen: v7x
topology: tpu7x:2x2x1
jax: 0.10.2.dev20260603
libtpu: 0.0.44.dev20260713+nightly
codegen_flags: <defaults>
</compile_context>

<pallas_src>
import functools

import jax
import jax.numpy as jnp
from jax import lax
from jax.experimental import pallas as pl
from jax.experimental.pallas import tpu as pltpu
from jax.experimental.pallas import tpu_sc as plsc

STATE_DIM = 128
ACTION_DIM = 32
IN_DIM = STATE_DIM + ACTION_DIM
HIDDEN = 256
E = 8
OUT_DIM = STATE_DIM + 1
OUT_PAD = 256
X_PAD = 256
SUB = 256

T_R = 512
T_M = 1024
NW = 32


def _route_kernel(idx_ref, dest_ref, be_ref):
    blk = idx_ref[:]
    r = lax.broadcasted_iota(jnp.int32, (128, 128), 0)
    c = lax.broadcasted_iota(jnp.int32, (128, 128), 1)
    triu_i = (r <= c).astype(jnp.bfloat16)
    tril_s = (r > c).astype(jnp.bfloat16)

    masks = [(blk == e) for e in range(E)]
    totals = [jnp.sum(m.astype(jnp.float32), keepdims=True).reshape(1, 1)
              for m in masks]
    pcs = [jnp.ceil(t * (1.0 / T_M)) * T_M for t in totals]
    pbs = []
    acc = jnp.zeros((1, 1), jnp.float32)
    for e in range(E):
        pbs.append(acc)
        acc = acc + pcs[e]

    dest = jnp.zeros((128, 128), jnp.float32)
    for e in range(E):
        mb = masks[e].astype(jnp.bfloat16)
        within = jnp.dot(mb, triu_i, preferred_element_type=jnp.float32)
        rowsum = within[:, 127:128].astype(jnp.bfloat16)
        off = jnp.dot(tril_s, rowsum, preferred_element_type=jnp.float32)
        grank = within + off
        dest = jnp.where(masks[e], grank - 1.0 + pbs[e], dest)
    dest_ref[:] = dest.astype(jnp.int32)

    nblk = be_ref.shape[0]
    jv = (lax.broadcasted_iota(jnp.int32, (nblk, 1), 0)
          .astype(jnp.float32) * float(T_M))
    be = jnp.zeros((nblk, 1), jnp.int32)
    for e in range(E):
        be = be + (jv >= (pbs[e] + pcs[e])).astype(jnp.int32)
    be_ref[:] = jnp.minimum(be, E - 1)


def _route(idx_sq, B, NP):
    NB = NP // T_M
    return pl.pallas_call(
        _route_kernel,
        grid=(1,),
        in_specs=[pl.BlockSpec((128, 128), lambda i: (0, 0))],
        out_specs=[
            pl.BlockSpec((128, 128), lambda i: (0, 0)),
            pl.BlockSpec((NB, 1), lambda i: (0, 0)),
        ],
        out_shape=[
            jax.ShapeDtypeStruct((128, 128), jnp.int32),
            jax.ShapeDtypeStruct((NB, 1), jnp.int32),
        ],
        compiler_params=pltpu.CompilerParams(
            dimension_semantics=("arbitrary",)),
    )(idx_sq)


def _make_scatter_x(B, NP, CH):
    mesh = plsc.VectorSubcoreMesh(core_axis_name="c", subcore_axis_name="s")
    nsub = CH // 128

    @functools.partial(
        pl.kernel, mesh=mesh,
        out_type=jax.ShapeDtypeStruct((NP, X_PAD), jnp.float32),
        scratch_types=[
            pltpu.VMEM((CH // 128, 128), jnp.int32),
            pltpu.VMEM((128, X_PAD), jnp.float32),
            pltpu.VMEM((128, X_PAD), jnp.float32),
            pltpu.SemaphoreType.DMA,
            pltpu.SemaphoreType.DMA,
            pltpu.SemaphoreType.DMA,
            pltpu.SemaphoreType.DMA,
        ],
    )
    def scatter_x(state_hbm, action_hbm, dest_hbm, xs_hbm,
                  idx_v, x_v0, x_v1, sem0, sem1, isem0, isem1):
        wid = lax.axis_index("s") * 2 + lax.axis_index("c")
        base = wid * CH
        pltpu.sync_copy(dest_hbm.at[wid], idx_v)
        bufs = (x_v0, x_v1)
        sems = (sem0, sem1)
        isems = (isem0, isem1)
        copies = []
        for h in range(nsub):
            if h >= 2:
                copies[h - 2].wait()
            buf = bufs[h % 2]
            bh = base + h * 128
            ca = pltpu.async_copy(state_hbm.at[pl.ds(bh, 128)],
                                  buf.at[:, pl.ds(0, STATE_DIM)],
                                  isems[h % 2])
            cb = pltpu.async_copy(action_hbm.at[pl.ds(bh, 128)],
                                  buf.at[:, pl.ds(STATE_DIM, STATE_DIM)],
                                  isems[h % 2])
            ca.wait()
            cb.wait()
            copies.append(
                pltpu.async_copy(buf, xs_hbm.at[idx_v.at[h]], sems[h % 2]))
        for c in copies[-2:]:
            c.wait()

    return scatter_x


def _mlp_kernel(be_ref, x_ref, W1_ref, b1_ref, W2_ref, b2_ref, W3_ref, b3_ref,
                out_ref):
    x = x_ref[:, :IN_DIM].astype(jnp.bfloat16)
    h1 = jnp.maximum(
        jnp.dot(x, W1_ref[0], preferred_element_type=jnp.float32)
        + b1_ref[0], 0.0)
    h2 = jnp.maximum(
        jnp.dot(h1.astype(jnp.bfloat16), W2_ref[0],
                preferred_element_type=jnp.float32) + b2_ref[0], 0.0)
    out = (jnp.dot(h2.astype(jnp.bfloat16), W3_ref[0],
                   preferred_element_type=jnp.float32) + b3_ref[0])
    out_ref[:, :STATE_DIM] = out[:, :STATE_DIM] + x_ref[:, :STATE_DIM]
    out_ref[:, STATE_DIM:] = out[:, STATE_DIM:]


def _grouped_mlp(be, xs, W1, b1, W2, b2, W3, b3, NP):
    NB = NP // T_M
    grid_spec = pltpu.PrefetchScalarGridSpec(
        num_scalar_prefetch=1,
        grid=(NB,),
        in_specs=[
            pl.BlockSpec((T_M, X_PAD), lambda j, be_r: (j, 0)),
            pl.BlockSpec((1, IN_DIM, HIDDEN), lambda j, be_r: (be_r[j], 0, 0)),
            pl.BlockSpec((1, 1, HIDDEN), lambda j, be_r: (be_r[j], 0, 0)),
            pl.BlockSpec((1, HIDDEN, HIDDEN), lambda j, be_r: (be_r[j], 0, 0)),
            pl.BlockSpec((1, 1, HIDDEN), lambda j, be_r: (be_r[j], 0, 0)),
            pl.BlockSpec((1, HIDDEN, OUT_PAD), lambda j, be_r: (be_r[j], 0, 0)),
            pl.BlockSpec((1, 1, OUT_PAD), lambda j, be_r: (be_r[j], 0, 0)),
        ],
        out_specs=pl.BlockSpec((T_M, OUT_PAD), lambda j, be_r: (j, 0)),
    )
    return pl.pallas_call(
        _mlp_kernel,
        grid_spec=grid_spec,
        out_shape=jax.ShapeDtypeStruct((NP, OUT_PAD), jnp.float32),
        compiler_params=pltpu.CompilerParams(
            dimension_semantics=("arbitrary",)),
    )(be, xs, W1, b1, W2, b2, W3, b3)


def _make_gather_sel(B, NP, CH):
    mesh = plsc.VectorSubcoreMesh(core_axis_name="c", subcore_axis_name="s")
    nsub = CH // SUB

    @functools.partial(
        pl.kernel, mesh=mesh,
        out_type=[
            jax.ShapeDtypeStruct((B, STATE_DIM), jnp.float32),
            jax.ShapeDtypeStruct((B, STATE_DIM), jnp.float32),
        ],
        scratch_types=[
            pltpu.VMEM((CH // 128, 128), jnp.int32),
            pltpu.VMEM((SUB, OUT_PAD), jnp.float32),
            pltpu.SemaphoreType.DMA,
        ],
    )
    def gather_sel(outs_hbm, dest_hbm, ns_hbm, rwb_hbm, idx_v, r_v, sem):
        wid = lax.axis_index("s") * 2 + lax.axis_index("c")
        base = wid * CH
        pltpu.sync_copy(dest_hbm.at[wid], idx_v)
        for h in range(nsub):
            copies = [
                pltpu.async_copy(outs_hbm.at[idx_v.at[h * (SUB // 128) + k]],
                                 r_v.at[pl.ds(k * 128, 128)], sem)
                for k in range(SUB // 128)
            ]
            for c in copies:
                c.wait()
            pltpu.sync_copy(r_v.at[:, pl.ds(0, STATE_DIM)],
                            ns_hbm.at[pl.ds(base + h * SUB, SUB)])
            pltpu.sync_copy(r_v.at[:, pl.ds(STATE_DIM, STATE_DIM)],
                            rwb_hbm.at[pl.ds(base + h * SUB, SUB)])

    return gather_sel


@jax.jit
def kernel(state, action, W1, b1, W2, b2, W3, b3, idx):
    B = state.shape[0]
    NP = B + E * T_M
    CH = B // NW

    idx_sq = idx.astype(jnp.int32).reshape(128, B // 128)
    dest, be = _route(idx_sq, B, NP)
    dest3 = dest.reshape(NW, CH // 128, 128)

    action_p = jnp.pad(action, ((0, 0), (0, STATE_DIM - ACTION_DIM)))
    xs = _make_scatter_x(B, NP, CH)(state, action_p, dest3)

    W1b = W1.astype(jnp.bfloat16)
    W2b = W2.astype(jnp.bfloat16)
    W3b = jnp.pad(W3, ((0, 0), (0, 0), (0, OUT_PAD - OUT_DIM))).astype(jnp.bfloat16)
    b1r = b1.reshape(E, 1, HIDDEN)
    b2r = b2.reshape(E, 1, HIDDEN)
    b3r = jnp.pad(b3, ((0, 0), (0, OUT_PAD - OUT_DIM))).reshape(E, 1, OUT_PAD)

    outs = _grouped_mlp(be.reshape(NP // T_M), xs,
                        W1b, b1r, W2b, b2r, W3b, b3r, NP)

    next_state, rwb = _make_gather_sel(B, NP, CH)(outs, dest3)
    return (next_state, rwb[:, 0:1])

# --- scband reference (transcript-rebuilt; emitter-appended) ---
"""Pipeline reference for scband-dynamics-ensemble-13365938225568 (READ-ONLY COPY).

The authoritative reference and input builder live on the scoring server;
editing this copy changes nothing except your own understanding.
"""

import jax, jax.numpy as jnp
import numpy as np

STATE_DIM = 128
ACTION_DIM = 32
HIDDEN = 256
E = 8
B = 16384


def setup_inputs(seed: int = 0) -> dict:
    key = jax.random.key(seed)
    ks = jax.random.split(key, 8)
    in_dim = STATE_DIM + ACTION_DIM
    out_dim = STATE_DIM + 1
    state = jax.random.normal(ks[0], (B, STATE_DIM), dtype=jnp.float32)
    action = jax.random.normal(ks[1], (B, ACTION_DIM), dtype=jnp.float32)
    def init_w(k, shape, fan_in):
        return jax.random.normal(k, shape, dtype=jnp.float32) * (1.0 / np.sqrt(fan_in))
    W1 = init_w(ks[2], (E, in_dim, HIDDEN), in_dim)
    b1 = jnp.zeros((E, HIDDEN), dtype=jnp.float32)
    W2 = init_w(ks[3], (E, HIDDEN, HIDDEN), HIDDEN)
    b2 = jnp.zeros((E, HIDDEN), dtype=jnp.float32)
    W3 = init_w(ks[4], (E, HIDDEN, out_dim), HIDDEN)
    b3 = jnp.zeros((E, out_dim), dtype=jnp.float32)
    # per-sample ensemble member selection (torch uses torch.randint inside predict)
    idx = jax.random.randint(ks[5], (B,), 0, E)
    return {"state": state, "action": action, "W1": W1, "b1": b1, "W2": W2, "b2": b2, "W3": W3, "b3": b3, "idx": idx}


def reference(state, action, W1, b1, W2, b2, W3, b3, idx):
    # Each ensemble member is a 3-layer MLP: Linear-ReLU-Linear-ReLU-Linear.
    # torch masks the batch per model; here we compute all members and gather
    # each sample's selected member output -- identical per-element math.
    x = jnp.concatenate([state, action], axis=-1)  # [B, in_dim]
    h1 = jax.nn.relu(jnp.einsum('bi,eih->ebh', x, W1) + b1[:, None, :])
    h2 = jax.nn.relu(jnp.einsum('ebh,ehk->ebk', h1, W2) + b2[:, None, :])
    out = jnp.einsum('ebk,eko->ebo', h2, W3) + b3[:, None, :]  # [E, B, out_dim]
    sel = out[idx, jnp.arange(B)]  # gather per-sample expert output -> [B, out_dim]
    delta = sel[:, :STATE_DIM]
    reward = sel[:, STATE_DIM:]
    next_state = state + delta
    return (next_state, reward)

if __name__ == "__main__":
    import jax
    _d = setup_inputs()
    print(jax.jit(kernel)(*tuple(_d.values())))

</pallas_src>

<mosaic_0001>
#map = affine_map<(d0, d1) -> (0, 0)>
#map1 = affine_map<(d0, d1) -> (0, 0, 0)>
module attributes {stable_mosaic.version = 14 : i64} {
  func.func @gather_sel(%arg0: i32, %arg1: i32, %arg2: memref<24576x256xf32, #tpu.memory_space<hbm>>, %arg3: memref<32x4x128xi32, #tpu.memory_space<hbm>>, %arg4: memref<16384x128xf32, #tpu.memory_space<hbm>>, %arg5: memref<16384x128xf32, #tpu.memory_space<hbm>>, %arg6: memref<4x128xi32, #tpu.memory_space<vmem>>, %arg7: memref<256x256xf32, #tpu.memory_space<vmem>>, %arg8: memref<!tpu.dma_semaphore, #tpu.memory_space<semaphore_mem>>) attributes {dimension_semantics = [#tpu.dimension_semantics<core_parallel>, #tpu.dimension_semantics<subcore_parallel>], iteration_bounds = array<i64: 2, 16>, scalar_prefetch = 0 : i64, scratch_operands = 3 : i64, tpu.core_type = #tpu.core_type<sc_vector_subcore>, window_params = [{transform_indices = #map}, {transform_indices = #map1}, {transform_indices = #map}, {transform_indices = #map}]} {
    %mul3A = arith.constant 2 : i32
    %mul3A_0 = arith.muli %arg1, %mul3A : i32
    %add3A = arith.addi %mul3A_0, %arg0 : i32
    %mul3A_1 = arith.constant 512 : i32
    %mul3A_2 = arith.muli %add3A, %mul3A_1 : i32
    "tpu.region"() ({
      %run_scoped3A = tpu.sem_alloc : memref<!tpu.dma_semaphore, #tpu.memory_space<semaphore_mem>>
      %dma_start3A_89 = arith.constant 0 : i32
      %dma_start3A_90 = arith.constant 0 : i32
      %dma_start3A_91 = tpu.memref_slice %arg3[%add3A, %dma_start3A_89, %dma_start3A_90] : memref<32x4x128xi32, #tpu.memory_space<hbm>> -> memref<1x4x128xi32, #tpu.memory_space<hbm>>
      %dma_start3A_92 = tpu.memref_squeeze %dma_start3A_91 : memref<1x4x128xi32, #tpu.memory_space<hbm>> -> memref<4x128xi32, #tpu.memory_space<hbm>>
      %dma_start3A_93 = arith.constant 0 : i32
      %dma_start3A_94 = arith.constant 0 : i32
      %dma_start3A_95 = tpu.memref_slice %arg3[%add3A, %dma_start3A_93, %dma_start3A_94] : memref<32x4x128xi32, #tpu.memory_space<hbm>> -> memref<1x4x128xi32, #tpu.memory_space<hbm>>
      %dma_start3A_96 = tpu.memref_squeeze %dma_start3A_95 : memref<1x4x128xi32, #tpu.memory_space<hbm>> -> memref<4x128xi32, #tpu.memory_space<hbm>>
      tpu.enqueue_dma source(%dma_start3A_96 : memref<4x128xi32, #tpu.memory_space<hbm>>) target(%arg6 : memref<4x128xi32, #tpu.memory_space<vmem>>) target_semaphore(%run_scoped3A : memref<!tpu.dma_semaphore, #tpu.memory_space<semaphore_mem>>)
      %dma_wait3A_97 = arith.constant 0 : i32
      %dma_wait3A_98 = arith.constant 0 : i32
      %dma_wait3A_99 = tpu.memref_slice %arg3[%add3A, %dma_wait3A_97, %dma_wait3A_98] : memref<32x4x128xi32, #tpu.memory_space<hbm>> -> memref<1x4x128xi32, #tpu.memory_space<hbm>>
      %dma_wait3A_100 = tpu.memref_squeeze %dma_wait3A_99 : memref<1x4x128xi32, #tpu.memory_space<hbm>> -> memref<4x128xi32, #tpu.memory_space<hbm>>
      %dma_wait3A_101 = arith.constant 0 : i32
      %dma_wait3A_102 = arith.constant 0 : i32
      %dma_wait3A_103 = tpu.memref_slice %arg3[%add3A, %dma_wait3A_101, %dma_wait3A_102] : memref<32x4x128xi32, #tpu.memory_space<hbm>> -> memref<1x4x128xi32, #tpu.memory_space<hbm>>
      %dma_wait3A_104 = tpu.memref_squeeze %dma_wait3A_103 : memref<1x4x128xi32, #tpu.memory_space<hbm>> -> memref<4x128xi32, #tpu.memory_space<hbm>>
      tpu.wait_dma2 semaphore(%run_scoped3A : memref<!tpu.dma_semaphore, #tpu.memory_space<semaphore_mem>>) src(%dma_wait3A_104 : memref<4x128xi32, #tpu.memory_space<hbm>>) dst(%arg6 : memref<4x128xi32, #tpu.memory_space<vmem>>)
      tpu.yield
    }) : () -> ()
    %dma_start3A = arith.constant 0 : i32
    %dma_start3A_3 = arith.constant 0 : i32
    %dma_start3A_4 = arith.constant 0 : i32
    %dma_start3A_5 = tpu.memref_slice %arg7[%dma_start3A_3, %dma_start3A_4] : memref<256x256xf32, #tpu.memory_space<vmem>> -> memref<128x256xf32, #tpu.memory_space<vmem>>
    %dma_start3A_6 = arith.constant 0 : i32
    %dma_start3A_7 = tpu.memref_slice %arg6[%dma_start3A, %dma_start3A_6] : memref<4x128xi32, #tpu.memory_space<vmem>> -> memref<1x128xi32, #tpu.memory_space<vmem>>
    %dma_start3A_8 = tpu.memref_squeeze %dma_start3A_7 : memref<1x128xi32, #tpu.memory_space<vmem>> -> memref<128xi32, #tpu.memory_space<vmem>>
    %dma_start3A_9 = arith.constant 0 : i32
    %dma_start3A_10 = arith.constant 0 : i32
    %dma_start3A_11 = tpu.memref_slice %arg2[%dma_start3A_9, %dma_start3A_10] : memref<24576x256xf32, #tpu.memory_space<hbm>> -> memref<24576x256xf32, #tpu.memory_space<hbm>>
    tpu.enqueue_indirect_dma source(%dma_start3A_11 : memref<24576x256xf32, #tpu.memory_space<hbm>>) target(%dma_start3A_5 : memref<128x256xf32, #tpu.memory_space<vmem>>) offsets(%dma_start3A_8 : memref<128xi32, #tpu.memory_space<vmem>>) semaphore(%arg8 : memref<!tpu.dma_semaphore, #tpu.memory_space<semaphore_mem>>)
    %dma_start3A_12 = arith.constant 1 : i32
    %dma_start3A_13 = arith.constant 128 : i32
    %dma_start3A_14 = arith.constant 0 : i32
    %dma_start3A_15 = tpu.memref_slice %arg7[%dma_start3A_13, %dma_start3A_14] : memref<256x256xf32, #tpu.memory_space<vmem>> -> memref<128x256xf32, #tpu.memory_space<vmem>>
    %dma_start3A_16 = arith.constant 0 : i32
    %dma_start3A_17 = tpu.memref_slice %arg6[%dma_start3A_12, %dma_start3A_16] : memref<4x128xi32, #tpu.memory_space<vmem>> -> memref<1x128xi32, #tpu.memory_space<vmem>>
    %dma_start3A_18 = tpu.memref_squeeze %dma_start3A_17 : memref<1x128xi32, #tpu.memory_space<vmem>> -> memref<128xi32, #tpu.memory_space<vmem>>
    %dma_start3A_19 = arith.constant 0 : i32
    %dma_start3A_20 = arith.constant 0 : i32
    %dma_start3A_21 = tpu.memref_slice %arg2[%dma_start3A_19, %dma_start3A_20] : memref<24576x256xf32, #tpu.memory_space<hbm>> -> memref<24576x256xf32, #tpu.memory_space<hbm>>
    tpu.enqueue_indirect_dma source(%dma_start3A_21 : memref<24576x256xf32, #tpu.memory_space<hbm>>) target(%dma_start3A_15 : memref<128x256xf32, #tpu.memory_space<vmem>>) offsets(%dma_start3A_18 : memref<128xi32, #tpu.memory_space<vmem>>) semaphore(%arg8 : memref<!tpu.dma_semaphore, #tpu.memory_space<semaphore_mem>>)
    %dma_wait3A = arith.constant 0 : i32
    %dma_wait3A_22 = arith.constant 0 : i32
    %dma_wait3A_23 = arith.constant 0 : i32
    %dma_wait3A_24 = tpu.memref_slice %arg7[%dma_wait3A_22, %dma_wait3A_23] : memref<256x256xf32, #tpu.memory_space<vmem>> -> memref<128x256xf32, #tpu.memory_space<vmem>>
    %dma_wait3A_25 = arith.constant 0 : i32
    %dma_wait3A_26 = tpu.memref_slice %arg6[%dma_wait3A, %dma_wait3A_25] : memref<4x128xi32, #tpu.memory_space<vmem>> -> memref<1x128xi32, #tpu.memory_space<vmem>>
    %dma_wait3A_27 = tpu.memref_squeeze %dma_wait3A_26 : memref<1x128xi32, #tpu.memory_space<vmem>> -> memref<128xi32, #tpu.memory_space<vmem>>
    %dma_wait3A_28 = arith.constant 0 : i32
    %dma_wait3A_29 = arith.constant 0 : i32
    %dma_wait3A_30 = tpu.memref_slice %arg2[%dma_wait3A_28, %dma_wait3A_29] : memref<24576x256xf32, #tpu.memory_space<hbm>> -> memref<24576x256xf32, #tpu.memory_space<hbm>>
    tpu.wait_indirect_dma semaphore(%arg8 : memref<!tpu.dma_semaphore, #tpu.memory_space<semaphore_mem>>) src(%dma_wait3A_30 : memref<24576x256xf32, #tpu.memory_space<hbm>>) dst(%dma_wait3A_24 : memref<128x256xf32, #tpu.memory_space<vmem>>)
    %dma_wait3A_31 = arith.constant 1 : i32
    %dma_wait3A_32 = arith.constant 128 : i32
    %dma_wait3A_33 = arith.constant 0 : i32
    %dma_wait3A_34 = tpu.memref_slice %arg7[%dma_wait3A_32, %dma_wait3A_33] : memref<256x256xf32, #tpu.memory_space<vmem>> -> memref<128x256xf32, #tpu.memory_space<vmem>>
    %dma_wait3A_35 = arith.constant 0 : i32
    %dma_wait3A_36 = tpu.memref_slice %arg6[%dma_wait3A_31, %dma_wait3A_35] : memref<4x128xi32, #tpu.memory_space<vmem>> -> memref<1x128xi32, #tpu.memory_space<vmem>>
    %dma_wait3A_37 = tpu.memref_squeeze %dma_wait3A_36 : memref<1x128xi32, #tpu.memory_space<vmem>> -> memref<128xi32, #tpu.memory_space<vmem>>
    %dma_wait3A_38 = arith.constant 0 : i32
    %dma_wait3A_39 = arith.constant 0 : i32
    %dma_wait3A_40 = tpu.memref_slice %arg2[%dma_wait3A_38, %dma_wait3A_39] : memref<24576x256xf32, #tpu.memory_space<hbm>> -> memref<24576x256xf32, #tpu.memory_space<hbm>>
    tpu.wait_indirect_dma semaphore(%arg8 : memref<!tpu.dma_semaphore, #tpu.memory_space<semaphore_mem>>) src(%dma_wait3A_40 : memref<24576x256xf32, #tpu.memory_space<hbm>>) dst(%dma_wait3A_34 : memref<128x256xf32, #tpu.memory_space<vmem>>)
    %add3A_41 = arith.constant 0 : i32
    %add3A_42 = arith.addi %mul3A_2, %add3A_41 : i32
    "tpu.region"() ({
      %run_scoped3A = tpu.sem_alloc : memref<!tpu.dma_semaphore, #tpu.memory_space<semaphore_mem>>
      %dma_start3A_89 = arith.constant 0 : i32
      %dma_start3A_90 = arith.constant 0 : i32
      %dma_start3A_91 = tpu.memref_slice %arg7[%dma_start3A_89, %dma_start3A_90] : memref<256x256xf32, #tpu.memory_space<vmem>> -> memref<256x128xf32, #tpu.memory_space<vmem>>
      %dma_start3A_92 = arith.constant 0 : i32
      %dma_start3A_93 = tpu.memref_slice %arg4[%add3A_42, %dma_start3A_92] : memref<16384x128xf32, #tpu.memory_space<hbm>> -> memref<256x128xf32, #tpu.memory_space<hbm>>
      %dma_start3A_94 = arith.constant 0 : i32
      %dma_start3A_95 = tpu.memref_slice %arg4[%add3A_42, %dma_start3A_94] : memref<16384x128xf32, #tpu.memory_space<hbm>> -> memref<256x128xf32, #tpu.memory_space<hbm>>
      %dma_start3A_96 = arith.constant 0 : i32
      %dma_start3A_97 = arith.constant 0 : i32
      %dma_start3A_98 = tpu.memref_slice %arg7[%dma_start3A_96, %dma_start3A_97] : memref<256x256xf32, #tpu.memory_space<vmem>> -> memref<256x128xf32, #tpu.memory_space<vmem>>
      tpu.enqueue_dma source(%dma_start3A_98 : memref<256x128xf32, #tpu.memory_space<vmem>>) target(%dma_start3A_95 : memref<256x128xf32, #tpu.memory_space<hbm>>) target_semaphore(%run_scoped3A : memref<!tpu.dma_semaphore, #tpu.memory_space<semaphore_mem>>)
      %dma_wait3A_99 = arith.constant 0 : i32
      %dma_wait3A_100 = arith.constant 0 : i32
      %dma_wait3A_101 = tpu.memref_slice %arg7[%dma_wait3A_99, %dma_wait3A_100] : memref<256x256xf32, #tpu.memory_space<vmem>> -> memref<256x128xf32, #tpu.memory_space<vmem>>
      %dma_wait3A_102 = arith.constant 0 : i32
      %dma_wait3A_103 = tpu.memref_slice %arg4[%add3A_42, %dma_wait3A_102] : memref<16384x128xf32, #tpu.memory_space<hbm>> -> memref<256x128xf32, #tpu.memory_space<hbm>>
      %dma_wait3A_104 = arith.constant 0 : i32
      %dma_wait3A_105 = tpu.memref_slice %arg4[%add3A_42, %dma_wait3A_104] : memref<16384x128xf32, #tpu.memory_space<hbm>> -> memref<256x128xf32, #tpu.memory_space<hbm>>
      %dma_wait3A_106 = arith.constant 0 : i32
      %dma_wait3A_107 = arith.constant 0 : i32
      %dma_wait3A_108 = tpu.memref_slice %arg7[%dma_wait3A_106, %dma_wait3A_107] : memref<256x256xf32, #tpu.memory_space<vmem>> -> memref<256x128xf32, #tpu.memory_space<vmem>>
      tpu.wait_dma2 semaphore(%run_scoped3A : memref<!tpu.dma_semaphore, #tpu.memory_space<semaphore_mem>>) src(%dma_wait3A_108 : memref<256x128xf32, #tpu.memory_space<vmem>>) dst(%dma_wait3A_105 : memref<256x128xf32, #tpu.memory_space<hbm>>)
      tpu.yield
    }) : () -> ()
    %add3A_43 = arith.constant 0 : i32
    %add3A_44 = arith.addi %mul3A_2, %add3A_43 : i32
    "tpu.region"() ({
      %run_scoped3A = tpu.sem_alloc : memref<!tpu.dma_semaphore, #tpu.memory_space<semaphore_mem>>
      %dma_start3A_89 = arith.constant 0 : i32
      %dma_start3A_90 = arith.constant 128 : i32
      %dma_start3A_91 = tpu.memref_slice %arg7[%dma_start3A_89, %dma_start3A_90] : memref<256x256xf32, #tpu.memory_space<vmem>> -> memref<256x128xf32, #tpu.memory_space<vmem>>
      %dma_start3A_92 = arith.constant 0 : i32
      %dma_start3A_93 = tpu.memref_slice %arg5[%add3A_44, %dma_start3A_92] : memref<16384x128xf32, #tpu.memory_space<hbm>> -> memref<256x128xf32, #tpu.memory_space<hbm>>
      %dma_start3A_94 = arith.constant 0 : i32
      %dma_start3A_95 = tpu.memref_slice %arg5[%add3A_44, %dma_start3A_94] : memref<16384x128xf32, #tpu.memory_space<hbm>> -> memref<256x128xf32, #tpu.memory_space<hbm>>
      %dma_start3A_96 = arith.constant 0 : i32
      %dma_start3A_97 = arith.constant 128 : i32
      %dma_start3A_98 = tpu.memref_slice %arg7[%dma_start3A_96, %dma_start3A_97] : memref<256x256xf32, #tpu.memory_space<vmem>> -> memref<256x128xf32, #tpu.memory_space<vmem>>
      tpu.enqueue_dma source(%dma_start3A_98 : memref<256x128xf32, #tpu.memory_space<vmem>>) target(%dma_start3A_95 : memref<256x128xf32, #tpu.memory_space<hbm>>) target_semaphore(%run_scoped3A : memref<!tpu.dma_semaphore, #tpu.memory_space<semaphore_mem>>)
      %dma_wait3A_99 = arith.constant 0 : i32
      %dma_wait3A_100 = arith.constant 128 : i32
      %dma_wait3A_101 = tpu.memref_slice %arg7[%dma_wait3A_99, %dma_wait3A_100] : memref<256x256xf32, #tpu.memory_space<vmem>> -> memref<256x128xf32, #tpu.memory_space<vmem>>
      %dma_wait3A_102 = arith.constant 0 : i32
      %dma_wait3A_103 = tpu.memref_slice %arg5[%add3A_44, %dma_wait3A_102] : memref<16384x128xf32, #tpu.memory_space<hbm>> -> memref<256x128xf32, #tpu.memory_space<hbm>>
      %dma_wait3A_104 = arith.constant 0 : i32
      %dma_wait3A_105 = tpu.memref_slice %arg5[%add3A_44, %dma_wait3A_104] : memref<16384x128xf32, #tpu.memory_space<hbm>> -> memref<256x128xf32, #tpu.memory_space<hbm>>
      %dma_wait3A_106 = arith.constant 0 : i32
      %dma_wait3A_107 = arith.constant 128 : i32
      %dma_wait3A_108 = tpu.memref_slice %arg7[%dma_wait3A_106, %dma_wait3A_107] : memref<256x256xf32, #tpu.memory_space<vmem>> -> memref<256x128xf32, #tpu.memory_space<vmem>>
      tpu.wait_dma2 semaphore(%run_scoped3A : memref<!tpu.dma_semaphore, #tpu.memory_space<semaphore_mem>>) src(%dma_wait3A_108 : memref<256x128xf32, #tpu.memory_space<vmem>>) dst(%dma_wait3A_105 : memref<256x128xf32, #tpu.memory_space<hbm>>)
      tpu.yield
    }) : () -> ()
    %dma_start3A_45 = arith.constant 2 : i32
    %dma_start3A_46 = arith.constant 0 : i32
    %dma_start3A_47 = arith.constant 0 : i32
    %dma_start3A_48 = tpu.memref_slice %arg7[%dma_start3A_46, %dma_start3A_47] : memref<256x256xf32, #tpu.memory_space<vmem>> -> memref<128x256xf32, #tpu.memory_space<vmem>>
    %dma_start3A_49 = arith.constant 0 : i32
    %dma_start3A_50 = tpu.memref_slice %arg6[%dma_start3A_45, %dma_start3A_49] : memref<4x128xi32, #tpu.memory_space<vmem>> -> memref<1x128xi32, #tpu.memory_space<vmem>>
    %dma_start3A_51 = tpu.memref_squeeze %dma_start3A_50 : memref<1x128xi32, #tpu.memory_space<vmem>> -> memref<128xi32, #tpu.memory_space<vmem>>
    %dma_start3A_52 = arith.constant 0 : i32
    %dma_start3A_53 = arith.constant 0 : i32
    %dma_start3A_54 = tpu.memref_slice %arg2[%dma_start3A_52, %dma_start3A_53] : memref<24576x256xf32, #tpu.memory_space<hbm>> -> memref<24576x256xf32, #tpu.memory_space<hbm>>
    tpu.enqueue_indirect_dma source(%dma_start3A_54 : memref<24576x256xf32, #tpu.memory_space<hbm>>) target(%dma_start3A_48 : memref<128x256xf32, #tpu.memory_space<vmem>>) offsets(%dma_start3A_51 : memref<128xi32, #tpu.memory_space<vmem>>) semaphore(%arg8 : memref<!tpu.dma_semaphore, #tpu.memory_space<semaphore_mem>>)
    %dma_start3A_55 = arith.constant 3 : i32
    %dma_start3A_56 = arith.constant 128 : i32
    %dma_start3A_57 = arith.constant 0 : i32
    %dma_start3A_58 = tpu.memref_slice %arg7[%dma_start3A_56, %dma_start3A_57] : memref<256x256xf32, #tpu.memory_space<vmem>> -> memref<128x256xf32, #tpu.memory_space<vmem>>
    %dma_start3A_59 = arith.constant 0 : i32
    %dma_start3A_60 = tpu.memref_slice %arg6[%dma_start3A_55, %dma_start3A_59] : memref<4x128xi32, #tpu.memory_space<vmem>> -> memref<1x128xi32, #tpu.memory_space<vmem>>
    %dma_start3A_61 = tpu.memref_squeeze %dma_start3A_60 : memref<1x128xi32, #tpu.memory_space<vmem>> -> memref<128xi32, #tpu.memory_space<vmem>>
    %dma_start3A_62 = arith.constant 0 : i32
    %dma_start3A_63 = arith.constant 0 : i32
    %dma_start3A_64 = tpu.memref_slice %arg2[%dma_start3A_62, %dma_start3A_63] : memref<24576x256xf32, #tpu.memory_space<hbm>> -> memref<24576x256xf32, #tpu.memory_space<hbm>>
    tpu.enqueue_indirect_dma source(%dma_start3A_64 : memref<24576x256xf32, #tpu.memory_space<hbm>>) target(%dma_start3A_58 : memref<128x256xf32, #tpu.memory_space<vmem>>) offsets(%dma_start3A_61 : memref<128xi32, #tpu.memory_space<vmem>>) semaphore(%arg8 : memref<!tpu.dma_semaphore, #tpu.memory_space<semaphore_mem>>)
    %dma_wait3A_65 = arith.constant 2 : i32
    %dma_wait3A_66 = arith.constant 0 : i32
    %dma_wait3A_67 = arith.constant 0 : i32
    %dma_wait3A_68 = tpu.memref_slice %arg7[%dma_wait3A_66, %dma_wait3A_67] : memref<256x256xf32, #tpu.memory_space<vmem>> -> memref<128x256xf32, #tpu.memory_space<vmem>>
    %dma_wait3A_69 = arith.constant 0 : i32
    %dma_wait3A_70 = tpu.memref_slice %arg6[%dma_wait3A_65, %dma_wait3A_69] : memref<4x128xi32, #tpu.memory_space<vmem>> -> memref<1x128xi32, #tpu.memory_space<vmem>>
    %dma_wait3A_71 = tpu.memref_squeeze %dma_wait3A_70 : memref<1x128xi32, #tpu.memory_space<vmem>> -> memref<128xi32, #tpu.memory_space<vmem>>
    %dma_wait3A_72 = arith.constant 0 : i32
    %dma_wait3A_73 = arith.constant 0 : i32
    %dma_wait3A_74 = tpu.memref_slice %arg2[%dma_wait3A_72, %dma_wait3A_73] : memref<24576x256xf32, #tpu.memory_space<hbm>> -> memref<24576x256xf32, #tpu.memory_space<hbm>>
    tpu.wait_indirect_dma semaphore(%arg8 : memref<!tpu.dma_semaphore, #tpu.memory_space<semaphore_mem>>) src(%dma_wait3A_74 : memref<24576x256xf32, #tpu.memory_space<hbm>>) dst(%dma_wait3A_68 : memref<128x256xf32, #tpu.memory_space<vmem>>)
    %dma_wait3A_75 = arith.constant 3 : i32
    %dma_wait3A_76 = arith.constant 128 : i32
    %dma_wait3A_77 = arith.constant 0 : i32
    %dma_wait3A_78 = tpu.memref_slice %arg7[%dma_wait3A_76, %dma_wait3A_77] : memref<256x256xf32, #tpu.memory_space<vmem>> -> memref<128x256xf32, #tpu.memory_space<vmem>>
    %dma_wait3A_79 = arith.constant 0 : i32
    %dma_wait3A_80 = tpu.memref_slice %arg6[%dma_wait3A_75, %dma_wait3A_79] : memref<4x128xi32, #tpu.memory_space<vmem>> -> memref<1x128xi32, #tpu.memory_space<vmem>>
    %dma_wait3A_81 = tpu.memref_squeeze %dma_wait3A_80 : memref<1x128xi32, #tpu.memory_space<vmem>> -> memref<128xi32, #tpu.memory_space<vmem>>
    %dma_wait3A_82 = arith.constant 0 : i32
    %dma_wait3A_83 = arith.constant 0 : i32
    %dma_wait3A_84 = tpu.memref_slice %arg2[%dma_wait3A_82, %dma_wait3A_83] : memref<24576x256xf32, #tpu.memory_space<hbm>> -> memref<24576x256xf32, #tpu.memory_space<hbm>>
    tpu.wait_indirect_dma semaphore(%arg8 : memref<!tpu.dma_semaphore, #tpu.memory_space<semaphore_mem>>) src(%dma_wait3A_84 : memref<24576x256xf32, #tpu.memory_space<hbm>>) dst(%dma_wait3A_78 : memref<128x256xf32, #tpu.memory_space<vmem>>)
    %add3A_85 = arith.constant 256 : i32
    %add3A_86 = arith.addi %mul3A_2, %add3A_85 : i32
    "tpu.region"() ({
      %run_scoped3A = tpu.sem_alloc : memref<!tpu.dma_semaphore, #tpu.memory_space<semaphore_mem>>
      %dma_start3A_89 = arith.constant 0 : i32
      %dma_start3A_90 = arith.constant 0 : i32
      %dma_start3A_91 = tpu.memref_slice %arg7[%dma_start3A_89, %dma_start3A_90] : memref<256x256xf32, #tpu.memory_space<vmem>> -> memref<256x128xf32, #tpu.memory_space<vmem>>
      %dma_start3A_92 = arith.constant 0 : i32
      %dma_start3A_93 = tpu.memref_slice %arg4[%add3A_86, %dma_start3A_92] : memref<16384x128xf32, #tpu.memory_space<hbm>> -> memref<256x128xf32, #tpu.memory_space<hbm>>
      %dma_start3A_94 = arith.constant 0 : i32
      %dma_start3A_95 = tpu.memref_slice %arg4[%add3A_86, %dma_start3A_94] : memref<16384x128xf32, #tpu.memory_space<hbm>> -> memref<256x128xf32, #tpu.memory_space<hbm>>
      %dma_start3A_96 = arith.constant 0 : i32
      %dma_start3A_97 = arith.constant 0 : i32
      %dma_start3A_98 = tpu.memref_slice %arg7[%dma_start3A_96, %dma_start3A_97] : memref<256x256xf32, #tpu.memory_space<vmem>> -> memref<256x128xf32, #tpu.memory_space<vmem>>
      tpu.enqueue_dma source(%dma_start3A_98 : memref<256x128xf32, #tpu.memory_space<vmem>>) target(%dma_start3A_95 : memref<256x128xf32, #tpu.memory_space<hbm>>) target_semaphore(%run_scoped3A : memref<!tpu.dma_semaphore, #tpu.memory_space<semaphore_mem>>)
      %dma_wait3A_99 = arith.constant 0 : i32
      %dma_wait3A_100 = arith.constant 0 : i32
      %dma_wait3A_101 = tpu.memref_slice %arg7[%dma_wait3A_99, %dma_wait3A_100] : memref<256x256xf32, #tpu.memory_space<vmem>> -> memref<256x128xf32, #tpu.memory_space<vmem>>
      %dma_wait3A_102 = arith.constant 0 : i32
      %dma_wait3A_103 = tpu.memref_slice %arg4[%add3A_86, %dma_wait3A_102] : memref<16384x128xf32, #tpu.memory_space<hbm>> -> memref<256x128xf32, #tpu.memory_space<hbm>>
      %dma_wait3A_104 = arith.constant 0 : i32
      %dma_wait3A_105 = tpu.memref_slice %arg4[%add3A_86, %dma_wait3A_104] : memref<16384x128xf32, #tpu.memory_space<hbm>> -> memref<256x128xf32, #tpu.memory_space<hbm>>
      %dma_wait3A_106 = arith.constant 0 : i32
      %dma_wait3A_107 = arith.constant 0 : i32
      %dma_wait3A_108 = tpu.memref_slice %arg7[%dma_wait3A_106, %dma_wait3A_107] : memref<256x256xf32, #tpu.memory_space<vmem>> -> memref<256x128xf32, #tpu.memory_space<vmem>>
      tpu.wait_dma2 semaphore(%run_scoped3A : memref<!tpu.dma_semaphore, #tpu.memory_space<semaphore_mem>>) src(%dma_wait3A_108 : memref<256x128xf32, #tpu.memory_space<vmem>>) dst(%dma_wait3A_105 : memref<256x128xf32, #tpu.memory_space<hbm>>)
      tpu.yield
    }) : () -> ()
    %add3A_87 = arith.constant 256 : i32
    %add3A_88 = arith.addi %mul3A_2, %add3A_87 : i32
    "tpu.region"() ({
      %run_scoped3A = tpu.sem_alloc : memref<!tpu.dma_semaphore, #tpu.memory_space<semaphore_mem>>
      %dma_start3A_89 = arith.constant 0 : i32
      %dma_start3A_90 = arith.constant 128 : i32
      %dma_start3A_91 = tpu.memref_slice %arg7[%dma_start3A_89, %dma_start3A_90] : memref<256x256xf32, #tpu.memory_space<vmem>> -> memref<256x128xf32, #tpu.memory_space<vmem>>
      %dma_start3A_92 = arith.constant 0 : i32
      %dma_start3A_93 = tpu.memref_slice %arg5[%add3A_88, %dma_start3A_92] : memref<16384x128xf32, #tpu.memory_space<hbm>> -> memref<256x128xf32, #tpu.memory_space<hbm>>
      %dma_start3A_94 = arith.constant 0 : i32
      %dma_start3A_95 = tpu.memref_slice %arg5[%add3A_88, %dma_start3A_94] : memref<16384x128xf32, #tpu.memory_space<hbm>> -> memref<256x128xf32, #tpu.memory_space<hbm>>
      %dma_start3A_96 = arith.constant 0 : i32
      %dma_start3A_97 = arith.constant 128 : i32
      %dma_start3A_98 = tpu.memref_slice %arg7[%dma_start3A_96, %dma_start3A_97] : memref<256x256xf32, #tpu.memory_space<vmem>> -> memref<256x128xf32, #tpu.memory_space<vmem>>
      tpu.enqueue_dma source(%dma_start3A_98 : memref<256x128xf32, #tpu.memory_space<vmem>>) target(%dma_start3A_95 : memref<256x128xf32, #tpu.memory_space<hbm>>) target_semaphore(%run_scoped3A : memref<!tpu.dma_semaphore, #tpu.memory_space<semaphore_mem>>)
      %dma_wait3A_99 = arith.constant 0 : i32
      %dma_wait3A_100 = arith.constant 128 : i32
      %dma_wait3A_101 = tpu.memref_slice %arg7[%dma_wait3A_99, %dma_wait3A_100] : memref<256x256xf32, #tpu.memory_space<vmem>> -> memref<256x128xf32, #tpu.memory_space<vmem>>
      %dma_wait3A_102 = arith.constant 0 : i32
      %dma_wait3A_103 = tpu.memref_slice %arg5[%add3A_88, %dma_wait3A_102] : memref<16384x128xf32, #tpu.memory_space<hbm>> -> memref<256x128xf32, #tpu.memory_space<hbm>>
      %dma_wait3A_104 = arith.constant 0 : i32
      %dma_wait3A_105 = tpu.memref_slice %arg5[%add3A_88, %dma_wait3A_104] : memref<16384x128xf32, #tpu.memory_space<hbm>> -> memref<256x128xf32, #tpu.memory_space<hbm>>
      %dma_wait3A_106 = arith.constant 0 : i32
      %dma_wait3A_107 = arith.constant 128 : i32
      %dma_wait3A_108 = tpu.memref_slice %arg7[%dma_wait3A_106, %dma_wait3A_107] : memref<256x256xf32, #tpu.memory_space<vmem>> -> memref<256x128xf32, #tpu.memory_space<vmem>>
      tpu.wait_dma2 semaphore(%run_scoped3A : memref<!tpu.dma_semaphore, #tpu.memory_space<semaphore_mem>>) src(%dma_wait3A_108 : memref<256x128xf32, #tpu.memory_space<vmem>>) dst(%dma_wait3A_105 : memref<256x128xf32, #tpu.memory_space<hbm>>)
      tpu.yield
    }) : () -> ()
    return
  }
}

#map = affine_map<(d0, d1) -> (0, 0)>
#map1 = affine_map<(d0, d1) -> (0, 0, 0)>
module attributes {stable_mosaic.version = 14 : i64} {
  func.func @scatter_x(%arg0: i32, %arg1: i32, %arg2: memref<16384x128xf32, #tpu.memory_space<hbm>>, %arg3: memref<16384x128xf32, #tpu.memory_space<hbm>>, %arg4: memref<32x4x128xi32, #tpu.memory_space<hbm>>, %arg5: memref<24576x256xf32, #tpu.memory_space<hbm>>, %arg6: memref<4x128xi32, #tpu.memory_space<vmem>>, %arg7: memref<128x256xf32, #tpu.memory_space<vmem>>, %arg8: memref<128x256xf32, #tpu.memory_space<vmem>>, %arg9: memref<!tpu.dma_semaphore, #tpu.memory_space<semaphore_mem>>, %arg10: memref<!tpu.dma_semaphore, #tpu.memory_space<semaphore_mem>>, %arg11: memref<!tpu.dma_semaphore, #tpu.memory_space<semaphore_mem>>, %arg12: memref<!tpu.dma_semaphore, #tpu.memory_space<semaphore_mem>>) attributes {dimension_semantics = [#tpu.dimension_semantics<core_parallel>, #tpu.dimension_semantics<subcore_parallel>], iteration_bounds = array<i64: 2, 16>, scalar_prefetch = 0 : i64, scratch_operands = 7 : i64, tpu.core_type = #tpu.core_type<sc_vector_subcore>, window_params = [{transform_indices = #map}, {transform_indices = #map}, {transform_indices = #map1}, {transform_indices = #map}]} {
    %mul3A = arith.constant 2 : i32
    %mul3A_0 = arith.muli %arg1, %mul3A : i32
    %add3A = arith.addi %mul3A_0, %arg0 : i32
    %mul3A_1 = arith.constant 512 : i32
    %mul3A_2 = arith.muli %add3A, %mul3A_1 : i32
    "tpu.region"() ({
      %run_scoped3A = tpu.sem_alloc : memref<!tpu.dma_semaphore, #tpu.memory_space<semaphore_mem>>
      %dma_start3A_225 = arith.constant 0 : i32
      %dma_start3A_226 = arith.constant 0 : i32
      %dma_start3A_227 = tpu.memref_slice %arg4[%add3A, %dma_start3A_225, %dma_start3A_226] : memref<32x4x128xi32, #tpu.memory_space<hbm>> -> memref<1x4x128xi32, #tpu.memory_space<hbm>>
      %dma_start3A_228 = tpu.memref_squeeze %dma_start3A_227 : memref<1x4x128xi32, #tpu.memory_space<hbm>> -> memref<4x128xi32, #tpu.memory_space<hbm>>
      %dma_start3A_229 = arith.constant 0 : i32
      %dma_start3A_230 = arith.constant 0 : i32
      %dma_start3A_231 = tpu.memref_slice %arg4[%add3A, %dma_start3A_229, %dma_start3A_230] : memref<32x4x128xi32, #tpu.memory_space<hbm>> -> memref<1x4x128xi32, #tpu.memory_space<hbm>>
      %dma_start3A_232 = tpu.memref_squeeze %dma_start3A_231 : memref<1x4x128xi32, #tpu.memory_space<hbm>> -> memref<4x128xi32, #tpu.memory_space<hbm>>
      tpu.enqueue_dma source(%dma_start3A_232 : memref<4x128xi32, #tpu.memory_space<hbm>>) target(%arg6 : memref<4x128xi32, #tpu.memory_space<vmem>>) target_semaphore(%run_scoped3A : memref<!tpu.dma_semaphore, #tpu.memory_space<semaphore_mem>>)
      %dma_wait3A_233 = arith.constant 0 : i32
      %dma_wait3A_234 = arith.constant 0 : i32
      %dma_wait3A_235 = tpu.memref_slice %arg4[%add3A, %dma_wait3A_233, %dma_wait3A_234] : memref<32x4x128xi32, #tpu.memory_space<hbm>> -> memref<1x4x128xi32, #tpu.memory_space<hbm>>
      %dma_wait3A_236 = tpu.memref_squeeze %dma_wait3A_235 : memref<1x4x128xi32, #tpu.memory_space<hbm>> -> memref<4x128xi32, #tpu.memory_space<hbm>>
      %dma_wait3A_237 = arith.constant 0 : i32
      %dma_wait3A_238 = arith.constant 0 : i32
      %dma_wait3A_239 = tpu.memref_slice %arg4[%add3A, %dma_wait3A_237, %dma_wait3A_238] : memref<32x4x128xi32, #tpu.memory_space<hbm>> -> memref<1x4x128xi32, #tpu.memory_space<hbm>>
      %dma_wait3A_240 = tpu.memref_squeeze %dma_wait3A_239 : memref<1x4x128xi32, #tpu.memory_space<hbm>> -> memref<4x128xi32, #tpu.memory_space<hbm>>
      tpu.wait_dma2 semaphore(%run_scoped3A : memref<!tpu.dma_semaphore, #tpu.memory_space<semaphore_mem>>) src(%dma_wait3A_240 : memref<4x128xi32, #tpu.memory_space<hbm>>) dst(%arg6 : memref<4x128xi32, #tpu.memory_space<vmem>>)
      tpu.yield
    }) : () -> ()
    %add3A_3 = arith.constant 0 : i32
    %add3A_4 = arith.addi %mul3A_2, %add3A_3 : i32
    %dma_start3A = arith.constant 0 : i32
    %dma_start3A_5 = arith.constant 0 : i32
    %dma_start3A_6 = tpu.memref_slice %arg7[%dma_start3A, %dma_start3A_5] : memref<128x256xf32, #tpu.memory_space<vmem>> -> memref<128x128xf32, #tpu.memory_space<vmem>>
    %dma_start3A_7 = arith.constant 0 : i32
    %dma_start3A_8 = tpu.memref_slice %arg2[%add3A_4, %dma_start3A_7] : memref<16384x128xf32, #tpu.memory_space<hbm>> -> memref<128x128xf32, #tpu.memory_space<hbm>>
    %dma_start3A_9 = arith.constant 0 : i32
    %dma_start3A_10 = arith.constant 0 : i32
    %dma_start3A_11 = tpu.memref_slice %arg7[%dma_start3A_9, %dma_start3A_10] : memref<128x256xf32, #tpu.memory_space<vmem>> -> memref<128x128xf32, #tpu.memory_space<vmem>>
    %dma_start3A_12 = arith.constant 0 : i32
    %dma_start3A_13 = tpu.memref_slice %arg2[%add3A_4, %dma_start3A_12] : memref<16384x128xf32, #tpu.memory_space<hbm>> -> memref<128x128xf32, #tpu.memory_space<hbm>>
    tpu.enqueue_dma source(%dma_start3A_13 : memref<128x128xf32, #tpu.memory_space<hbm>>) target(%dma_start3A_11 : memref<128x128xf32, #tpu.memory_space<vmem>>) target_semaphore(%arg11 : memref<!tpu.dma_semaphore, #tpu.memory_space<semaphore_mem>>)
    %dma_start3A_14 = arith.constant 0 : i32
    %dma_start3A_15 = arith.constant 128 : i32
    %dma_start3A_16 = tpu.memref_slice %arg7[%dma_start3A_14, %dma_start3A_15] : memref<128x256xf32, #tpu.memory_space<vmem>> -> memref<128x128xf32, #tpu.memory_space<vmem>>
    %dma_start3A_17 = arith.constant 0 : i32
    %dma_start3A_18 = tpu.memref_slice %arg3[%add3A_4, %dma_start3A_17] : memref<16384x128xf32, #tpu.memory_space<hbm>> -> memref<128x128xf32, #tpu.memory_space<hbm>>
    %dma_start3A_19 = arith.constant 0 : i32
    %dma_start3A_20 = arith.constant 128 : i32
    %dma_start3A_21 = tpu.memref_slice %arg7[%dma_start3A_19, %dma_start3A_20] : memref<128x256xf32, #tpu.memory_space<vmem>> -> memref<128x128xf32, #tpu.memory_space<vmem>>
    %dma_start3A_22 = arith.constant 0 : i32
    %dma_start3A_23 = tpu.memref_slice %arg3[%add3A_4, %dma_start3A_22] : memref<16384x128xf32, #tpu.memory_space<hbm>> -> memref<128x128xf32, #tpu.memory_space<hbm>>
    tpu.enqueue_dma source(%dma_start3A_23 : memref<128x128xf32, #tpu.memory_space<hbm>>) target(%dma_start3A_21 : memref<128x128xf32, #tpu.memory_space<vmem>>) target_semaphore(%arg11 : memref<!tpu.dma_semaphore, #tpu.memory_space<semaphore_mem>>)
    %dma_wait3A = arith.constant 0 : i32
    %dma_wait3A_24 = arith.constant 0 : i32
    %dma_wait3A_25 = tpu.memref_slice %arg7[%dma_wait3A, %dma_wait3A_24] : memref<128x256xf32, #tpu.memory_space<vmem>> -> memref<128x128xf32, #tpu.memory_space<vmem>>
    %dma_wait3A_26 = arith.constant 0 : i32
    %dma_wait3A_27 = tpu.memref_slice %arg2[%add3A_4, %dma_wait3A_26] : memref<16384x128xf32, #tpu.memory_space<hbm>> -> memref<128x128xf32, #tpu.memory_space<hbm>>
    %dma_wait3A_28 = arith.constant 0 : i32
    %dma_wait3A_29 = arith.constant 0 : i32
    %dma_wait3A_30 = tpu.memref_slice %arg7[%dma_wait3A_28, %dma_wait3A_29] : memref<128x256xf32, #tpu.memory_space<vmem>> -> memref<128x128xf32, #tpu.memory_space<vmem>>
    %dma_wait3A_31 = arith.constant 0 : i32
    %dma_wait3A_32 = tpu.memref_slice %arg2[%add3A_4, %dma_wait3A_31] : memref<16384x128xf32, #tpu.memory_space<hbm>> -> memref<128x128xf32, #tpu.memory_space<hbm>>
    tpu.wait_dma2 semaphore(%arg11 : memref<!tpu.dma_semaphore, #tpu.memory_space<semaphore_mem>>) src(%dma_wait3A_32 : memref<128x128xf32, #tpu.memory_space<hbm>>) dst(%dma_wait3A_30 : memref<128x128xf32, #tpu.memory_space<vmem>>)
    %dma_wait3A_33 = arith.constant 0 : i32
    %dma_wait3A_34 = arith.constant 128 : i32
    %dma_wait3A_35 = tpu.memref_slice %arg7[%dma_wait3A_33, %dma_wait3A_34] : memref<128x256xf32, #tpu.memory_space<vmem>> -> memref<128x128xf32, #tpu.memory_space<vmem>>
    %dma_wait3A_36 = arith.constant 0 : i32
    %dma_wait3A_37 = tpu.memref_slice %arg3[%add3A_4, %dma_wait3A_36] : memref<16384x128xf32, #tpu.memory_space<hbm>> -> memref<128x128xf32, #tpu.memory_space<hbm>>
    %dma_wait3A_38 = arith.constant 0 : i32
    %dma_wait3A_39 = arith.constant 128 : i32
    %dma_wait3A_40 = tpu.memref_slice %arg7[%dma_wait3A_38, %dma_wait3A_39] : memref<128x256xf32, #tpu.memory_space<vmem>> -> memref<128x128xf32, #tpu.memory_space<vmem>>
    %dma_wait3A_41 = arith.constant 0 : i32
    %dma_wait3A_42 = tpu.memref_slice %arg3[%add3A_4, %dma_wait3A_41] : memref<16384x128xf32, #tpu.memory_space<hbm>> -> memref<128x128xf32, #tpu.memory_space<hbm>>
    tpu.wait_dma2 semaphore(%arg11 : memref<!tpu.dma_semaphore, #tpu.memory_space<semaphore_mem>>) src(%dma_wait3A_42 : memref<128x128xf32, #tpu.memory_space<hbm>>) dst(%dma_wait3A_40 : memref<128x128xf32, #tpu.memory_space<vmem>>)
    %dma_start3A_43 = arith.constant 0 : i32
    %dma_start3A_44 = arith.constant 0 : i32
    %dma_start3A_45 = tpu.memref_slice %arg6[%dma_start3A_43, %dma_start3A_44] : memref<4x128xi32, #tpu.memory_space<vmem>> -> memref<1x128xi32, #tpu.memory_space<vmem>>
    %dma_start3A_46 = tpu.memref_squeeze %dma_start3A_45 : memref<1x128xi32, #tpu.memory_space<vmem>> -> memref<128xi32, #tpu.memory_space<vmem>>
    %dma_start3A_47 = arith.constant 0 : i32
    %dma_start3A_48 = arith.constant 0 : i32
    %dma_start3A_49 = tpu.memref_slice %arg5[%dma_start3A_47, %dma_start3A_48] : memref<24576x256xf32, #tpu.memory_space<hbm>> -> memref<24576x256xf32, #tpu.memory_space<hbm>>
    tpu.enqueue_indirect_dma source(%arg7 : memref<128x256xf32, #tpu.memory_space<vmem>>) target(%dma_start3A_49 : memref<24576x256xf32, #tpu.memory_space<hbm>>) offsets(%dma_start3A_46 : memref<128xi32, #tpu.memory_space<vmem>>) semaphore(%arg9 : memref<!tpu.dma_semaphore, #tpu.memory_space<semaphore_mem>>)
    %add3A_50 = arith.constant 128 : i32
    %add3A_51 = arith.addi %mul3A_2, %add3A_50 : i32
    %dma_start3A_52 = arith.constant 0 : i32
    %dma_start3A_53 = arith.constant 0 : i32
    %dma_start3A_54 = tpu.memref_slice %arg8[%dma_start3A_52, %dma_start3A_53] : memref<128x256xf32, #tpu.memory_space<vmem>> -> memref<128x128xf32, #tpu.memory_space<vmem>>
    %dma_start3A_55 = arith.constant 0 : i32
    %dma_start3A_56 = tpu.memref_slice %arg2[%add3A_51, %dma_start3A_55] : memref<16384x128xf32, #tpu.memory_space<hbm>> -> memref<128x128xf32, #tpu.memory_space<hbm>>
    %dma_start3A_57 = arith.constant 0 : i32
    %dma_start3A_58 = arith.constant 0 : i32
    %dma_start3A_59 = tpu.memref_slice %arg8[%dma_start3A_57, %dma_start3A_58] : memref<128x256xf32, #tpu.memory_space<vmem>> -> memref<128x128xf32, #tpu.memory_space<vmem>>
    %dma_start3A_60 = arith.constant 0 : i32
    %dma_start3A_61 = tpu.memref_slice %arg2[%add3A_51, %dma_start3A_60] : memref<16384x128xf32, #tpu.memory_space<hbm>> -> memref<128x128xf32, #tpu.memory_space<hbm>>
    tpu.enqueue_dma source(%dma_start3A_61 : memref<128x128xf32, #tpu.memory_space<hbm>>) target(%dma_start3A_59 : memref<128x128xf32, #tpu.memory_space<vmem>>) target_semaphore(%arg12 : memref<!tpu.dma_semaphore, #tpu.memory_space<semaphore_mem>>)
    %dma_start3A_62 = arith.constant 0 : i32
    %dma_start3A_63 = arith.constant 128 : i32
    %dma_start3A_64 = tpu.memref_slice %arg8[%dma_start3A_62, %dma_start3A_63] : memref<128x256xf32, #tpu.memory_space<vmem>> -> memref<128x128xf32, #tpu.memory_space<vmem>>
    %dma_start3A_65 = arith.constant 0 : i32
    %dma_start3A_66 = tpu.memref_slice %arg3[%add3A_51, %dma_start3A_65] : memref<16384x128xf32, #tpu.memory_space<hbm>> -> memref<128x128xf32, #tpu.memory_space<hbm>>
    %dma_start3A_67 = arith.constant 0 : i32
    %dma_start3A_68 = arith.constant 128 : i32
    %dma_start3A_69 = tpu.memref_slice %arg8[%dma_start3A_67, %dma_start3A_68] : memref<128x256xf32, #tpu.memory_space<vmem>> -> memref<128x128xf32, #tpu.memory_space<vmem>>
    %dma_start3A_70 = arith.constant 0 : i32
    %dma_start3A_71 = tpu.memref_slice %arg3[%add3A_51, %dma_start3A_70] : memref<16384x128xf32, #tpu.memory_space<hbm>> -> memref<128x128xf32, #tpu.memory_space<hbm>>
    tpu.enqueue_dma source(%dma_start3A_71 : memref<128x128xf32, #tpu.memory_space<hbm>>) target(%dma_start3A_69 : memref<128x128xf32, #tpu.memory_space<vmem>>) target_semaphore(%arg12 : memref<!tpu.dma_semaphore, #tpu.memory_space<semaphore_mem>>)
    %dma_wait3A_72 = arith.constant 0 : i32
    %dma_wait3A_73 = arith.constant 0 : i32
    %dma_wait3A_74 = tpu.memref_slice %arg8[%dma_wait3A_72, %dma_wait3A_73] : memref<128x256xf32, #tpu.memory_space<vmem>> -> memref<128x128xf32, #tpu.memory_space<vmem>>
    %dma_wait3A_75 = arith.constant 0 : i32
    %dma_wait3A_76 = tpu.memref_slice %arg2[%add3A_51, %dma_wait3A_75] : memref<16384x128xf32, #tpu.memory_space<hbm>> -> memref<128x128xf32, #tpu.memory_space<hbm>>
    %dma_wait3A_77 = arith.constant 0 : i32
    %dma_wait3A_78 = arith.constant 0 : i32
    %dma_wait3A_79 = tpu.memref_slice %arg8[%dma_wait3A_77, %dma_wait3A_78] : memref<128x256xf32, #tpu.memory_space<vmem>> -> memref<128x128xf32, #tpu.memory_space<vmem>>
    %dma_wait3A_80 = arith.constant 0 : i32
    %dma_wait3A_81 = tpu.memref_slice %arg2[%add3A_51, %dma_wait3A_80] : memref<16384x128xf32, #tpu.memory_space<hbm>> -> memref<128x128xf32, #tpu.memory_space<hbm>>
    tpu.wait_dma2 semaphore(%arg12 : memref<!tpu.dma_semaphore, #tpu.memory_space<semaphore_mem>>) src(%dma_wait3A_81 : memref<128x128xf32, #tpu.memory_space<hbm>>) dst(%dma_wait3A_79 : memref<128x128xf32, #tpu.memory_space<vmem>>)
    %dma_wait3A_82 = arith.constant 0 : i32
    %dma_wait3A_83 = arith.constant 128 : i32
    %dma_wait3A_84 = tpu.memref_slice %arg8[%dma_wait3A_82, %dma_wait3A_83] : memref<128x256xf32, #tpu.memory_space<vmem>> -> memref<128x128xf32, #tpu.memory_space<vmem>>
    %dma_wait3A_85 = arith.constant 0 : i32
    %dma_wait3A_86 = tpu.memref_slice %arg3[%add3A_51, %dma_wait3A_85] : memref<16384x128xf32, #tpu.memory_space<hbm>> -> memref<128x128xf32, #tpu.memory_space<hbm>>
    %dma_wait3A_87 = arith.constant 0 : i32
    %dma_wait3A_88 = arith.constant 128 : i32
    %dma_wait3A_89 = tpu.memref_slice %arg8[%dma_wait3A_87, %dma_wait3A_88] : memref<128x256xf32, #tpu.memory_space<vmem>> -> memref<128x128xf32, #tpu.memory_space<vmem>>
    %dma_wait3A_90 = arith.constant 0 : i32
    %dma_wait3A_91 = tpu.memref_slice %arg3[%add3A_51, %dma_wait3A_90] : memref<16384x128xf32, #tpu.memory_space<hbm>> -> memref<128x128xf32, #tpu.memory_space<hbm>>
    tpu.wait_dma2 semaphore(%arg12 : memref<!tpu.dma_semaphore, #tpu.memory_space<semaphore_mem>>) src(%dma_wait3A_91 : memref<128x128xf32, #tpu.memory_space<hbm>>) dst(%dma_wait3A_89 : memref<128x128xf32, #tpu.memory_space<vmem>>)
    %dma_start3A_92 = arith.constant 1 : i32
    %dma_start3A_93 = arith.constant 0 : i32
    %dma_start3A_94 = tpu.memref_slice %arg6[%dma_start3A_92, %dma_start3A_93] : memref<4x128xi32, #tpu.memory_space<vmem>> -> memref<1x128xi32, #tpu.memory_space<vmem>>
    %dma_start3A_95 = tpu.memref_squeeze %dma_start3A_94 : memref<1x128xi32, #tpu.memory_space<vmem>> -> memref<128xi32, #tpu.memory_space<vmem>>
    %dma_start3A_96 = arith.constant 0 : i32
    %dma_start3A_97 = arith.constant 0 : i32
    %dma_start3A_98 = tpu.memref_slice %arg5[%dma_start3A_96, %dma_start3A_97] : memref<24576x256xf32, #tpu.memory_space<hbm>> -> memref<24576x256xf32, #tpu.memory_space<hbm>>
    tpu.enqueue_indirect_dma source(%arg8 : memref<128x256xf32, #tpu.memory_space<vmem>>) target(%dma_start3A_98 : memref<24576x256xf32, #tpu.memory_space<hbm>>) offsets(%dma_start3A_95 : memref<128xi32, #tpu.memory_space<vmem>>) semaphore(%arg10 : memref<!tpu.dma_semaphore, #tpu.memory_space<semaphore_mem>>)
    %dma_wait3A_99 = arith.constant 0 : i32
    %dma_wait3A_100 = arith.constant 0 : i32
    %dma_wait3A_101 = tpu.memref_slice %arg6[%dma_wait3A_99, %dma_wait3A_100] : memref<4x128xi32, #tpu.memory_space<vmem>> -> memref<1x128xi32, #tpu.memory_space<vmem>>
    %dma_wait3A_102 = tpu.memref_squeeze %dma_wait3A_101 : memref<1x128xi32, #tpu.memory_space<vmem>> -> memref<128xi32, #tpu.memory_space<vmem>>
    %dma_wait3A_103 = arith.constant 0 : i32
    %dma_wait3A_104 = arith.constant 0 : i32
    %dma_wait3A_105 = tpu.memref_slice %arg5[%dma_wait3A_103, %dma_wait3A_104] : memref<24576x256xf32, #tpu.memory_space<hbm>> -> memref<24576x256xf32, #tpu.memory_space<hbm>>
    tpu.wait_indirect_dma semaphore(%arg9 : memref<!tpu.dma_semaphore, #tpu.memory_space<semaphore_mem>>) src(%arg7 : memref<128x256xf32, #tpu.memory_space<vmem>>) dst(%dma_wait3A_105 : memref<24576x256xf32, #tpu.memory_space<hbm>>)
    %add3A_106 = arith.constant 256 : i32
    %add3A_107 = arith.addi %mul3A_2, %add3A_106 : i32
    %dma_start3A_108 = arith.constant 0 : i32
    %dma_start3A_109 = arith.constant 0 : i32
    %dma_start3A_110 = tpu.memref_slice %arg7[%dma_start3A_108, %dma_start3A_109] : memref<128x256xf32, #tpu.memory_space<vmem>> -> memref<128x128xf32, #tpu.memory_space<vmem>>
    %dma_start3A_111 = arith.constant 0 : i32
    %dma_start3A_112 = tpu.memref_slice %arg2[%add3A_107, %dma_start3A_111] : memref<16384x128xf32, #tpu.memory_space<hbm>> -> memref<128x128xf32, #tpu.memory_space<hbm>>
    %dma_start3A_113 = arith.constant 0 : i32
    %dma_start3A_114 = arith.constant 0 : i32
    %dma_start3A_115 = tpu.memref_slice %arg7[%dma_start3A_113, %dma_start3A_114] : memref<128x256xf32, #tpu.memory_space<vmem>> -> memref<128x128xf32, #tpu.memory_space<vmem>>
    %dma_start3A_116 = arith.constant 0 : i32
    %dma_start3A_117 = tpu.memref_slice %arg2[%add3A_107, %dma_start3A_116] : memref<16384x128xf32, #tpu.memory_space<hbm>> -> memref<128x128xf32, #tpu.memory_space<hbm>>
    tpu.enqueue_dma source(%dma_start3A_117 : memref<128x128xf32, #tpu.memory_space<hbm>>) target(%dma_start3A_115 : memref<128x128xf32, #tpu.memory_space<vmem>>) target_semaphore(%arg11 : memref<!tpu.dma_semaphore, #tpu.memory_space<semaphore_mem>>)
    %dma_start3A_118 = arith.constant 0 : i32
    %dma_start3A_119 = arith.constant 128 : i32
    %dma_start3A_120 = tpu.memref_slice %arg7[%dma_start3A_118, %dma_start3A_119] : memref<128x256xf32, #tpu.memory_space<vmem>> -> memref<128x128xf32, #tpu.memory_space<vmem>>
    %dma_start3A_121 = arith.constant 0 : i32
    %dma_start3A_122 = tpu.memref_slice %arg3[%add3A_107, %dma_start3A_121] : memref<16384x128xf32, #tpu.memory_space<hbm>> -> memref<128x128xf32, #tpu.memory_space<hbm>>
    %dma_start3A_123 = arith.constant 0 : i32
    %dma_start3A_124 = arith.constant 128 : i32
    %dma_start3A_125 = tpu.memref_slice %arg7[%dma_start3A_123, %dma_start3A_124] : memref<128x256xf32, #tpu.memory_space<vmem>> -> memref<128x128xf32, #tpu.memory_space<vmem>>
    %dma_start3A_126 = arith.constant 0 : i32
    %dma_start3A_127 = tpu.memref_slice %arg3[%add3A_107, %dma_start3A_126] : memref<16384x128xf32, #tpu.memory_space<hbm>> -> memref<128x128xf32, #tpu.memory_space<hbm>>
    tpu.enqueue_dma source(%dma_start3A_127 : memref<128x128xf32, #tpu.memory_space<hbm>>) target(%dma_start3A_125 : memref<128x128xf32, #tpu.memory_space<vmem>>) target_semaphore(%arg11 : memref<!tpu.dma_semaphore, #tpu.memory_space<semaphore_mem>>)
    %dma_wait3A_128 = arith.constant 0 : i32
    %dma_wait3A_129 = arith.constant 0 : i32
    %dma_wait3A_130 = tpu.memref_slice %arg7[%dma_wait3A_128, %dma_wait3A_129] : memref<128x256xf32, #tpu.memory_space<vmem>> -> memref<128x128xf32, #tpu.memory_space<vmem>>
    %dma_wait3A_131 = arith.constant 0 : i32
    %dma_wait3A_132 = tpu.memref_slice %arg2[%add3A_107, %dma_wait3A_131] : memref<16384x128xf32, #tpu.memory_space<hbm>> -> memref<128x128xf32, #tpu.memory_space<hbm>>
    %dma_wait3A_133 = arith.constant 0 : i32
    %dma_wait3A_134 = arith.constant 0 : i32
    %dma_wait3A_135 = tpu.memref_slice %arg7[%dma_wait3A_133, %dma_wait3A_134] : memref<128x256xf32, #tpu.memory_space<vmem>> -> memref<128x128xf32, #tpu.memory_space<vmem>>
    %dma_wait3A_136 = arith.constant 0 : i32
    %dma_wait3A_137 = tpu.memref_slice %arg2[%add3A_107, %dma_wait3A_136] : memref<16384x128xf32, #tpu.memory_space<hbm>> -> memref<128x128xf32, #tpu.memory_space<hbm>>
    tpu.wait_dma2 semaphore(%arg11 : memref<!tpu.dma_semaphore, #tpu.memory_space<semaphore_mem>>) src(%dma_wait3A_137 : memref<128x128xf32, #tpu.memory_space<hbm>>) dst(%dma_wait3A_135 : memref<128x128xf32, #tpu.memory_space<vmem>>)
    %dma_wait3A_138 = arith.constant 0 : i32
    %dma_wait3A_139 = arith.constant 128 : i32
    %dma_wait3A_140 = tpu.memref_slice %arg7[%dma_wait3A_138, %dma_wait3A_139] : memref<128x256xf32, #tpu.memory_space<vmem>> -> memref<128x128xf32, #tpu.memory_space<vmem>>
    %dma_wait3A_141 = arith.constant 0 : i32
    %dma_wait3A_142 = tpu.memref_slice %arg3[%add3A_107, %dma_wait3A_141] : memref<16384x128xf32, #tpu.memory_space<hbm>> -> memref<128x128xf32, #tpu.memory_space<hbm>>
    %dma_wait3A_143 = arith.constant 0 : i32
    %dma_wait3A_144 = arith.constant 128 : i32
    %dma_wait3A_145 = tpu.memref_slice %arg7[%dma_wait3A_143, %dma_wait3A_144] : memref<128x256xf32, #tpu.memory_space<vmem>> -> memref<128x128xf32, #tpu.memory_space<vmem>>
    %dma_wait3A_146 = arith.constant 0 : i32
    %dma_wait3A_147 = tpu.memref_slice %arg3[%add3A_107, %dma_wait3A_146] : memref<16384x128xf32, #tpu.memory_space<hbm>> -> memref<128x128xf32, #tpu.memory_space<hbm>>
    tpu.wait_dma2 semaphore(%arg11 : memref<!tpu.dma_semaphore, #tpu.memory_space<semaphore_mem>>) src(%dma_wait3A_147 : memref<128x128xf32, #tpu.memory_space<hbm>>) dst(%dma_wait3A_145 : memref<128x128xf32, #tpu.memory_space<vmem>>)
    %dma_start3A_148 = arith.constant 2 : i32
    %dma_start3A_149 = arith.constant 0 : i32
    %dma_start3A_150 = tpu.memref_slice %arg6[%dma_start3A_148, %dma_start3A_149] : memref<4x128xi32, #tpu.memory_space<vmem>> -> memref<1x128xi32, #tpu.memory_space<vmem>>
    %dma_start3A_151 = tpu.memref_squeeze %dma_start3A_150 : memref<1x128xi32, #tpu.memory_space<vmem>> -> memref<128xi32, #tpu.memory_space<vmem>>
    %dma_start3A_152 = arith.constant 0 : i32
    %dma_start3A_153 = arith.constant 0 : i32
    %dma_start3A_154 = tpu.memref_slice %arg5[%dma_start3A_152, %dma_start3A_153] : memref<24576x256xf32, #tpu.memory_space<hbm>> -> memref<24576x256xf32, #tpu.memory_space<hbm>>
    tpu.enqueue_indirect_dma source(%arg7 : memref<128x256xf32, #tpu.memory_space<vmem>>) target(%dma_start3A_154 : memref<24576x256xf32, #tpu.memory_space<hbm>>) offsets(%dma_start3A_151 : memref<128xi32, #tpu.memory_space<vmem>>) semaphore(%arg9 : memref<!tpu.dma_semaphore, #tpu.memory_space<semaphore_mem>>)
    %dma_wait3A_155 = arith.constant 1 : i32
    %dma_wait3A_156 = arith.constant 0 : i32
    %dma_wait3A_157 = tpu.memref_slice %arg6[%dma_wait3A_155, %dma_wait3A_156] : memref<4x128xi32, #tpu.memory_space<vmem>> -> memref<1x128xi32, #tpu.memory_space<vmem>>
    %dma_wait3A_158 = tpu.memref_squeeze %dma_wait3A_157 : memref<1x128xi32, #tpu.memory_space<vmem>> -> memref<128xi32, #tpu.memory_space<vmem>>
    %dma_wait3A_159 = arith.constant 0 : i32
    %dma_wait3A_160 = arith.constant 0 : i32
    %dma_wait3A_161 = tpu.memref_slice %arg5[%dma_wait3A_159, %dma_wait3A_160] : memref<24576x256xf32, #tpu.memory_space<hbm>> -> memref<24576x256xf32, #tpu.memory_space<hbm>>
    tpu.wait_indirect_dma semaphore(%arg10 : memref<!tpu.dma_semaphore, #tpu.memory_space<semaphore_mem>>) src(%arg8 : memref<128x256xf32, #tpu.memory_space<vmem>>) dst(%dma_wait3A_161 : memref<24576x256xf32, #tpu.memory_space<hbm>>)
    %add3A_162 = arith.constant 384 : i32
    %add3A_163 = arith.addi %mul3A_2, %add3A_162 : i32
    %dma_start3A_164 = arith.constant 0 : i32
    %dma_start3A_165 = arith.constant 0 : i32
    %dma_start3A_166 = tpu.memref_slice %arg8[%dma_start3A_164, %dma_start3A_165] : memref<128x256xf32, #tpu.memory_space<vmem>> -> memref<128x128xf32, #tpu.memory_space<vmem>>
    %dma_start3A_167 = arith.constant 0 : i32
    %dma_start3A_168 = tpu.memref_slice %arg2[%add3A_163, %dma_start3A_167] : memref<16384x128xf32, #tpu.memory_space<hbm>> -> memref<128x128xf32, #tpu.memory_space<hbm>>
    %dma_start3A_169 = arith.constant 0 : i32
    %dma_start3A_170 = arith.constant 0 : i32
    %dma_start3A_171 = tpu.memref_slice %arg8[%dma_start3A_169, %dma_start3A_170] : memref<128x256xf32, #tpu.memory_space<vmem>> -> memref<128x128xf32, #tpu.memory_space<vmem>>
    %dma_start3A_172 = arith.constant 0 : i32
    %dma_start3A_173 = tpu.memref_slice %arg2[%add3A_163, %dma_start3A_172] : memref<16384x128xf32, #tpu.memory_space<hbm>> -> memref<128x128xf32, #tpu.memory_space<hbm>>
    tpu.enqueue_dma source(%dma_start3A_173 : memref<128x128xf32, #tpu.memory_space<hbm>>) target(%dma_start3A_171 : memref<128x128xf32, #tpu.memory_space<vmem>>) target_semaphore(%arg12 : memref<!tpu.dma_semaphore, #tpu.memory_space<semaphore_mem>>)
    %dma_start3A_174 = arith.constant 0 : i32
    %dma_start3A_175 = arith.constant 128 : i32
    %dma_start3A_176 = tpu.memref_slice %arg8[%dma_start3A_174, %dma_start3A_175] : memref<128x256xf32, #tpu.memory_space<vmem>> -> memref<128x128xf32, #tpu.memory_space<vmem>>
    %dma_start3A_177 = arith.constant 0 : i32
    %dma_start3A_178 = tpu.memref_slice %arg3[%add3A_163, %dma_start3A_177] : memref<16384x128xf32, #tpu.memory_space<hbm>> -> memref<128x128xf32, #tpu.memory_space<hbm>>
    %dma_start3A_179 = arith.constant 0 : i32
    %dma_start3A_180 = arith.constant 128 : i32
    %dma_start3A_181 = tpu.memref_slice %arg8[%dma_start3A_179, %dma_start3A_180] : memref<128x256xf32, #tpu.memory_space<vmem>> -> memref<128x128xf32, #tpu.memory_space<vmem>>
    %dma_start3A_182 = arith.constant 0 : i32
    %dma_start3A_183 = tpu.memref_slice %arg3[%add3A_163, %dma_start3A_182] : memref<16384x128xf32, #tpu.memory_space<hbm>> -> memref<128x128xf32, #tpu.memory_space<hbm>>
    tpu.enqueue_dma source(%dma_start3A_183 : memref<128x128xf32, #tpu.memory_space<hbm>>) target(%dma_start3A_181 : memref<128x128xf32, #tpu.memory_space<vmem>>) target_semaphore(%arg12 : memref<!tpu.dma_semaphore, #tpu.memory_space<semaphore_mem>>)
    %dma_wait3A_184 = arith.constant 0 : i32
    %dma_wait3A_185 = arith.constant 0 : i32
    %dma_wait3A_186 = tpu.memref_slice %arg8[%dma_wait3A_184, %dma_wait3A_185] : memref<128x256xf32, #tpu.memory_space<vmem>> -> memref<128x128xf32, #tpu.memory_space<vmem>>
    %dma_wait3A_187 = arith.constant 0 : i32
    %dma_wait3A_188 = tpu.memref_slice %arg2[%add3A_163, %dma_wait3A_187] : memref<16384x128xf32, #tpu.memory_space<hbm>> -> memref<128x128xf32, #tpu.memory_space<hbm>>
    %dma_wait3A_189 = arith.constant 0 : i32
    %dma_wait3A_190 = arith.constant 0 : i32
    %dma_wait3A_191 = tpu.memref_slice %arg8[%dma_wait3A_189, %dma_wait3A_190] : memref<128x256xf32, #tpu.memory_space<vmem>> -> memref<128x128xf32, #tpu.memory_space<vmem>>
    %dma_wait3A_192 = arith.constant 0 : i32
    %dma_wait3A_193 = tpu.memref_slice %arg2[%add3A_163, %dma_wait3A_192] : memref<16384x128xf32, #tpu.memory_space<hbm>> -> memref<128x128xf32, #tpu.memory_space<hbm>>
    tpu.wait_dma2 semaphore(%arg12 : memref<!tpu.dma_semaphore, #tpu.memory_space<semaphore_mem>>) src(%dma_wait3A_193 : memref<128x128xf32, #tpu.memory_space<hbm>>) dst(%dma_wait3A_191 : memref<128x128xf32, #tpu.memory_space<vmem>>)
    %dma_wait3A_194 = arith.constant 0 : i32
    %dma_wait3A_195 = arith.constant 128 : i32
    %dma_wait3A_196 = tpu.memref_slice %arg8[%dma_wait3A_194, %dma_wait3A_195] : memref<128x256xf32, #tpu.memory_space<vmem>> -> memref<128x128xf32, #tpu.memory_space<vmem>>
    %dma_wait3A_197 = arith.constant 0 : i32
    %dma_wait3A_198 = tpu.memref_slice %arg3[%add3A_163, %dma_wait3A_197] : memref<16384x128xf32, #tpu.memory_space<hbm>> -> memref<128x128xf32, #tpu.memory_space<hbm>>
    %dma_wait3A_199 = arith.constant 0 : i32
    %dma_wait3A_200 = arith.constant 128 : i32
    %dma_wait3A_201 = tpu.memref_slice %arg8[%dma_wait3A_199, %dma_wait3A_200] : memref<128x256xf32, #tpu.memory_space<vmem>> -> memref<128x128xf32, #tpu.memory_space<vmem>>
    %dma_wait3A_202 = arith.constant 0 : i32
    %dma_wait3A_203 = tpu.memref_slice %arg3[%add3A_163, %dma_wait3A_202] : memref<16384x128xf32, #tpu.memory_space<hbm>> -> memref<128x128xf32, #tpu.memory_space<hbm>>
    tpu.wait_dma2 semaphore(%arg12 : memref<!tpu.dma_semaphore, #tpu.memory_space<semaphore_mem>>) src(%dma_wait3A_203 : memref<128x128xf32, #tpu.memory_space<hbm>>) dst(%dma_wait3A_201 : memref<128x128xf32, #tpu.memory_space<vmem>>)
    %dma_start3A_204 = arith.constant 3 : i32
    %dma_start3A_205 = arith.constant 0 : i32
    %dma_start3A_206 = tpu.memref_slice %arg6[%dma_start3A_204, %dma_start3A_205] : memref<4x128xi32, #tpu.memory_space<vmem>> -> memref<1x128xi32, #tpu.memory_space<vmem>>
    %dma_start3A_207 = tpu.memref_squeeze %dma_start3A_206 : memref<1x128xi32, #tpu.memory_space<vmem>> -> memref<128xi32, #tpu.memory_space<vmem>>
    %dma_start3A_208 = arith.constant 0 : i32
    %dma_start3A_209 = arith.constant 0 : i32
    %dma_start3A_210 = tpu.memref_slice %arg5[%dma_start3A_208, %dma_start3A_209] : memref<24576x256xf32, #tpu.memory_space<hbm>> -> memref<24576x256xf32, #tpu.memory_space<hbm>>
    tpu.enqueue_indirect_dma source(%arg8 : memref<128x256xf32, #tpu.memory_space<vmem>>) target(%dma_start3A_210 : memref<24576x256xf32, #tpu.memory_space<hbm>>) offsets(%dma_start3A_207 : memref<128xi32, #tpu.memory_space<vmem>>) semaphore(%arg10 : memref<!tpu.dma_semaphore, #tpu.memory_space<semaphore_mem>>)
    %dma_wait3A_211 = arith.constant 2 : i32
    %dma_wait3A_212 = arith.constant 0 : i32
    %dma_wait3A_213 = tpu.memref_slice %arg6[%dma_wait3A_211, %dma_wait3A_212] : memref<4x128xi32, #tpu.memory_space<vmem>> -> memref<1x128xi32, #tpu.memory_space<vmem>>
    %dma_wait3A_214 = tpu.memref_squeeze %dma_wait3A_213 : memref<1x128xi32, #tpu.memory_space<vmem>> -> memref<128xi32, #tpu.memory_space<vmem>>
    %dma_wait3A_215 = arith.constant 0 : i32
    %dma_wait3A_216 = arith.constant 0 : i32
    %dma_wait3A_217 = tpu.memref_slice %arg5[%dma_wait3A_215, %dma_wait3A_216] : memref<24576x256xf32, #tpu.memory_space<hbm>> -> memref<24576x256xf32, #tpu.memory_space<hbm>>
    tpu.wait_indirect_dma semaphore(%arg9 : memref<!tpu.dma_semaphore, #tpu.memory_space<semaphore_mem>>) src(%arg7 : memref<128x256xf32, #tpu.memory_space<vmem>>) dst(%dma_wait3A_217 : memref<24576x256xf32, #tpu.memory_space<hbm>>)
    %dma_wait3A_218 = arith.constant 3 : i32
    %dma_wait3A_219 = arith.constant 0 : i32
    %dma_wait3A_220 = tpu.memref_slice %arg6[%dma_wait3A_218, %dma_wait3A_219] : memref<4x128xi32, #tpu.memory_space<vmem>> -> memref<1x128xi32, #tpu.memory_space<vmem>>
    %dma_wait3A_221 = tpu.memref_squeeze %dma_wait3A_220 : memref<1x128xi32, #tpu.memory_space<vmem>> -> memref<128xi32, #tpu.memory_space<vmem>>
    %dma_wait3A_222 = arith.constant 0 : i32
    %dma_wait3A_223 = arith.constant 0 : i32
    %dma_wait3A_224 = tpu.memref_slice %arg5[%dma_wait3A_222, %dma_wait3A_223] : memref<24576x256xf32, #tpu.memory_space<hbm>> -> memref<24576x256xf32, #tpu.memory_space<hbm>>
    tpu.wait_indirect_dma semaphore(%arg10 : memref<!tpu.dma_semaphore, #tpu.memory_space<semaphore_mem>>) src(%arg8 : memref<128x256xf32, #tpu.memory_space<vmem>>) dst(%dma_wait3A_224 : memref<24576x256xf32, #tpu.memory_space<hbm>>)
    return
  }
}

module attributes {stable_mosaic.version = 14 : i64} {
  func.func @_route_kernel(%arg0: i32, %arg1: memref<128x128xi32, #tpu.memory_space<vmem>>, %arg2: memref<128x128xi32, #tpu.memory_space<vmem>>, %arg3: memref<24x1xi32, #tpu.memory_space<vmem>>) attributes {dimension_semantics = [#tpu.dimension_semantics<arbitrary>], iteration_bounds = array<i64: 1>, scalar_prefetch = 0 : i64, scratch_operands = 0 : i64, tpu.core_type = #tpu.core_type<tc>, window_params = [{pipeline_mode = #tpu.pipeline_mode<synchronous>, transform_indices = @transform_0, window_bounds = array<i64: 128, 128>}, {pipeline_mode = #tpu.pipeline_mode<synchronous>, transform_indices = @transform_1, window_bounds = array<i64: 128, 128>}, {pipeline_mode = #tpu.pipeline_mode<synchronous>, transform_indices = @transform_2, window_bounds = array<i64: 24, 1>}]} {
    %get3A = arith.constant 0 : index
    %get3A_0 = arith.constant 0 : index
    %get3A_1 = vector.load %arg1[%get3A, %get3A_0] : memref<128x128xi32, #tpu.memory_space<vmem>>, vector<128x128xi32>
    %iota3A = tpu.iota {dimensions = array<i32: 0>} : vector<128x128xi32>
    %iota3A_2 = tpu.iota {dimensions = array<i32: 1>} : vector<128x128xi32>
    %le3A = arith.cmpi sle, %iota3A, %iota3A_2 : vector<128x128xi32>
    %convert_element_type3A = arith.extui %le3A : vector<128x128xi1> to vector<128x128xi32>
    %convert_element_type3A_3 = arith.sitofp %convert_element_type3A : vector<128x128xi32> to vector<128x128xf32>
    %convert_element_type3A_4 = arith.truncf %convert_element_type3A_3 : vector<128x128xf32> to vector<128x128xbf16>
    %gt3A = arith.cmpi sgt, %iota3A, %iota3A_2 : vector<128x128xi32>
    %convert_element_type3A_5 = arith.extui %gt3A : vector<128x128xi1> to vector<128x128xi32>
    %convert_element_type3A_6 = arith.sitofp %convert_element_type3A_5 : vector<128x128xi32> to vector<128x128xf32>
    %convert_element_type3A_7 = arith.truncf %convert_element_type3A_6 : vector<128x128xf32> to vector<128x128xbf16>
    %eq3A = arith.constant 0 : i32
    %eq3A_8 = vector.broadcast %eq3A : i32 to vector<128x128xi32>
    %eq3A_9 = arith.cmpi eq, %get3A_1, %eq3A_8 : vector<128x128xi32>
    %eq3A_10 = arith.constant 1 : i32
    %eq3A_11 = vector.broadcast %eq3A_10 : i32 to vector<128x128xi32>
    %eq3A_12 = arith.cmpi eq, %get3A_1, %eq3A_11 : vector<128x128xi32>
    %eq3A_13 = arith.constant 2 : i32
    %eq3A_14 = vector.broadcast %eq3A_13 : i32 to vector<128x128xi32>
    %eq3A_15 = arith.cmpi eq, %get3A_1, %eq3A_14 : vector<128x128xi32>
    %eq3A_16 = arith.constant 3 : i32
    %eq3A_17 = vector.broadcast %eq3A_16 : i32 to vector<128x128xi32>
    %eq3A_18 = arith.cmpi eq, %get3A_1, %eq3A_17 : vector<128x128xi32>
    %eq3A_19 = arith.constant 4 : i32
    %eq3A_20 = vector.broadcast %eq3A_19 : i32 to vector<128x128xi32>
    %eq3A_21 = arith.cmpi eq, %get3A_1, %eq3A_20 : vector<128x128xi32>
    %eq3A_22 = arith.constant 5 : i32
    %eq3A_23 = vector.broadcast %eq3A_22 : i32 to vector<128x128xi32>
    %eq3A_24 = arith.cmpi eq, %get3A_1, %eq3A_23 : vector<128x128xi32>
    %eq3A_25 = arith.constant 6 : i32
    %eq3A_26 = vector.broadcast %eq3A_25 : i32 to vector<128x128xi32>
    %eq3A_27 = arith.cmpi eq, %get3A_1, %eq3A_26 : vector<128x128xi32>
    %eq3A_28 = arith.constant 7 : i32
    %eq3A_29 = vector.broadcast %eq3A_28 : i32 to vector<128x128xi32>
    %eq3A_30 = arith.cmpi eq, %get3A_1, %eq3A_29 : vector<128x128xi32>
    %convert_element_type3A_31 = arith.extui %eq3A_9 : vector<128x128xi1> to vector<128x128xi32>
    %convert_element_type3A_32 = arith.sitofp %convert_element_type3A_31 : vector<128x128xi32> to vector<128x128xf32>
    %reduce_sum3A = vector.shape_cast %convert_element_type3A_32 : vector<128x128xf32> to vector<1x128x128xf32>
    %reduce_sum3A_33 = arith.constant dense<0.000000e+00> : vector<1xf32>
    %reduce_sum3A_34 = vector.multi_reduction <add>, %reduce_sum3A, %reduce_sum3A_33 [1, 2] : vector<1x128x128xf32> to vector<1xf32>
    %reduce_sum3A_35 = vector.shape_cast %reduce_sum3A_34 : vector<1xf32> to vector<1x1x1xf32>
    %reduce_sum3A_36 = vector.extract %reduce_sum3A_35[0, 0, 0] : f32 from vector<1x1x1xf32>
    %broadcast_in_dim3A = vector.broadcast %reduce_sum3A_36 : f32 to vector<1x1xf32>
    %convert_element_type3A_37 = arith.extui %eq3A_12 : vector<128x128xi1> to vector<128x128xi32>
    %convert_element_type3A_38 = arith.sitofp %convert_element_type3A_37 : vector<128x128xi32> to vector<128x128xf32>
    %reduce_sum3A_39 = vector.shape_cast %convert_element_type3A_38 : vector<128x128xf32> to vector<1x128x128xf32>
    %reduce_sum3A_40 = arith.constant dense<0.000000e+00> : vector<1xf32>
    %reduce_sum3A_41 = vector.multi_reduction <add>, %reduce_sum3A_39, %reduce_sum3A_40 [1, 2] : vector<1x128x128xf32> to vector<1xf32>
    %reduce_sum3A_42 = vector.shape_cast %reduce_sum3A_41 : vector<1xf32> to vector<1x1x1xf32>
    %reduce_sum3A_43 = vector.extract %reduce_sum3A_42[0, 0, 0] : f32 from vector<1x1x1xf32>
    %broadcast_in_dim3A_44 = vector.broadcast %reduce_sum3A_43 : f32 to vector<1x1xf32>
    %convert_element_type3A_45 = arith.extui %eq3A_15 : vector<128x128xi1> to vector<128x128xi32>
    %convert_element_type3A_46 = arith.sitofp %convert_element_type3A_45 : vector<128x128xi32> to vector<128x128xf32>
    %reduce_sum3A_47 = vector.shape_cast %convert_element_type3A_46 : vector<128x128xf32> to vector<1x128x128xf32>
    %reduce_sum3A_48 = arith.constant dense<0.000000e+00> : vector<1xf32>
    %reduce_sum3A_49 = vector.multi_reduction <add>, %reduce_sum3A_47, %reduce_sum3A_48 [1, 2] : vector<1x128x128xf32> to vector<1xf32>
    %reduce_sum3A_50 = vector.shape_cast %reduce_sum3A_49 : vector<1xf32> to vector<1x1x1xf32>
    %reduce_sum3A_51 = vector.extract %reduce_sum3A_50[0, 0, 0] : f32 from vector<1x1x1xf32>
    %broadcast_in_dim3A_52 = vector.broadcast %reduce_sum3A_51 : f32 to vector<1x1xf32>
    %convert_element_type3A_53 = arith.extui %eq3A_18 : vector<128x128xi1> to vector<128x128xi32>
    %convert_element_type3A_54 = arith.sitofp %convert_element_type3A_53 : vector<128x128xi32> to vector<128x128xf32>
    %reduce_sum3A_55 = vector.shape_cast %convert_element_type3A_54 : vector<128x128xf32> to vector<1x128x128xf32>
    %reduce_sum3A_56 = arith.constant dense<0.000000e+00> : vector<1xf32>
    %reduce_sum3A_57 = vector.multi_reduction <add>, %reduce_sum3A_55, %reduce_sum3A_56 [1, 2] : vector<1x128x128xf32> to vector<1xf32>
    %reduce_sum3A_58 = vector.shape_cast %reduce_sum3A_57 : vector<1xf32> to vector<1x1x1xf32>
    %reduce_sum3A_59 = vector.extract %reduce_sum3A_58[0, 0, 0] : f32 from vector<1x1x1xf32>
    %broadcast_in_dim3A_60 = vector.broadcast %reduce_sum3A_59 : f32 to vector<1x1xf32>
    %convert_element_type3A_61 = arith.extui %eq3A_21 : vector<128x128xi1> to vector<128x128xi32>
    %convert_element_type3A_62 = arith.sitofp %convert_element_type3A_61 : vector<128x128xi32> to vector<128x128xf32>
    %reduce_sum3A_63 = vector.shape_cast %convert_element_type3A_62 : vector<128x128xf32> to vector<1x128x128xf32>
    %reduce_sum3A_64 = arith.constant dense<0.000000e+00> : vector<1xf32>
    %reduce_sum3A_65 = vector.multi_reduction <add>, %reduce_sum3A_63, %reduce_sum3A_64 [1, 2] : vector<1x128x128xf32> to vector<1xf32>
    %reduce_sum3A_66 = vector.shape_cast %reduce_sum3A_65 : vector<1xf32> to vector<1x1x1xf32>
    %reduce_sum3A_67 = vector.extract %reduce_sum3A_66[0, 0, 0] : f32 from vector<1x1x1xf32>
    %broadcast_in_dim3A_68 = vector.broadcast %reduce_sum3A_67 : f32 to vector<1x1xf32>
    %convert_element_type3A_69 = arith.extui %eq3A_24 : vector<128x128xi1> to vector<128x128xi32>
    %convert_element_type3A_70 = arith.sitofp %convert_element_type3A_69 : vector<128x128xi32> to vector<128x128xf32>
    %reduce_sum3A_71 = vector.shape_cast %convert_element_type3A_70 : vector<128x128xf32> to vector<1x128x128xf32>
    %reduce_sum3A_72 = arith.constant dense<0.000000e+00> : vector<1xf32>
    %reduce_sum3A_73 = vector.multi_reduction <add>, %reduce_sum3A_71, %reduce_sum3A_72 [1, 2] : vector<1x128x128xf32> to vector<1xf32>
    %reduce_sum3A_74 = vector.shape_cast %reduce_sum3A_73 : vector<1xf32> to vector<1x1x1xf32>
    %reduce_sum3A_75 = vector.extract %reduce_sum3A_74[0, 0, 0] : f32 from vector<1x1x1xf32>
    %broadcast_in_dim3A_76 = vector.broadcast %reduce_sum3A_75 : f32 to vector<1x1xf32>
    %convert_element_type3A_77 = arith.extui %eq3A_27 : vector<128x128xi1> to vector<128x128xi32>
    %convert_element_type3A_78 = arith.sitofp %convert_element_type3A_77 : vector<128x128xi32> to vector<128x128xf32>
    %reduce_sum3A_79 = vector.shape_cast %convert_element_type3A_78 : vector<128x128xf32> to vector<1x128x128xf32>
    %reduce_sum3A_80 = arith.constant dense<0.000000e+00> : vector<1xf32>
    %reduce_sum3A_81 = vector.multi_reduction <add>, %reduce_sum3A_79, %reduce_sum3A_80 [1, 2] : vector<1x128x128xf32> to vector<1xf32>
    %reduce_sum3A_82 = vector.shape_cast %reduce_sum3A_81 : vector<1xf32> to vector<1x1x1xf32>
    %reduce_sum3A_83 = vector.extract %reduce_sum3A_82[0, 0, 0] : f32 from vector<1x1x1xf32>
    %broadcast_in_dim3A_84 = vector.broadcast %reduce_sum3A_83 : f32 to vector<1x1xf32>
    %convert_element_type3A_85 = arith.extui %eq3A_30 : vector<128x128xi1> to vector<128x128xi32>
    %convert_element_type3A_86 = arith.sitofp %convert_element_type3A_85 : vector<128x128xi32> to vector<128x128xf32>
    %reduce_sum3A_87 = vector.shape_cast %convert_element_type3A_86 : vector<128x128xf32> to vector<1x128x128xf32>
    %reduce_sum3A_88 = arith.constant dense<0.000000e+00> : vector<1xf32>
    %reduce_sum3A_89 = vector.multi_reduction <add>, %reduce_sum3A_87, %reduce_sum3A_88 [1, 2] : vector<1x128x128xf32> to vector<1xf32>
    %reduce_sum3A_90 = vector.shape_cast %reduce_sum3A_89 : vector<1xf32> to vector<1x1x1xf32>
    %reduce_sum3A_91 = vector.extract %reduce_sum3A_90[0, 0, 0] : f32 from vector<1x1x1xf32>
    %broadcast_in_dim3A_92 = vector.broadcast %reduce_sum3A_91 : f32 to vector<1x1xf32>
    %mul3A = arith.constant 9.765625E-4 : f32
    %mul3A_93 = vector.broadcast %mul3A : f32 to vector<1x1xf32>
    %mul3A_94 = arith.mulf %broadcast_in_dim3A, %mul3A_93 : vector<1x1xf32>
    %ceil3A = math.ceil %mul3A_94 : vector<1x1xf32>
    %mul3A_95 = arith.constant 1.024000e+03 : f32
    %mul3A_96 = vector.broadcast %mul3A_95 : f32 to vector<1x1xf32>
    %mul3A_97 = arith.mulf %ceil3A, %mul3A_96 : vector<1x1xf32>
    %mul3A_98 = arith.constant 9.765625E-4 : f32
    %mul3A_99 = vector.broadcast %mul3A_98 : f32 to vector<1x1xf32>
    %mul3A_100 = arith.mulf %broadcast_in_dim3A_44, %mul3A_99 : vector<1x1xf32>
    %ceil3A_101 = math.ceil %mul3A_100 : vector<1x1xf32>
    %mul3A_102 = arith.constant 1.024000e+03 : f32
    %mul3A_103 = vector.broadcast %mul3A_102 : f32 to vector<1x1xf32>
    %mul3A_104 = arith.mulf %ceil3A_101, %mul3A_103 : vector<1x1xf32>
    %mul3A_105 = arith.constant 9.765625E-4 : f32
    %mul3A_106 = vector.broadcast %mul3A_105 : f32 to vector<1x1xf32>
    %mul3A_107 = arith.mulf %broadcast_in_dim3A_52, %mul3A_106 : vector<1x1xf32>
    %ceil3A_108 = math.ceil %mul3A_107 : vector<1x1xf32>
    %mul3A_109 = arith.constant 1.024000e+03 : f32
    %mul3A_110 = vector.broadcast %mul3A_109 : f32 to vector<1x1xf32>
    %mul3A_111 = arith.mulf %ceil3A_108, %mul3A_110 : vector<1x1xf32>
    %mul3A_112 = arith.constant 9.765625E-4 : f32
    %mul3A_113 = vector.broadcast %mul3A_112 : f32 to vector<1x1xf32>
    %mul3A_114 = arith.mulf %broadcast_in_dim3A_60, %mul3A_113 : vector<1x1xf32>
    %ceil3A_115 = math.ceil %mul3A_114 : vector<1x1xf32>
    %mul3A_116 = arith.constant 1.024000e+03 : f32
    %mul3A_117 = vector.broadcast %mul3A_116 : f32 to vector<1x1xf32>
    %mul3A_118 = arith.mulf %ceil3A_115, %mul3A_117 : vector<1x1xf32>
    %mul3A_119 = arith.constant 9.765625E-4 : f32
    %mul3A_120 = vector.broadcast %mul3A_119 : f32 to vector<1x1xf32>
    %mul3A_121 = arith.mulf %broadcast_in_dim3A_68, %mul3A_120 : vector<1x1xf32>
    %ceil3A_122 = math.ceil %mul3A_121 : vector<1x1xf32>
    %mul3A_123 = arith.constant 1.024000e+03 : f32
    %mul3A_124 = vector.broadcast %mul3A_123 : f32 to vector<1x1xf32>
    %mul3A_125 = arith.mulf %ceil3A_122, %mul3A_124 : vector<1x1xf32>
    %mul3A_126 = arith.constant 9.765625E-4 : f32
    %mul3A_127 = vector.broadcast %mul3A_126 : f32 to vector<1x1xf32>
    %mul3A_128 = arith.mulf %broadcast_in_dim3A_76, %mul3A_127 : vector<1x1xf32>
    %ceil3A_129 = math.ceil %mul3A_128 : vector<1x1xf32>
    %mul3A_130 = arith.constant 1.024000e+03 : f32
    %mul3A_131 = vector.broadcast %mul3A_130 : f32 to vector<1x1xf32>
    %mul3A_132 = arith.mulf %ceil3A_129, %mul3A_131 : vector<1x1xf32>
    %mul3A_133 = arith.constant 9.765625E-4 : f32
    %mul3A_134 = vector.broadcast %mul3A_133 : f32 to vector<1x1xf32>
    %mul3A_135 = arith.mulf %broadcast_in_dim3A_84, %mul3A_134 : vector<1x1xf32>
    %ceil3A_136 = math.ceil %mul3A_135 : vector<1x1xf32>
    %mul3A_137 = arith.constant 1.024000e+03 : f32
    %mul3A_138 = vector.broadcast %mul3A_137 : f32 to vector<1x1xf32>
    %mul3A_139 = arith.mulf %ceil3A_136, %mul3A_138 : vector<1x1xf32>
    %mul3A_140 = arith.constant 9.765625E-4 : f32
    %mul3A_141 = vector.broadcast %mul3A_140 : f32 to vector<1x1xf32>
    %mul3A_142 = arith.mulf %broadcast_in_dim3A_92, %mul3A_141 : vector<1x1xf32>
    %ceil3A_143 = math.ceil %mul3A_142 : vector<1x1xf32>
    %mul3A_144 = arith.constant 1.024000e+03 : f32
    %mul3A_145 = vector.broadcast %mul3A_144 : f32 to vector<1x1xf32>
    %mul3A_146 = arith.mulf %ceil3A_143, %mul3A_145 : vector<1x1xf32>
    %broadcast_in_dim3A_147 = arith.constant 0.000000e+00 : f32
    %broadcast_in_dim3A_148 = vector.broadcast %broadcast_in_dim3A_147 : f32 to vector<1x1xf32>
    %add3A = arith.addf %broadcast_in_dim3A_148, %mul3A_97 : vector<1x1xf32>
    %add3A_149 = arith.addf %add3A, %mul3A_104 : vector<1x1xf32>
    %add3A_150 = arith.addf %add3A_149, %mul3A_111 : vector<1x1xf32>
    %add3A_151 = arith.addf %add3A_150, %mul3A_118 : vector<1x1xf32>
    %add3A_152 = arith.addf %add3A_151, %mul3A_125 : vector<1x1xf32>
    %add3A_153 = arith.addf %add3A_152, %mul3A_132 : vector<1x1xf32>
    %add3A_154 = arith.addf %add3A_153, %mul3A_139 : vector<1x1xf32>
    %broadcast_in_dim3A_155 = arith.constant 0.000000e+00 : f32
    %broadcast_in_dim3A_156 = vector.broadcast %broadcast_in_dim3A_155 : f32 to vector<128x128xf32>
    %convert_element_type3A_157 = arith.extui %eq3A_9 : vector<128x128xi1> to vector<128x128xi32>
    %convert_element_type3A_158 = arith.sitofp %convert_element_type3A_157 : vector<128x128xi32> to vector<128x128xf32>
    %convert_element_type3A_159 = arith.truncf %convert_element_type3A_158 : vector<128x128xf32> to vector<128x128xbf16>
    %dot_general3A = arith.constant dense<0.000000e+00> : vector<128x128xf32>
    %dot_general3A_160 = tpu.matmul %convert_element_type3A_159, %convert_element_type3A_4, %dot_general3A {dimension_numbers = #tpu.dot_dimension_numbers<[1], [0], [0], [1], [0, 0, 1, 1], [], []>, transpose_lhs_hint = false} : vector<128x128xbf16>, vector<128x128xbf16>, vector<128x128xf32> -> vector<128x128xf32>
    %slice3A = vector.extract_strided_slice %dot_general3A_160 {offsets = [0, 127], sizes = [128, 1], strides = [1, 1]} : vector<128x128xf32> to vector<128x1xf32>
    %convert_element_type3A_161 = arith.truncf %slice3A : vector<128x1xf32> to vector<128x1xbf16>
    %dot_general3A_162 = arith.constant dense<0.000000e+00> : vector<128x1xf32>
    %dot_general3A_163 = tpu.matmul %convert_element_type3A_7, %convert_element_type3A_161, %dot_general3A_162 {dimension_numbers = #tpu.dot_dimension_numbers<[1], [0], [0], [1], [0, 0, 1, 1], [], []>, transpose_lhs_hint = false} : vector<128x128xbf16>, vector<128x1xbf16>, vector<128x1xf32> -> vector<128x1xf32>
    %add3A_164 = vector.broadcast %dot_general3A_163 : vector<128x1xf32> to vector<128x128xf32>
    %add3A_165 = arith.addf %dot_general3A_160, %add3A_164 : vector<128x128xf32>
    %sub3A = arith.constant 1.000000e+00 : f32
    %sub3A_166 = vector.broadcast %sub3A : f32 to vector<128x128xf32>
    %sub3A_167 = arith.subf %add3A_165, %sub3A_166 : vector<128x128xf32>
    %add3A_168 = vector.broadcast %broadcast_in_dim3A_148 : vector<1x1xf32> to vector<128x128xf32>
    %add3A_169 = arith.addf %sub3A_167, %add3A_168 : vector<128x128xf32>
    %select_n3A = arith.select %eq3A_9, %add3A_169, %broadcast_in_dim3A_156 : vector<128x128xi1>, vector<128x128xf32>
    %convert_element_type3A_170 = arith.extui %eq3A_12 : vector<128x128xi1> to vector<128x128xi32>
    %convert_element_type3A_171 = arith.sitofp %convert_element_type3A_170 : vector<128x128xi32> to vector<128x128xf32>
    %convert_element_type3A_172 = arith.truncf %convert_element_type3A_171 : vector<128x128xf32> to vector<128x128xbf16>
    %dot_general3A_173 = arith.constant dense<0.000000e+00> : vector<128x128xf32>
    %dot_general3A_174 = tpu.matmul %convert_element_type3A_172, %convert_element_type3A_4, %dot_general3A_173 {dimension_numbers = #tpu.dot_dimension_numbers<[1], [0], [0], [1], [0, 0, 1, 1], [], []>, transpose_lhs_hint = false} : vector<128x128xbf16>, vector<128x128xbf16>, vector<128x128xf32> -> vector<128x128xf32>
    %slice3A_175 = vector.extract_strided_slice %dot_general3A_174 {offsets = [0, 127], sizes = [128, 1], strides = [1, 1]} : vector<128x128xf32> to vector<128x1xf32>
    %convert_element_type3A_176 = arith.truncf %slice3A_175 : vector<128x1xf32> to vector<128x1xbf16>
    %dot_general3A_177 = arith.constant dense<0.000000e+00> : vector<128x1xf32>
    %dot_general3A_178 = tpu.matmul %convert_element_type3A_7, %convert_element_type3A_176, %dot_general3A_177 {dimension_numbers = #tpu.dot_dimension_numbers<[1], [0], [0], [1], [0, 0, 1, 1], [], []>, transpose_lhs_hint = false} : vector<128x128xbf16>, vector<128x1xbf16>, vector<128x1xf32> -> vector<128x1xf32>
    %add3A_179 = vector.broadcast %dot_general3A_178 : vector<128x1xf32> to vector<128x128xf32>
    %add3A_180 = arith.addf %dot_general3A_174, %add3A_179 : vector<128x128xf32>
    %sub3A_181 = arith.constant 1.000000e+00 : f32
    %sub3A_182 = vector.broadcast %sub3A_181 : f32 to vector<128x128xf32>
    %sub3A_183 = arith.subf %add3A_180, %sub3A_182 : vector<128x128xf32>
    %add3A_184 = vector.broadcast %add3A : vector<1x1xf32> to vector<128x128xf32>
    %add3A_185 = arith.addf %sub3A_183, %add3A_184 : vector<128x128xf32>
    %select_n3A_186 = arith.select %eq3A_12, %add3A_185, %select_n3A : vector<128x128xi1>, vector<128x128xf32>
    %convert_element_type3A_187 = arith.extui %eq3A_15 : vector<128x128xi1> to vector<128x128xi32>
    %convert_element_type3A_188 = arith.sitofp %convert_element_type3A_187 : vector<128x128xi32> to vector<128x128xf32>
    %convert_element_type3A_189 = arith.truncf %convert_element_type3A_188 : vector<128x128xf32> to vector<128x128xbf16>
    %dot_general3A_190 = arith.constant dense<0.000000e+00> : vector<128x128xf32>
    %dot_general3A_191 = tpu.matmul %convert_element_type3A_189, %convert_element_type3A_4, %dot_general3A_190 {dimension_numbers = #tpu.dot_dimension_numbers<[1], [0], [0], [1], [0, 0, 1, 1], [], []>, transpose_lhs_hint = false} : vector<128x128xbf16>, vector<128x128xbf16>, vector<128x128xf32> -> vector<128x128xf32>
    %slice3A_192 = vector.extract_strided_slice %dot_general3A_191 {offsets = [0, 127], sizes = [128, 1], strides = [1, 1]} : vector<128x128xf32> to vector<128x1xf32>
    %convert_element_type3A_193 = arith.truncf %slice3A_192 : vector<128x1xf32> to vector<128x1xbf16>
    %dot_general3A_194 = arith.constant dense<0.000000e+00> : vector<128x1xf32>
    %dot_general3A_195 = tpu.matmul %convert_element_type3A_7, %convert_element_type3A_193, %dot_general3A_194 {dimension_numbers = #tpu.dot_dimension_numbers<[1], [0], [0], [1], [0, 0, 1, 1], [], []>, transpose_lhs_hint = false} : vector<128x128xbf16>, vector<128x1xbf16>, vector<128x1xf32> -> vector<128x1xf32>
    %add3A_196 = vector.broadcast %dot_general3A_195 : vector<128x1xf32> to vector<128x128xf32>
    %add3A_197 = arith.addf %dot_general3A_191, %add3A_196 : vector<128x128xf32>
    %sub3A_198 = arith.constant 1.000000e+00 : f32
    %sub3A_199 = vector.broadcast %sub3A_198 : f32 to vector<128x128xf32>
    %sub3A_200 = arith.subf %add3A_197, %sub3A_199 : vector<128x128xf32>
    %add3A_201 = vector.broadcast %add3A_149 : vector<1x1xf32> to vector<128x128xf32>
    %add3A_202 = arith.addf %sub3A_200, %add3A_201 : vector<128x128xf32>
    %select_n3A_203 = arith.select %eq3A_15, %add3A_202, %select_n3A_186 : vector<128x128xi1>, vector<128x128xf32>
    %convert_element_type3A_204 = arith.extui %eq3A_18 : vector<128x128xi1> to vector<128x128xi32>
    %convert_element_type3A_205 = arith.sitofp %convert_element_type3A_204 : vector<128x128xi32> to vector<128x128xf32>
    %convert_element_type3A_206 = arith.truncf %convert_element_type3A_205 : vector<128x128xf32> to vector<128x128xbf16>
    %dot_general3A_207 = arith.constant dense<0.000000e+00> : vector<128x128xf32>
    %dot_general3A_208 = tpu.matmul %convert_element_type3A_206, %convert_element_type3A_4, %dot_general3A_207 {dimension_numbers = #tpu.dot_dimension_numbers<[1], [0], [0], [1], [0, 0, 1, 1], [], []>, transpose_lhs_hint = false} : vector<128x128xbf16>, vector<128x128xbf16>, vector<128x128xf32> -> vector<128x128xf32>
    %slice3A_209 = vector.extract_strided_slice %dot_general3A_208 {offsets = [0, 127], sizes = [128, 1], strides = [1, 1]} : vector<128x128xf32> to vector<128x1xf32>
    %convert_element_type3A_210 = arith.truncf %slice3A_209 : vector<128x1xf32> to vector<128x1xbf16>
    %dot_general3A_211 = arith.constant dense<0.000000e+00> : vector<128x1xf32>
    %dot_general3A_212 = tpu.matmul %convert_element_type3A_7, %convert_element_type3A_210, %dot_general3A_211 {dimension_numbers = #tpu.dot_dimension_numbers<[1], [0], [0], [1], [0, 0, 1, 1], [], []>, transpose_lhs_hint = false} : vector<128x128xbf16>, vector<128x1xbf16>, vector<128x1xf32> -> vector<128x1xf32>
    %add3A_213 = vector.broadcast %dot_general3A_212 : vector<128x1xf32> to vector<128x128xf32>
    %add3A_214 = arith.addf %dot_general3A_208, %add3A_213 : vector<128x128xf32>
    %sub3A_215 = arith.constant 1.000000e+00 : f32
    %sub3A_216 = vector.broadcast %sub3A_215 : f32 to vector<128x128xf32>
    %sub3A_217 = arith.subf %add3A_214, %sub3A_216 : vector<128x128xf32>
    %add3A_218 = vector.broadcast %add3A_150 : vector<1x1xf32> to vector<128x128xf32>
    %add3A_219 = arith.addf %sub3A_217, %add3A_218 : vector<128x128xf32>
    %select_n3A_220 = arith.select %eq3A_18, %add3A_219, %select_n3A_203 : vector<128x128xi1>, vector<128x128xf32>
    %convert_element_type3A_221 = arith.extui %eq3A_21 : vector<128x128xi1> to vector<128x128xi32>
    %convert_element_type3A_222 = arith.sitofp %convert_element_type3A_221 : vector<128x128xi32> to vector<128x128xf32>
    %convert_element_type3A_223 = arith.truncf %convert_element_type3A_222 : vector<128x128xf32> to vector<128x128xbf16>
    %dot_general3A_224 = arith.constant dense<0.000000e+00> : vector<128x128xf32>
    %dot_general3A_225 = tpu.matmul %convert_element_type3A_223, %convert_element_type3A_4, %dot_general3A_224 {dimension_numbers = #tpu.dot_dimension_numbers<[1], [0], [0], [1], [0, 0, 1, 1], [], []>, transpose_lhs_hint = false} : vector<128x128xbf16>, vector<128x128xbf16>, vector<128x128xf32> -> vector<128x128xf32>
    %slice3A_226 = vector.extract_strided_slice %dot_general3A_225 {offsets = [0, 127], sizes = [128, 1], strides = [1, 1]} : vector<128x128xf32> to vector<128x1xf32>
    %convert_element_type3A_227 = arith.truncf %slice3A_226 : vector<128x1xf32> to vector<128x1xbf16>
    %dot_general3A_228 = arith.constant dense<0.000000e+00> : vector<128x1xf32>
    %dot_general3A_229 = tpu.matmul %convert_element_type3A_7, %convert_element_type3A_227, %dot_general3A_228 {dimension_numbers = #tpu.dot_dimension_numbers<[1], [0], [0], [1], [0, 0, 1, 1], [], []>, transpose_lhs_hint = false} : vector<128x128xbf16>, vector<128x1xbf16>, vector<128x1xf32> -> vector<128x1xf32>
    %add3A_230 = vector.broadcast %dot_general3A_229 : vector<128x1xf32> to vector<128x128xf32>
    %add3A_231 = arith.addf %dot_general3A_225, %add3A_230 : vector<128x128xf32>
    %sub3A_232 = arith.constant 1.000000e+00 : f32
    %sub3A_233 = vector.broadcast %sub3A_232 : f32 to vector<128x128xf32>
    %sub3A_234 = arith.subf %add3A_231, %sub3A_233 : vector<128x128xf32>
    %add3A_235 = vector.broadcast %add3A_151 : vector<1x1xf32> to vector<128x128xf32>
    %add3A_236 = arith.addf %sub3A_234, %add3A_235 : vector<128x128xf32>
    %select_n3A_237 = arith.select %eq3A_21, %add3A_236, %select_n3A_220 : vector<128x128xi1>, vector<128x128xf32>
    %convert_element_type3A_238 = arith.extui %eq3A_24 : vector<128x128xi1> to vector<128x128xi32>
    %convert_element_type3A_239 = arith.sitofp %convert_element_type3A_238 : vector<128x128xi32> to vector<128x128xf32>
    %convert_element_type3A_240 = arith.truncf %convert_element_type3A_239 : vector<128x128xf32> to vector<128x128xbf16>
    %dot_general3A_241 = arith.constant dense<0.000000e+00> : vector<128x128xf32>
    %dot_general3A_242 = tpu.matmul %convert_element_type3A_240, %convert_element_type3A_4, %dot_general3A_241 {dimension_numbers = #tpu.dot_dimension_numbers<[1], [0], [0], [1], [0, 0, 1, 1], [], []>, transpose_lhs_hint = false} : vector<128x128xbf16>, vector<128x128xbf16>, vector<128x128xf32> -> vector<128x128xf32>
    %slice3A_243 = vector.extract_strided_slice %dot_general3A_242 {offsets = [0, 127], sizes = [128, 1], strides = [1, 1]} : vector<128x128xf32> to vector<128x1xf32>
    %convert_element_type3A_244 = arith.truncf %slice3A_243 : vector<128x1xf32> to vector<128x1xbf16>
    %dot_general3A_245 = arith.constant dense<0.000000e+00> : vector<128x1xf32>
    %dot_general3A_246 = tpu.matmul %convert_element_type3A_7, %convert_element_type3A_244, %dot_general3A_245 {dimension_numbers = #tpu.dot_dimension_numbers<[1], [0], [0], [1], [0, 0, 1, 1], [], []>, transpose_lhs_hint = false} : vector<128x128xbf16>, vector<128x1xbf16>, vector<128x1xf32> -> vector<128x1xf32>
    %add3A_247 = vector.broadcast %dot_general3A_246 : vector<128x1xf32> to vector<128x128xf32>
    %add3A_248 = arith.addf %dot_general3A_242, %add3A_247 : vector<128x128xf32>
    %sub3A_249 = arith.constant 1.000000e+00 : f32
    %sub3A_250 = vector.broadcast %sub3A_249 : f32 to vector<128x128xf32>
    %sub3A_251 = arith.subf %add3A_248, %sub3A_250 : vector<128x128xf32>
    %add3A_252 = vector.broadcast %add3A_152 : vector<1x1xf32> to vector<128x128xf32>
    %add3A_253 = arith.addf %sub3A_251, %add3A_252 : vector<128x128xf32>
    %select_n3A_254 = arith.select %eq3A_24, %add3A_253, %select_n3A_237 : vector<128x128xi1>, vector<128x128xf32>
    %convert_element_type3A_255 = arith.extui %eq3A_27 : vector<128x128xi1> to vector<128x128xi32>
    %convert_element_type3A_256 = arith.sitofp %convert_element_type3A_255 : vector<128x128xi32> to vector<128x128xf32>
    %convert_element_type3A_257 = arith.truncf %convert_element_type3A_256 : vector<128x128xf32> to vector<128x128xbf16>
    %dot_general3A_258 = arith.constant dense<0.000000e+00> : vector<128x128xf32>
    %dot_general3A_259 = tpu.matmul %convert_element_type3A_257, %convert_element_type3A_4, %dot_general3A_258 {dimension_numbers = #tpu.dot_dimension_numbers<[1], [0], [0], [1], [0, 0, 1, 1], [], []>, transpose_lhs_hint = false} : vector<128x128xbf16>, vector<128x128xbf16>, vector<128x128xf32> -> vector<128x128xf32>
    %slice3A_260 = vector.extract_strided_slice %dot_general3A_259 {offsets = [0, 127], sizes = [128, 1], strides = [1, 1]} : vector<128x128xf32> to vector<128x1xf32>
    %convert_element_type3A_261 = arith.truncf %slice3A_260 : vector<128x1xf32> to vector<128x1xbf16>
    %dot_general3A_262 = arith.constant dense<0.000000e+00> : vector<128x1xf32>
    %dot_general3A_263 = tpu.matmul %convert_element_type3A_7, %convert_element_type3A_261, %dot_general3A_262 {dimension_numbers = #tpu.dot_dimension_numbers<[1], [0], [0], [1], [0, 0, 1, 1], [], []>, transpose_lhs_hint = false} : vector<128x128xbf16>, vector<128x1xbf16>, vector<128x1xf32> -> vector<128x1xf32>
    %add3A_264 = vector.broadcast %dot_general3A_263 : vector<128x1xf32> to vector<128x128xf32>
    %add3A_265 = arith.addf %dot_general3A_259, %add3A_264 : vector<128x128xf32>
    %sub3A_266 = arith.constant 1.000000e+00 : f32
    %sub3A_267 = vector.broadcast %sub3A_266 : f32 to vector<128x128xf32>
    %sub3A_268 = arith.subf %add3A_265, %sub3A_267 : vector<128x128xf32>
    %add3A_269 = vector.broadcast %add3A_153 : vector<1x1xf32> to vector<128x128xf32>
    %add3A_270 = arith.addf %sub3A_268, %add3A_269 : vector<128x128xf32>
    %select_n3A_271 = arith.select %eq3A_27, %add3A_270, %select_n3A_254 : vector<128x128xi1>, vector<128x128xf32>
    %convert_element_type3A_272 = arith.extui %eq3A_30 : vector<128x128xi1> to vector<128x128xi32>
    %convert_element_type3A_273 = arith.sitofp %convert_element_type3A_272 : vector<128x128xi32> to vector<128x128xf32>
    %convert_element_type3A_274 = arith.truncf %convert_element_type3A_273 : vector<128x128xf32> to vector<128x128xbf16>
    %dot_general3A_275 = arith.constant dense<0.000000e+00> : vector<128x128xf32>
    %dot_general3A_276 = tpu.matmul %convert_element_type3A_274, %convert_element_type3A_4, %dot_general3A_275 {dimension_numbers = #tpu.dot_dimension_numbers<[1], [0], [0], [1], [0, 0, 1, 1], [], []>, transpose_lhs_hint = false} : vector<128x128xbf16>, vector<128x128xbf16>, vector<128x128xf32> -> vector<128x128xf32>
    %slice3A_277 = vector.extract_strided_slice %dot_general3A_276 {offsets = [0, 127], sizes = [128, 1], strides = [1, 1]} : vector<128x128xf32> to vector<128x1xf32>
    %convert_element_type3A_278 = arith.truncf %slice3A_277 : vector<128x1xf32> to vector<128x1xbf16>
    %dot_general3A_279 = arith.constant dense<0.000000e+00> : vector<128x1xf32>
    %dot_general3A_280 = tpu.matmul %convert_element_type3A_7, %convert_element_type3A_278, %dot_general3A_279 {dimension_numbers = #tpu.dot_dimension_numbers<[1], [0], [0], [1], [0, 0, 1, 1], [], []>, transpose_lhs_hint = false} : vector<128x128xbf16>, vector<128x1xbf16>, vector<128x1xf32> -> vector<128x1xf32>
    %add3A_281 = vector.broadcast %dot_general3A_280 : vector<128x1xf32> to vector<128x128xf32>
    %add3A_282 = arith.addf %dot_general3A_276, %add3A_281 : vector<128x128xf32>
    %sub3A_283 = arith.constant 1.000000e+00 : f32
    %sub3A_284 = vector.broadcast %sub3A_283 : f32 to vector<128x128xf32>
    %sub3A_285 = arith.subf %add3A_282, %sub3A_284 : vector<128x128xf32>
    %add3A_286 = vector.broadcast %add3A_154 : vector<1x1xf32> to vector<128x128xf32>
    %add3A_287 = arith.addf %sub3A_285, %add3A_286 : vector<128x128xf32>
    %select_n3A_288 = arith.select %eq3A_30, %add3A_287, %select_n3A_271 : vector<128x128xi1>, vector<128x128xf32>
    %convert_element_type3A_289 = arith.fptosi %select_n3A_288 : vector<128x128xf32> to vector<128x128xi32>
    %swap3A = arith.constant 0 : index
    %swap3A_290 = arith.constant 0 : index
    %swap3A_291 = vector.load %arg2[%swap3A, %swap3A_290] : memref<128x128xi32, #tpu.memory_space<vmem>>, vector<128x128xi32>
    tpu.vector_store %arg2[%swap3A, %swap3A_290], %convert_element_type3A_289 {strides = array<i32>} : memref<128x128xi32, #tpu.memory_space<vmem>>, vector<128x128xi32>,
    %iota3A_292 = tpu.iota {dimensions = array<i32: 0>} : vector<24x1xi32>
    %convert_element_type3A_293 = arith.sitofp %iota3A_292 : vector<24x1xi32> to vector<24x1xf32>
    %mul3A_294 = arith.constant 1.024000e+03 : f32
    %mul3A_295 = vector.broadcast %mul3A_294 : f32 to vector<24x1xf32>
    %mul3A_296 = arith.mulf %convert_element_type3A_293, %mul3A_295 : vector<24x1xf32>
    %broadcast_in_dim3A_297 = arith.constant 0 : i32
    %broadcast_in_dim3A_298 = vector.broadcast %broadcast_in_dim3A_297 : i32 to vector<24x1xi32>
    %add3A_299 = arith.addf %broadcast_in_dim3A_148, %mul3A_97 : vector<1x1xf32>
    %ge3A = vector.broadcast %add3A_299 : vector<1x1xf32> to vector<24x1xf32>
    %ge3A_300 = arith.cmpf oge, %mul3A_296, %ge3A : vector<24x1xf32>
    %convert_element_type3A_301 = arith.extui %ge3A_300 : vector<24x1xi1> to vector<24x1xi32>
    %add3A_302 = arith.addi %broadcast_in_dim3A_298, %convert_element_type3A_301 : vector<24x1xi32>
    %add3A_303 = arith.addf %add3A, %mul3A_104 : vector<1x1xf32>
    %ge3A_304 = vector.broadcast %add3A_303 : vector<1x1xf32> to vector<24x1xf32>
    %ge3A_305 = arith.cmpf oge, %mul3A_296, %ge3A_304 : vector<24x1xf32>
    %convert_element_type3A_306 = arith.extui %ge3A_305 : vector<24x1xi1> to vector<24x1xi32>
    %add3A_307 = arith.addi %add3A_302, %convert_element_type3A_306 : vector<24x1xi32>
    %add3A_308 = arith.addf %add3A_149, %mul3A_111 : vector<1x1xf32>
    %ge3A_309 = vector.broadcast %add3A_308 : vector<1x1xf32> to vector<24x1xf32>
    %ge3A_310 = arith.cmpf oge, %mul3A_296, %ge3A_309 : vector<24x1xf32>
    %convert_element_type3A_311 = arith.extui %ge3A_310 : vector<24x1xi1> to vector<24x1xi32>
    %add3A_312 = arith.addi %add3A_307, %convert_element_type3A_311 : vector<24x1xi32>
    %add3A_313 = arith.addf %add3A_150, %mul3A_118 : vector<1x1xf32>
    %ge3A_314 = vector.broadcast %add3A_313 : vector<1x1xf32> to vector<24x1xf32>
    %ge3A_315 = arith.cmpf oge, %mul3A_296, %ge3A_314 : vector<24x1xf32>
    %convert_element_type3A_316 = arith.extui %ge3A_315 : vector<24x1xi1> to vector<24x1xi32>
    %add3A_317 = arith.addi %add3A_312, %convert_element_type3A_316 : vector<24x1xi32>
    %add3A_318 = arith.addf %add3A_151, %mul3A_125 : vector<1x1xf32>
    %ge3A_319 = vector.broadcast %add3A_318 : vector<1x1xf32> to vector<24x1xf32>
    %ge3A_320 = arith.cmpf oge, %mul3A_296, %ge3A_319 : vector<24x1xf32>
    %convert_element_type3A_321 = arith.extui %ge3A_320 : vector<24x1xi1> to vector<24x1xi32>
    %add3A_322 = arith.addi %add3A_317, %convert_element_type3A_321 : vector<24x1xi32>
    %add3A_323 = arith.addf %add3A_152, %mul3A_132 : vector<1x1xf32>
    %ge3A_324 = vector.broadcast %add3A_323 : vector<1x1xf32> to vector<24x1xf32>
    %ge3A_325 = arith.cmpf oge, %mul3A_296, %ge3A_324 : vector<24x1xf32>
    %convert_element_type3A_326 = arith.extui %ge3A_325 : vector<24x1xi1> to vector<24x1xi32>
    %add3A_327 = arith.addi %add3A_322, %convert_element_type3A_326 : vector<24x1xi32>
    %add3A_328 = arith.addf %add3A_153, %mul3A_139 : vector<1x1xf32>
    %ge3A_329 = vector.broadcast %add3A_328 : vector<1x1xf32> to vector<24x1xf32>
    %ge3A_330 = arith.cmpf oge, %mul3A_296, %ge3A_329 : vector<24x1xf32>
    %convert_element_type3A_331 = arith.extui %ge3A_330 : vector<24x1xi1> to vector<24x1xi32>
    %add3A_332 = arith.addi %add3A_327, %convert_element_type3A_331 : vector<24x1xi32>
    %add3A_333 = arith.addf %add3A_154, %mul3A_146 : vector<1x1xf32>
    %ge3A_334 = vector.broadcast %add3A_333 : vector<1x1xf32> to vector<24x1xf32>
    %ge3A_335 = arith.cmpf oge, %mul3A_296, %ge3A_334 : vector<24x1xf32>
    %convert_element_type3A_336 = arith.extui %ge3A_335 : vector<24x1xi1> to vector<24x1xi32>
    %add3A_337 = arith.addi %add3A_332, %convert_element_type3A_336 : vector<24x1xi32>
    %min3A = arith.constant 7 : i32
    %min3A_338 = vector.broadcast %min3A : i32 to vector<24x1xi32>
    %min3A_339 = arith.minsi %add3A_337, %min3A_338 : vector<24x1xi32>
    %swap3A_340 = arith.constant 0 : index
    %swap3A_341 = arith.constant 0 : index
    %swap3A_342 = vector.load %arg3[%swap3A_340, %swap3A_341] : memref<24x1xi32, #tpu.memory_space<vmem>>, vector<24x1xi32>
    tpu.vector_store %arg3[%swap3A_340, %swap3A_341], %min3A_339 {strides = array<i32>} : memref<24x1xi32, #tpu.memory_space<vmem>>, vector<24x1xi32>,
    return
  }
  func.func @transform_0(%arg0: i32) -> (i32, i32) {
    %c0_i32 = arith.constant 0 : i32
    %c0_i32_0 = arith.constant 0 : i32
    %c0_i32_1 = arith.constant 0 : i32
    return %c0_i32, %c0_i32_0 : i32, i32
  }
  func.func @transform_1(%arg0: i32) -> (i32, i32) {
    %c0_i32 = arith.constant 0 : i32
    %c0_i32_0 = arith.constant 0 : i32
    %c0_i32_1 = arith.constant 0 : i32
    return %c0_i32, %c0_i32_0 : i32, i32
  }
  func.func @transform_2(%arg0: i32) -> (i32, i32) {
    %c0_i32 = arith.constant 0 : i32
    %c0_i32_0 = arith.constant 0 : i32
    %c0_i32_1 = arith.constant 0 : i32
    return %c0_i32, %c0_i32_0 : i32, i32
  }
}

module attributes {stable_mosaic.version = 14 : i64} {
  func.func @_mlp_kernel(%arg0: i32, %arg1: memref<24xi32, #tpu.memory_space<smem>>, %arg2: memref<1024x256xf32, #tpu.memory_space<vmem>>, %arg3: memref<1x160x256xbf16, #tpu.memory_space<vmem>>, %arg4: memref<1x1x256xf32, #tpu.memory_space<vmem>>, %arg5: memref<1x256x256xbf16, #tpu.memory_space<vmem>>, %arg6: memref<1x1x256xf32, #tpu.memory_space<vmem>>, %arg7: memref<1x256x256xbf16, #tpu.memory_space<vmem>>, %arg8: memref<1x1x256xf32, #tpu.memory_space<vmem>>, %arg9: memref<1024x256xf32, #tpu.memory_space<vmem>>) attributes {dimension_semantics = [#tpu.dimension_semantics<arbitrary>], iteration_bounds = array<i64: 24>, scalar_prefetch = 1 : i64, scratch_operands = 0 : i64, tpu.core_type = #tpu.core_type<tc>, window_params = [{transform_indices = @transform_0, window_bounds = array<i64: 1024, 256>}, {transform_indices = @transform_1, window_bounds = array<i64: 1, 160, 256>}, {transform_indices = @transform_2, window_bounds = array<i64: 1, 1, 256>}, {transform_indices = @transform_3, window_bounds = array<i64: 1, 256, 256>}, {transform_indices = @transform_4, window_bounds = array<i64: 1, 1, 256>}, {transform_indices = @transform_5, window_bounds = array<i64: 1, 256, 256>}, {transform_indices = @transform_6, window_bounds = array<i64: 1, 1, 256>}, {transform_indices = @transform_7, window_bounds = array<i64: 1024, 256>}]} {
    %get3A = arith.constant 0 : index
    %get3A_0 = arith.constant 0 : index
    %get3A_1 = vector.load %arg2[%get3A, %get3A_0] : memref<1024x256xf32, #tpu.memory_space<vmem>>, vector<1024x160xf32>
    %convert_element_type3A = arith.truncf %get3A_1 : vector<1024x160xf32> to vector<1024x160xbf16>
    %get3A_2 = arith.constant 0 : index
    %get3A_3 = arith.constant 0 : index
    %get3A_4 = arith.constant 0 : index
    %get3A_5 = vector.load %arg3[%get3A_2, %get3A_3, %get3A_4] : memref<1x160x256xbf16, #tpu.memory_space<vmem>>, vector<1x160x256xbf16>
    %get3A_6 = vector.shape_cast %get3A_5 : vector<1x160x256xbf16> to vector<160x256xbf16>
    %dot_general3A = arith.constant dense<0.000000e+00> : vector<1024x256xf32>
    %dot_general3A_7 = tpu.matmul %convert_element_type3A, %get3A_6, %dot_general3A {dimension_numbers = #tpu.dot_dimension_numbers<[1], [0], [0], [1], [0, 0, 1, 1], [], []>, transpose_lhs_hint = false} : vector<1024x160xbf16>, vector<160x256xbf16>, vector<1024x256xf32> -> vector<1024x256xf32>
    %get3A_8 = arith.constant 0 : index
    %get3A_9 = arith.constant 0 : index
    %get3A_10 = arith.constant 0 : index
    %get3A_11 = vector.load %arg4[%get3A_8, %get3A_9, %get3A_10] : memref<1x1x256xf32, #tpu.memory_space<vmem>>, vector<1x1x256xf32>
    %get3A_12 = vector.shape_cast %get3A_11 : vector<1x1x256xf32> to vector<1x256xf32>
    %add3A = vector.broadcast %get3A_12 : vector<1x256xf32> to vector<1024x256xf32>
    %add3A_13 = arith.addf %dot_general3A_7, %add3A : vector<1024x256xf32>
    %max3A = arith.constant 0.000000e+00 : f32
    %max3A_14 = vector.broadcast %max3A : f32 to vector<1024x256xf32>
    %max3A_15 = arith.maximumf %add3A_13, %max3A_14 : vector<1024x256xf32>
    %convert_element_type3A_16 = arith.truncf %max3A_15 : vector<1024x256xf32> to vector<1024x256xbf16>
    %get3A_17 = arith.constant 0 : index
    %get3A_18 = arith.constant 0 : index
    %get3A_19 = arith.constant 0 : index
    %get3A_20 = vector.load %arg5[%get3A_17, %get3A_18, %get3A_19] : memref<1x256x256xbf16, #tpu.memory_space<vmem>>, vector<1x256x256xbf16>
    %get3A_21 = vector.shape_cast %get3A_20 : vector<1x256x256xbf16> to vector<256x256xbf16>
    %dot_general3A_22 = arith.constant dense<0.000000e+00> : vector<1024x256xf32>
    %dot_general3A_23 = tpu.matmul %convert_element_type3A_16, %get3A_21, %dot_general3A_22 {dimension_numbers = #tpu.dot_dimension_numbers<[1], [0], [0], [1], [0, 0, 1, 1], [], []>, transpose_lhs_hint = false} : vector<1024x256xbf16>, vector<256x256xbf16>, vector<1024x256xf32> -> vector<1024x256xf32>
    %get3A_24 = arith.constant 0 : index
    %get3A_25 = arith.constant 0 : index
    %get3A_26 = arith.constant 0 : index
    %get3A_27 = vector.load %arg6[%get3A_24, %get3A_25, %get3A_26] : memref<1x1x256xf32, #tpu.memory_space<vmem>>, vector<1x1x256xf32>
    %get3A_28 = vector.shape_cast %get3A_27 : vector<1x1x256xf32> to vector<1x256xf32>
    %add3A_29 = vector.broadcast %get3A_28 : vector<1x256xf32> to vector<1024x256xf32>
    %add3A_30 = arith.addf %dot_general3A_23, %add3A_29 : vector<1024x256xf32>
    %max3A_31 = arith.constant 0.000000e+00 : f32
    %max3A_32 = vector.broadcast %max3A_31 : f32 to vector<1024x256xf32>
    %max3A_33 = arith.maximumf %add3A_30, %max3A_32 : vector<1024x256xf32>
    %convert_element_type3A_34 = arith.truncf %max3A_33 : vector<1024x256xf32> to vector<1024x256xbf16>
    %get3A_35 = arith.constant 0 : index
    %get3A_36 = arith.constant 0 : index
    %get3A_37 = arith.constant 0 : index
    %get3A_38 = vector.load %arg7[%get3A_35, %get3A_36, %get3A_37] : memref<1x256x256xbf16, #tpu.memory_space<vmem>>, vector<1x256x256xbf16>
    %get3A_39 = vector.shape_cast %get3A_38 : vector<1x256x256xbf16> to vector<256x256xbf16>
    %dot_general3A_40 = arith.constant dense<0.000000e+00> : vector<1024x256xf32>
    %dot_general3A_41 = tpu.matmul %convert_element_type3A_34, %get3A_39, %dot_general3A_40 {dimension_numbers = #tpu.dot_dimension_numbers<[1], [0], [0], [1], [0, 0, 1, 1], [], []>, transpose_lhs_hint = false} : vector<1024x256xbf16>, vector<256x256xbf16>, vector<1024x256xf32> -> vector<1024x256xf32>
    %get3A_42 = arith.constant 0 : index
    %get3A_43 = arith.constant 0 : index
    %get3A_44 = arith.constant 0 : index
    %get3A_45 = vector.load %arg8[%get3A_42, %get3A_43, %get3A_44] : memref<1x1x256xf32, #tpu.memory_space<vmem>>, vector<1x1x256xf32>
    %get3A_46 = vector.shape_cast %get3A_45 : vector<1x1x256xf32> to vector<1x256xf32>
    %add3A_47 = vector.broadcast %get3A_46 : vector<1x256xf32> to vector<1024x256xf32>
    %add3A_48 = arith.addf %dot_general3A_41, %add3A_47 : vector<1024x256xf32>
    %slice3A = vector.extract_strided_slice %add3A_48 {offsets = [0, 0], sizes = [1024, 128], strides = [1, 1]} : vector<1024x256xf32> to vector<1024x128xf32>
    %get3A_49 = arith.constant 0 : index
    %get3A_50 = arith.constant 0 : index
    %get3A_51 = vector.load %arg2[%get3A_49, %get3A_50] : memref<1024x256xf32, #tpu.memory_space<vmem>>, vector<1024x128xf32>
    %add3A_52 = arith.addf %slice3A, %get3A_51 : vector<1024x128xf32>
    %swap3A = arith.constant 0 : index
    %swap3A_53 = arith.constant 0 : index
    %swap3A_54 = vector.load %arg9[%swap3A, %swap3A_53] : memref<1024x256xf32, #tpu.memory_space<vmem>>, vector<1024x128xf32>
    tpu.vector_store %arg9[%swap3A, %swap3A_53], %add3A_52 {strides = array<i32>} : memref<1024x256xf32, #tpu.memory_space<vmem>>, vector<1024x128xf32>,
    %slice3A_55 = vector.extract_strided_slice %add3A_48 {offsets = [0, 128], sizes = [1024, 128], strides = [1, 1]} : vector<1024x256xf32> to vector<1024x128xf32>
    %swap3A_56 = arith.constant 0 : index
    %swap3A_57 = arith.constant 128 : index
    %swap3A_58 = vector.load %arg9[%swap3A_56, %swap3A_57] : memref<1024x256xf32, #tpu.memory_space<vmem>>, vector<1024x128xf32>
    tpu.vector_store %arg9[%swap3A_56, %swap3A_57], %slice3A_55 {strides = array<i32>} : memref<1024x256xf32, #tpu.memory_space<vmem>>, vector<1024x128xf32>,
    return
  }
  func.func @transform_0(%arg0: i32, %arg1: memref<24xi32, #tpu.memory_space<smem>>) -> (i32, i32) {
    %c0_i32 = arith.constant 0 : i32
    %c0_i32_0 = arith.constant 0 : i32
    return %arg0, %c0_i32 : i32, i32
  }
  func.func @transform_1(%arg0: i32, %arg1: memref<24xi32, #tpu.memory_space<smem>>) -> (i32, i32, i32) {
    %get3A = arith.index_cast %arg0 : i32 to index
    %get3A_0 = memref.load %arg1[%get3A] : memref<24xi32, #tpu.memory_space<smem>>
    %c0_i32 = arith.constant 0 : i32
    %c0_i32_1 = arith.constant 0 : i32
    %c0_i32_2 = arith.constant 0 : i32
    return %get3A_0, %c0_i32, %c0_i32_1 : i32, i32, i32
  }
  func.func @transform_2(%arg0: i32, %arg1: memref<24xi32, #tpu.memory_space<smem>>) -> (i32, i32, i32) {
    %get3A = arith.index_cast %arg0 : i32 to index
    %get3A_0 = memref.load %arg1[%get3A] : memref<24xi32, #tpu.memory_space<smem>>
    %c0_i32 = arith.constant 0 : i32
    %c0_i32_1 = arith.constant 0 : i32
    %c0_i32_2 = arith.constant 0 : i32
    return %get3A_0, %c0_i32, %c0_i32_1 : i32, i32, i32
  }
  func.func @transform_3(%arg0: i32, %arg1: memref<24xi32, #tpu.memory_space<smem>>) -> (i32, i32, i32) {
    %get3A = arith.index_cast %arg0 : i32 to index
    %get3A_0 = memref.load %arg1[%get3A] : memref<24xi32, #tpu.memory_space<smem>>
    %c0_i32 = arith.constant 0 : i32
    %c0_i32_1 = arith.constant 0 : i32
    %c0_i32_2 = arith.constant 0 : i32
    return %get3A_0, %c0_i32, %c0_i32_1 : i32, i32, i32
  }
  func.func @transform_4(%arg0: i32, %arg1: memref<24xi32, #tpu.memory_space<smem>>) -> (i32, i32, i32) {
    %get3A = arith.index_cast %arg0 : i32 to index
    %get3A_0 = memref.load %arg1[%get3A] : memref<24xi32, #tpu.memory_space<smem>>
    %c0_i32 = arith.constant 0 : i32
    %c0_i32_1 = arith.constant 0 : i32
    %c0_i32_2 = arith.constant 0 : i32
    return %get3A_0, %c0_i32, %c0_i32_1 : i32, i32, i32
  }
  func.func @transform_5(%arg0: i32, %arg1: memref<24xi32, #tpu.memory_space<smem>>) -> (i32, i32, i32) {
    %get3A = arith.index_cast %arg0 : i32 to index
    %get3A_0 = memref.load %arg1[%get3A] : memref<24xi32, #tpu.memory_space<smem>>
    %c0_i32 = arith.constant 0 : i32
    %c0_i32_1 = arith.constant 0 : i32
    %c0_i32_2 = arith.constant 0 : i32
    return %get3A_0, %c0_i32, %c0_i32_1 : i32, i32, i32
  }
  func.func @transform_6(%arg0: i32, %arg1: memref<24xi32, #tpu.memory_space<smem>>) -> (i32, i32, i32) {
    %get3A = arith.index_cast %arg0 : i32 to index
    %get3A_0 = memref.load %arg1[%get3A] : memref<24xi32, #tpu.memory_space<smem>>
    %c0_i32 = arith.constant 0 : i32
    %c0_i32_1 = arith.constant 0 : i32
    %c0_i32_2 = arith.constant 0 : i32
    return %get3A_0, %c0_i32, %c0_i32_1 : i32, i32, i32
  }
  func.func @transform_7(%arg0: i32, %arg1: memref<24xi32, #tpu.memory_space<smem>>) -> (i32, i32) {
    %c0_i32 = arith.constant 0 : i32
    %c0_i32_0 = arith.constant 0 : i32
    return %arg0, %c0_i32 : i32, i32
  }
}

</mosaic_0001>

<sc_bundles>
// kernel: kernel.6.cloned.1.call-start
scs
__scs_entry_jumppad:
0x0: {  	(pc) =	sbr.rel $0x88, $3  }
0x1: {  	(tag) =	ssettag $0x0;
	lr =	simm.s32 $0x1  }
0x2: {  	[smem:$0x3F98] =	sst lr;
	_ =	strace $0xD0000000  }
0x3: {  	_ = 	snop  }
0x4: {  	_ = 	snop  }
0x5: {  	_ = 	snop  }
0x6: {  	_ = 	snop  }
0x7: {  	_ = 	snop  }
__scs_overlays_trampoline_lowered:
0x8: {  	[smem:$0x3FA7] =	sst s0  }
0x9: {  	[smem:$0x3FA8] =	sst s1  }
0xa: {  	[smem:$0x3FA9] =	sst s2  }
0xb: {  	[smem:$0x3FAA] =	sst s3  }
0xc: {  	[smem:$0x3FAB] =	sst s4  }
0xd: {  	[smem:$0x3FAC] =	sst s5  }
0xe: {  	[smem:$0x3FAD] =	sst s6  }
0xf: {  	[smem:$0x3FAE] =	sst s7  }
0x10: {  	[smem:$0x3FAF] =	sst s8  }
0x11: {  	[smem:$0x3FB0] =	sst s9;
	s0 =	simm.s32 @!p0 $0x0  }
0x12: {  	s1 =	sld [smem:$0x3F96];
	s0 =	simm.s32 @p0 $0x1  }
0x13: {  	[smem:$0x3FB1] =	sst s0;
	s0 =	simm.s32 @!p1 $0x0  }
0x14: {  	s2 =	sld [smem:$0x3F95];
	s0 =	simm.s32 @p1 $0x1  }
0x15: {  	[smem:$0x3FB2] =	sst s0;
	s0 =	simm.s32 @!p2 $0x0  }
0x16: {  	s3 =	sld [smem:$0x3FDB];
	s0 =	simm.s32 @p2 $0x1  }
0x17: {  	s4 =	simm.s32 $0x1BF5;
	[smem:$0x3FB4] =	sst s0  }
0x18: {  	s0 =	sld [smem:$0x3F97];
	_ =	swait.ge [sflag:s4], $0x0  }
0x19: {  	s7 =	sld [smem:$0x3F98]  }
0x1a: {  	s8 =	sadd.s32 $0xFFFFE003, lr  }
0x1b: {  	s9 =	sadd.s32 $0xFFFFFEF7, lr;
	s5 =	simm.s32 $0xFFFFFFFF;
	p2 =	slt.u32 s8, $0xFFFFF086  }
0x1c: {  	p1 =	slt.u32 s9, $0xF7A;
	s5 =	simm.s32 @!p2 $0x0  }
0x1d: {  	s5 =	simm.s32 @p1 $0x1;
	p0 =	seq.s32 s7, s2  }
0x1e: {  	s7 =	smul.u32 @!p0 $0xF7A, s2;
	p2 =	seq.s32 @!p0 s5, $0x0  }
0x1f: {  	s9 =	smul.u32 $0xF7A, s1;
	s8 =	simm.s32 @!p0 $0x1BF5;
	p2 =	por !p2, p0  }
0x20: {  	[sflag:s8] =	ssyncset.s32 @!p0 $0xFFFFF086;
	s6 =	sadd.s32 @!p0 s3, s7;
	s7 =	simm.s32 @!p0 $0x108  }
0x21: {  	s3 =	sadd.s32 s3, s9;
	s6 =	sadd.s32 @!p0 $0x88, s6;
	s7 =	simm.s32 @p2 $0x1082  }
0x22: {  	[simem:s7], [sflag:s8] =	dma.local @!p0 [hbm:s6], $0xF7A  }
0x23: {  	s9 =	sor.u32 $0xD0000000, s2;
	s6 =	simm.s32 $0x108;
	_ =	swait.ge @!p0 [sflag:s8], $0x0  }
0x24: {  	s3 =	sadd.s32 $0x88, s3;
	s6 =	simm.s32 @!p1 $0x1082;
	[sflag:s4] =	ssyncset.s32 $0xFFFFF086  }
0x25: {  	[simem:s6], [sflag:s4] =	dma.local [hbm:s3], $0xF7A  }
0x26: {  	[smem:$0x3F98] =	sst s1;
	(tag) =	ssettag s2;
	_ =	strace s9  }
0x27: {  	s1 =	sld [smem:$0x3FA8]  }
0x28: {  	s2 =	sld [smem:$0x3FA9]  }
0x29: {  	s4 =	sld [smem:$0x3FAB]  }
0x2a: {  	p0 =	seq.s32 s5, $0x0;
	s5 =	sld [smem:$0x3FAC]  }
0x2b: {  	s6 =	sld [smem:$0x3FAD]  }
0x2c: {  	s7 =	sld [smem:$0x3FAE]  }
0x2d: {  	s3 =	simm.s32 $0x108;
	s8 =	sld [smem:$0x3FAF]  }
0x2e: {  	s3 =	simm.s32 @!p0 $0x1082;
	s9 =	sld [smem:$0x3FB0]  }
0x2f: {  	lr =	sadd.s32 s0, s3;
	s0 =	sld [smem:$0x3FA7]  }
0x30: {  	s3 =	sld [smem:$0x3FAA]  }
0x31: {  	[smem:$0x3FB3] =	sst s10  }
0x32: {  	s10 =	sld [smem:$0x3FB1];
	_ =	sdelay $0x3  }
0x33: {  	p0 =	seq.s32 s10, $0x1;
	s10 =	sld [smem:$0x3FB3];
	_ =	sdelay $0x3  }
0x34: {  	[smem:$0x3FB3] =	sst s10  }
0x35: {  	s10 =	sld [smem:$0x3FB2];
	_ =	sdelay $0x3  }
0x36: {  	p1 =	seq.s32 s10, $0x1;
	s10 =	sld [smem:$0x3FB3];
	_ =	sdelay $0x3  }
0x37: {  	[smem:$0x3FB3] =	sst s10  }
0x38: {  	s10 =	sld [smem:$0x3FB4]  }
0x39: {  	_ = 	snop;
	(pc) =	sbr.ind lr, $3  }
0x3a: {  	_ = 	snop  }
0x3b: {  	_ = 	snop  }
0x3c: {  	p2 =	seq.s32 s10, $0x1;
	s10 =	sld [smem:$0x3FB3]  }
0x3d: {  	_ =	shalt  }
0x3e: {  	_ =	shalt  }
0x3f: {  	_ =	shalt  }
0x40: {  	_ =	shalt  }
0x41: {  	_ =	shalt  }
0x42: {  	_ =	shalt  }
0x43: {  	_ =	shalt  }
0x44: {  	_ =	shalt  }
0x45: {  	_ =	shalt  }
0x46: {  	_ =	shalt  }
0x47: {  	_ =	shalt  }
0x48: {  	_ =	shalt  }
0x49: {  	_ =	shalt  }
0x4a: {  	_ =	shalt  }
0x4b: {  	_ =	shalt  }
0x4c: {  	_ =	shalt  }
0x4d: {  	_ =	shalt  }
0x4e: {  	_ =	shalt  }
0x4f: {  	_ =	shalt  }
0x50: {  	_ =	shalt  }
0x51: {  	_ =	shalt  }
0x52: {  	_ =	shalt  }
0x53: {  	_ =	shalt  }
0x54: {  	_ =	shalt  }
0x55: {  	_ =	shalt  }
0x56: {  	_ =	shalt  }
0x57: {  	_ =	shalt  }
0x58: {  	_ =	shalt  }
0x59: {  	_ =	shalt  }
0x5a: {  	_ =	shalt  }
0x5b: {  	_ =	shalt  }
0x5c: {  	_ =	shalt  }
0x5d: {  	_ =	shalt  }
0x5e: {  	_ =	shalt  }
0x5f: {  	_ =	shalt  }
0x60: {  	_ =	shalt  }
0x61: {  	_ =	shalt  }
0x62: {  	_ =	shalt  }
0x63: {  	_ =	shalt  }
0x64: {  	_ =	shalt  }
0x65: {  	_ =	shalt  }
0x66: {  	_ =	shalt  }
0x67: {  	_ =	shalt  }
0x68: {  	_ =	shalt  }
0x69: {  	_ =	shalt  }
0x6a: {  	_ =	shalt  }
0x6b: {  	_ =	shalt  }
0x6c: {  	_ =	shalt  }
0x6d: {  	_ =	shalt  }
0x6e: {  	_ =	shalt  }
0x6f: {  	_ =	shalt  }
0x70: {  	_ =	shalt  }
0x71: {  	_ =	shalt  }
0x72: {  	_ =	shalt  }
0x73: {  	_ =	shalt  }
0x74: {  	_ =	shalt  }
0x75: {  	_ =	shalt  }
0x76: {  	_ =	shalt  }
0x77: {  	_ =	shalt  }
0x78: {  	_ =	shalt  }
0x79: {  	_ =	shalt  }
0x7a: {  	_ =	shalt  }
0x7b: {  	_ =	shalt  }
0x7c: {  	_ =	shalt  }
0x7d: {  	_ =	shalt  }
0x7e: {  	_ =	shalt  }
0x7f: {  	_ =	shalt  }
0x80: {  	_ =	shalt  }
0x81: {  	_ =	shalt  }
0x82: {  	_ =	shalt  }
0x83: {  	_ =	shalt  }
0x84: {  	_ =	shalt  }
0x85: {  	_ =	shalt  }
0x86: {  	_ =	shalt  }
0x87: {  	_ =	shalt  }
.Lfunc_end0:
.L_simem_size_0:
called_computation_lowered:
.L_overlay_start_0:
0x88: {  	s2 =	sld [smem:$0x3FD9]  }
0x89: {  	s3 =	sld [smem:$0x3FFE];
	_ =	sdelay $0x1  }
0x8a: {  	s1 =	srdreg.scid  }
0x8b: {  	s0 =	sand.u32 $0x1, s1  }
0x8c: {  	s14 =	sshll.u32 s0, $0xA;
	s2 =	sadd.s32 s3, s2  }
0x8d: {  	s2 =	sadd.s32 s2, s14  }
0x8e: {  	[smem:$0x3FBF] =	sst s2  }
0x8f: {  	_ = 	snop  }
0x90: {  	s2 =	sld [smem:$0x3FD0];
	_ =	sdelay $0x2  }
0x91: {  	s4 =	simm.s32 $0xA;
	s5 =	simm.s32 $0x10;
	s15 =	sld [smem:$0x3FC9]  }
0x92: {  	[smem:s5], [sflag:s4] =	dma.local [hbm:s2], $0x1  }
0x93: {  	_ =	swait.eq [sflag:s4], $0x1  }
0x94: {  	[sflag:s4] =	ssyncset.done $0x0  }
0x95: {  	s16 =	sld [smem:$0x10];
	[sflag:s4] =	ssyncadd.s32 $0xFFFFFFFF  }
0x96: {  	s17 =	sld [smem:$0x11];
	(tm) =	ssettm $0x1  }
0x97: {  	s18 =	sld [smem:$0x3FFB];
	_ =	sdelay $0x3  }
0x98: {  	_ =	strace s18  }
0x99: {  	s5 =	sld [smem:$0x3FFC];
	_ =	sdelay $0x3  }
0x9a: {  	_ =	strace s5  }
0x9b: {  	s5 =	sld [smem:$0x3FFD];
	_ =	sdelay $0x3  }
0x9c: {  	_ =	strace s5  }
0x9d: {  	_ =	strace $0x8FFFFFFF  }
0x9e: {  	s19 =	sld [smem:$0x3FDB];
	_ =	sdelay $0x1  }
0x9f: {  	s6 =	simm.s32 $_scs_section_size  }
0xa0: {  	s7 =	simm.s32 $_size__tile_overlayer_lowered;
	s8 =	simm.s32 $_tile_overlayer_lowered  }
0xa1: {  	s22 =	simm.s32 $0x1BFF;
	s21 =	sshll.u32 s8, $0x1;
	s5 =	sadd.s32 s6, s19  }
0xa2: {  	s9 =	simm.s32 $0x0;
	s20 =	sshll.u32 s7, $0x1;
	s7 =	sadd.s32 s21, s5  }
0xa3: {  	[timem:s9], [sflag:s22] =	dma.local [hbm:s7], s20  }
0xa4: {  	_ =	swait.ge [sflag:s22], s20  }
0xa5: {  	s6 =	ssub.s32 $0x0, s20;
	[sflag:s22] =	ssyncset.done $0x0  }
0xa6: {  	[sflag:s22] =	ssyncadd.s32 s6;
	_ =	sdelay $0x1  }
0xa7: {  	s23 =	simm.s32 $0x1B8B  }
0xa8: {  	_ =	swait.ge [sflag:s23], $0x1  }
0xa9: {  	[sflag:s23] =	ssyncset.done $0x0  }
0xaa: {  	s25 =	simm.s32 $0x1B8E;
	s24 =	sld [smem:$0x3FFE];
	[sflag:s23] =	ssyncadd.s32 $0xFFFFFFFF  }
0xab: {  	s26 =	simm.s32 $execute0_lowered;
	[smem:$0x3FD2] =	sst s25  }
0xac: {  	s7 =	sshll.u32 s26, $0x1;
	_ =	strace $0x80000046;
	[dreg:$0x1] =	wrdreg $0xFFFFFFFF  }
0xad: {  	s28 =	simm.s32 $_size_execute0_lowered;
	s5 =	sadd.s32 s5, s7;
	[dreg:$0x0] =	wrdreg $0x0  }
0xae: {  	s7 =	sshll.u32 s28, $0x1;
	[dreg:$0x2] =	wrdreg s5  }
0xaf: {  	[dreg:$0x3] =	wrdreg s7  }
0xb0: {  	[dreg:$0x4] =	wrdreg $0xC0  }
0xb1: {  	_ =	task [dreg:s9], $0x5FFFF  }
0xb2: {  	[dreg:$0x1] =	wrdreg $0xFFFFFFFF  }
0xb3: {  	[dreg:$0x0] =	wrdreg $0x60  }
0xb4: {  	[dreg:$0x2] =	wrdreg s15  }
0xb5: {  	[dreg:$0x3] =	wrdreg s16  }
0xb6: {  	[dreg:$0x4] =	wrdreg s17  }
0xb7: {  	[dreg:$0x5] =	wrdreg s24  }
0xb8: {  	[dreg:$0x6] =	wrdreg $0x9  }
0xb9: {  	_ =	task.clear_ibuf [dreg:s9], $0x7FFFF;
	_ =	strace $0x90000046  }
0xba: {  	s29 =	simm.s32 $0x9;
	_ =	strace $0x80000048  }
0xbb: {  	_ =	swait.ge [sflag:s29], $0x1  }
0xbc: {  	[sflag:s29] =	ssyncadd.s32 $0xFFFFFFFF  }
0xbd: {  	_ =	strace $0x90000048  }
0xbe: {  	_ =	sfence  }
0xbf: {  	s30 =	sld [smem:$0x0];
	_ =	sdelay $0x2  }
0xc0: {  	s31 =	sshll.u32 s1, $0xD;
	s1 =	sshrl.u32 s1, $0x2  }
0xc1: {  	s3 =	sand.u32 $0x4000, s31;
	s1 =	sadd.s32 s1, s30  }
0xc2: {  	s0 =	sor.u32 s3, s0;
	s1 =	sshll.u32 s1, $0x11  }
0xc3: {  	s0 =	sor.u32 s1, s0  }
0xc4: {  	s0 =	sadd.s32 $0x8F2B, s0  }
0xc5: {  	[sflag:s0] =	ssyncadd.remote.s32 $0x1  }
0xc6: {  	_ =	sfence.sel $0xFFFF  }
0xc7: {  	[dreg:$0x0] =	wrdreg $0xFFFFFFFF;
	(pc) =	sbr.abs _section_cstart, $3  }
0xc8: {  	[dreg:$0x1] =	wrdreg $0xFFFFFFFF  }
0xc9: {  	_ =	task.clear_ibuf [dreg:s9], $0x2FFFF;
	_ =	strace $0x9FFFFFFF  }
0xca: {  	(tm) =	ssettm $0x7FFFFFFF  }
0xcb: {  	_ =	shalt  }
tec
execute0_lowered:
.L_overlay_start_1:
0x0: {  	(tag) =	ssettag $0x1  }
0x1: {  	s0 =	rddreg [dreg:$0x0]  }
0x2: {  	s1 =	rddreg [dreg:$0x1]  }
0x3: {  	s4 =	rddreg [dreg:$0x2]  }
0x4: {  	s3 =	rddreg [dreg:$0x3];
	s5 =	srdreg.scid;
	s2 =	simm.s32 $0x0  }
0x5: {  	s6 =	stileid.u32;
	s28 =	simm.s32 $0x3;
	s5 =	sand.u32 $0x1, s5  }
0x6: {  	[smem:$0x7FF] =	sst s2;
	s6 =	sshll.u32 s6, $0xA;
	s7 =	sshll.u32 s5, $0x9  }
0x7: {  	s3 =	sadd.s32 $0x1A00, s3;
	s5 =	ssub.s32 $0x2, s5;
	s6 =	sor.u32 s7, s6  }
0x8: {  	_ =	strace $0x80000047;
	s24 =	sshrl.u32 s5, $0x1;
	s8 =	sshrl.u32 s6, $0x3  }
0x9: {  	s12 =	ssub.s32 s5, s24;
	s9 =	sshll.u32 s6, $0x4;
	s4 =	sadd.s32 s4, s8  }
0xa: {  	s25 =	sor.u32 $0x800, s9;
	s5 =	sadd.s32 s1, s9;
	s10 =	sor.u32 $0x1000, s9  }
0xb: {  	s11 =	sor.u32 $0x1800, s9;
	[dreg:$0x5] =	wrdreg s4;
	s4 =	sadd.s32 s0, s9  }
0xc: {  	s6 =	sadd.s32 s0, s25;
	s7 =	sadd.s32 s1, s25;
	s26 =	sadd.s32 $0x80, s4  }
0xd: {  	s8 =	sadd.s32 s0, s10;
	s29 =	sadd.s32 $0x100, s4;
	[dreg:$0x6] =	wrdreg s26  }
0xe: {  	v2 =	vlaneseq.u32;
	s9 =	sadd.s32 s1, s10;
	s30 =	sadd.s32 $0x180, s4;
	[dreg:$0x7] =	wrdreg s29  }
0xf: {  	vm0 =	vmmov $0xffff;
	v1 =	vshrl.u32 v2, $0x3;
	s10 =	sadd.s32 s0, s11;
	s31 =	sadd.s32 $0x200, s4;
	[dreg:$0x8] =	wrdreg s30  }
0x10: {  	v0 =	vand.u32 $0x7, v2;
	v2 =	vor.u32 $0x8, v2;
	v1 =	vmul.u32 $0x8, v1;
	s11 =	sadd.s32 s1, s11;
	s1 =	smax.u32 s12, $0x1;
	[dreg:$0x9] =	wrdreg s31  }
.LBB2_1:
0x11: {  	[dreg:$0xa] =	wrdreg s1  }
0x12: {  	s16 =	rddreg [dreg:$0x5];
	s17 =	simm.s32 $0x5  }
0x13: {  	[tilespmem:s2], [sflag:$0x5] =	stream.linear.gather [hbm4b:s16+s2], $0x200, $0x38;
	[tilespmem:$0x10200] =	vst v63  }
0x14: {  	_ =	swait.ge [sflag:s17], $0x200  }
0x15: {  	[sflag:s17] =	ssyncset.done $0x0  }
0x16: {  	s0 =	simm.s32 $0x200;
	[sflag:s17] =	ssyncadd.s32 $0xFFFFFE00  }
0x17: {  	[tilespmem:s0], [sflag:$0x3] =	stream.linear.gather [hbm4b:s4+s2], $0x400, $0x38;
	[tilespmem:$0x10200] =	vst v63  }
0x18: {  	s19 =	simm.s32 $0xA00;
	s18 =	rddreg [dreg:$0x6]  }
0x19: {  	[tilespmem:s19], [sflag:$0x3] =	stream.linear.gather [hbm4b:s18+s2], $0x400, $0x38;
	[tilespmem:$0x10200] =	vst v63  }
0x1a: {  	s21 =	simm.s32 $0x1200;
	s31 =	rddreg [dreg:$0x7]  }
0x1b: {  	[tilespmem:s21], [sflag:$0x3] =	stream.linear.gather [hbm4b:s31+s2], $0x400, $0x38;
	[tilespmem:$0x10200] =	vst v63  }
0x1c: {  	s23 =	simm.s32 $0x1A00;
	s20 =	rddreg [dreg:$0x8]  }
0x1d: {  	[tilespmem:s23], [sflag:$0x3] =	stream.linear.gather [hbm4b:s20+s2], $0x400, $0x38;
	[tilespmem:$0x10200] =	vst v63  }
0x1e: {  	s25 =	simm.s32 $0x2200;
	s22 =	rddreg [dreg:$0x9]  }
0x1f: {  	[tilespmem:s25], [sflag:$0x3] =	stream.linear.gather [hbm4b:s22+s2], $0x400, $0x38;
	[tilespmem:$0x10200] =	vst v63  }
0x20: {  	s26 =	sadd.s32 $0x280, s4;
	s31 =	simm.s32 $0x2A00  }
0x21: {  	[tilespmem:s31], [sflag:$0x3] =	stream.linear.gather [hbm4b:s26+s2], $0x400, $0x38;
	[tilespmem:$0x10200] =	vst v63  }
0x22: {  	s13 =	sadd.s32 $0x300, s4;
	s14 =	simm.s32 $0x3200  }
0x23: {  	[tilespmem:s14], [sflag:$0x3] =	stream.linear.gather [hbm4b:s13+s2], $0x400, $0x38;
	[tilespmem:$0x10200] =	vst v63  }
0x24: {  	s15 =	sadd.s32 $0x380, s4;
	s16 =	simm.s32 $0x3A00  }
0x25: {  	[tilespmem:s16], [sflag:$0x3] =	stream.linear.gather [hbm4b:s15+s2], $0x400, $0x38;
	[tilespmem:$0x10200] =	vst v63  }
0x26: {  	s17 =	sadd.s32 $0x400, s4;
	s18 =	simm.s32 $0x4200  }
0x27: {  	[tilespmem:s18], [sflag:$0x3] =	stream.linear.gather [hbm4b:s17+s2], $0x400, $0x38;
	[tilespmem:$0x10200] =	vst v63  }
0x28: {  	s19 =	sadd.s32 $0x480, s4;
	s23 =	simm.s32 $0x4A00  }
0x29: {  	[tilespmem:s23], [sflag:$0x3] =	stream.linear.gather [hbm4b:s19+s2], $0x400, $0x38;
	[tilespmem:$0x10200] =	vst v63  }
0x2a: {  	s26 =	sadd.s32 $0x500, s4;
	s31 =	simm.s32 $0x5200  }
0x2b: {  	[tilespmem:s31], [sflag:$0x3] =	stream.linear.gather [hbm4b:s26+s2], $0x400, $0x38;
	[tilespmem:$0x10200] =	vst v63  }
0x2c: {  	s13 =	sadd.s32 $0x580, s4;
	s14 =	simm.s32 $0x5A00  }
0x2d: {  	[tilespmem:s14], [sflag:$0x3] =	stream.linear.gather [hbm4b:s13+s2], $0x400, $0x38;
	[tilespmem:$0x10200] =	vst v63  }
0x2e: {  	s15 =	sadd.s32 $0x600, s4;
	s19 =	simm.s32 $0x6200  }
0x2f: {  	[tilespmem:s19], [sflag:$0x3] =	stream.linear.gather [hbm4b:s15+s2], $0x400, $0x38;
	[tilespmem:$0x10200] =	vst v63  }
0x30: {  	s26 =	sadd.s32 $0x680, s4;
	s31 =	simm.s32 $0x6A00  }
0x31: {  	[tilespmem:s31], [sflag:$0x3] =	stream.linear.gather [hbm4b:s26+s2], $0x400, $0x38;
	[tilespmem:$0x10200] =	vst v63  }
0x32: {  	s13 =	sadd.s32 $0x700, s4;
	s15 =	simm.s32 $0x7200  }
0x33: {  	[tilespmem:s15], [sflag:$0x3] =	stream.linear.gather [hbm4b:s13+s2], $0x400, $0x38;
	[tilespmem:$0x10200] =	vst v63  }
0x34: {  	s26 =	sadd.s32 $0x780, s4;
	s31 =	simm.s32 $0x7A00  }
0x35: {  	[tilespmem:s31], [sflag:$0x3] =	stream.linear.gather [hbm4b:s26+s2], $0x400, $0x38;
	[tilespmem:$0x10200] =	vst v63  }
0x36: {  	s15 =	simm.s32 $0x600  }
0x37: {  	[tilespmem:s15], [sflag:$0x3] =	stream.linear.gather [hbm4b:s5+s2], $0x400, $0x38;
	[tilespmem:$0x10200] =	vst v63  }
0x38: {  	s26 =	sadd.s32 $0x80, s5;
	s15 =	simm.s32 $0xE00  }
0x39: {  	[tilespmem:s15], [sflag:$0x3] =	stream.linear.gather [hbm4b:s26+s2], $0x400, $0x38;
	[tilespmem:$0x10200] =	vst v63  }
0x3a: {  	s26 =	sadd.s32 $0x100, s5;
	s15 =	simm.s32 $0x1600  }
0x3b: {  	[tilespmem:s15], [sflag:$0x3] =	stream.linear.gather [hbm4b:s26+s2], $0x400, $0x38;
	[tilespmem:$0x10200] =	vst v63  }
0x3c: {  	s26 =	sadd.s32 $0x180, s5;
	s15 =	simm.s32 $0x1E00  }
0x3d: {  	[tilespmem:s15], [sflag:$0x3] =	stream.linear.gather [hbm4b:s26+s2], $0x400, $0x38;
	[tilespmem:$0x10200] =	vst v63  }
0x3e: {  	s26 =	sadd.s32 $0x200, s5;
	s15 =	simm.s32 $0x2600  }
0x3f: {  	[tilespmem:s15], [sflag:$0x3] =	stream.linear.gather [hbm4b:s26+s2], $0x400, $0x38;
	[tilespmem:$0x10200] =	vst v63  }
0x40: {  	s26 =	sadd.s32 $0x280, s5;
	s15 =	simm.s32 $0x2E00  }
0x41: {  	[tilespmem:s15], [sflag:$0x3] =	stream.linear.gather [hbm4b:s26+s2], $0x400, $0x38;
	[tilespmem:$0x10200] =	vst v63  }
0x42: {  	s26 =	sadd.s32 $0x300, s5;
	s15 =	simm.s32 $0x3600  }
0x43: {  	[tilespmem:s15], [sflag:$0x3] =	stream.linear.gather [hbm4b:s26+s2], $0x400, $0x38;
	[tilespmem:$0x10200] =	vst v63  }
0x44: {  	s26 =	sadd.s32 $0x380, s5;
	s15 =	simm.s32 $0x3E00  }
0x45: {  	[tilespmem:s15], [sflag:$0x3] =	stream.linear.gather [hbm4b:s26+s2], $0x400, $0x38;
	[tilespmem:$0x10200] =	vst v63  }
0x46: {  	s26 =	sadd.s32 $0x400, s5;
	s15 =	simm.s32 $0x4600  }
0x47: {  	[tilespmem:s15], [sflag:$0x3] =	stream.linear.gather [hbm4b:s26+s2], $0x400, $0x38;
	[tilespmem:$0x10200] =	vst v63  }
0x48: {  	s26 =	sadd.s32 $0x480, s5;
	s15 =	simm.s32 $0x4E00  }
0x49: {  	[tilespmem:s15], [sflag:$0x3] =	stream.linear.gather [hbm4b:s26+s2], $0x400, $0x38;
	[tilespmem:$0x10200] =	vst v63  }
0x4a: {  	s26 =	sadd.s32 $0x500, s5;
	s15 =	simm.s32 $0x5600  }
0x4b: {  	[tilespmem:s15], [sflag:$0x3] =	stream.linear.gather [hbm4b:s26+s2], $0x400, $0x38;
	[tilespmem:$0x10200] =	vst v63  }
0x4c: {  	s26 =	sadd.s32 $0x580, s5;
	s15 =	simm.s32 $0x5E00  }
0x4d: {  	[tilespmem:s15], [sflag:$0x3] =	stream.linear.gather [hbm4b:s26+s2], $0x400, $0x38;
	[tilespmem:$0x10200] =	vst v63  }
0x4e: {  	s26 =	sadd.s32 $0x600, s5;
	s15 =	simm.s32 $0x6600  }
0x4f: {  	[tilespmem:s15], [sflag:$0x3] =	stream.linear.gather [hbm4b:s26+s2], $0x400, $0x38;
	[tilespmem:$0x10200] =	vst v63  }
0x50: {  	s26 =	sadd.s32 $0x680, s5;
	s15 =	simm.s32 $0x6E00  }
0x51: {  	[tilespmem:s15], [sflag:$0x3] =	stream.linear.gather [hbm4b:s26+s2], $0x400, $0x38;
	[tilespmem:$0x10200] =	vst v63  }
0x52: {  	s26 =	sadd.s32 $0x700, s5;
	s15 =	simm.s32 $0x7600  }
0x53: {  	[tilespmem:s15], [sflag:$0x3] =	stream.linear.gather [hbm4b:s26+s2], $0x400, $0x38;
	[tilespmem:$0x10200] =	vst v63  }
0x54: {  	s26 =	sadd.s32 $0x780, s5;
	s15 =	simm.s32 $0x7E00  }
0x55: {  	[tilespmem:s15], [sflag:$0x3] =	stream.linear.gather [hbm4b:s26+s2], $0x400, $0x38;
	[tilespmem:$0x10200] =	vst v63  }
0x56: {  	_ =	swait.ge [sflag:s28], $0x4000  }
0x57: {  	[sflag:s28] =	ssyncset.done $0x0  }
0x58: {  	[sflag:s28] =	ssyncadd.s32 $0xFFFFC000  }
0x59: {  	_ =	swait.ge [sflag:s28], $0x4000  }
0x5a: {  	[sflag:s28] =	ssyncset.done $0x0  }
0x5b: {  	[sflag:s28] =	ssyncadd.s32 $0xFFFFC000  }
0x5c: {  	v3 =	vld [tilespmem:$0x0];
	_ =	sdelay $0x4  }
0x5d: {  	v4 =	vshll.u32 v3, $0x1  }
0x5e: {  	v3 =	vand.u32 $0x7, v3;
	v4 =	vand.u32 $0xFFFFFFF0, v4  }
0x5f: {  	v3 =	vor.u32 v3, v4  }
0x60: {  	v4 =	vperm.xlane v3, v0;
	_ =	sdelay $0x1  }
0x61: {  	v3 =	vperm.xlane v3, v2;
	v4 =	vadd.s32 v1, v4;
	_ =	sdelay $0x1  }
0x62: {  	v3 =	vadd.s32 v1, v3;
	_ =	sdelay $0x1  }
0x63: {  	s30 =	simm.s32 $0x200  }
0x64: {  	[hbm4b:s3+s2] =	stream.indirect_vreg.scatter [tilespmem:s30], [sflag:$0x1], $0x80, v4, vm0, $0xb8;
	[tilespmem:$0x10200] =	vst v63  }
0x65: {  	s24 =	simm.s32 $0xA00  }
0x66: {  	[hbm4b:s3+s2] =	stream.indirect_vreg.scatter [tilespmem:s24], [sflag:$0x1], $0x80, v3, vm0, $0xb8;
	[tilespmem:$0x10200] =	vst v63  }
0x67: {  	v3 =	vld [tilespmem:$0x10];
	_ =	sdelay $0x4  }
0x68: {  	v33 =	vshll.u32 v3, $0x1  }
0x69: {  	v3 =	vand.u32 $0x7, v3;
	v4 =	vand.u32 $0xFFFFFFF0, v33  }
0x6a: {  	v3 =	vor.u32 v3, v4  }
0x6b: {  	v4 =	vperm.xlane v3, v0;
	_ =	sdelay $0x1  }
0x6c: {  	v3 =	vperm.xlane v3, v2;
	v4 =	vadd.s32 v1, v4;
	_ =	sdelay $0x1  }
0x6d: {  	v3 =	vadd.s32 v1, v3;
	_ =	sdelay $0x1  }
0x6e: {  	s12 =	simm.s32 $0x1200  }
0x6f: {  	[hbm4b:s3+s2] =	stream.indirect_vreg.scatter [tilespmem:s12], [sflag:$0x1], $0x80, v4, vm0, $0xb8;
	[tilespmem:$0x10200] =	vst v63  }
0x70: {  	s29 =	simm.s32 $0x1A00  }
0x71: {  	[hbm4b:s3+s2] =	stream.indirect_vreg.scatter [tilespmem:s29], [sflag:$0x1], $0x80, v3, vm0, $0xb8;
	[tilespmem:$0x10200] =	vst v63  }
0x72: {  	v3 =	vld [tilespmem:$0x20];
	_ =	sdelay $0x4  }
0x73: {  	v34 =	vshll.u32 v3, $0x1  }
0x74: {  	v3 =	vand.u32 $0x7, v3;
	v4 =	vand.u32 $0xFFFFFFF0, v34  }
0x75: {  	v3 =	vor.u32 v3, v4  }
0x76: {  	v4 =	vperm.xlane v3, v0;
	_ =	sdelay $0x1  }
0x77: {  	v3 =	vperm.xlane v3, v2;
	v4 =	vadd.s32 v1, v4;
	_ =	sdelay $0x1  }
0x78: {  	v3 =	vadd.s32 v1, v3;
	_ =	sdelay $0x1  }
0x79: {  	s22 =	simm.s32 $0x2200  }
0x7a: {  	[hbm4b:s3+s2] =	stream.indirect_vreg.scatter [tilespmem:s22], [sflag:$0x1], $0x80, v4, vm0, $0xb8;
	[tilespmem:$0x10200] =	vst v63  }
0x7b: {  	s25 =	simm.s32 $0x2A00  }
0x7c: {  	[hbm4b:s3+s2] =	stream.indirect_vreg.scatter [tilespmem:s25], [sflag:$0x1], $0x80, v3, vm0, $0xb8;
	[tilespmem:$0x10200] =	vst v63  }
0x7d: {  	v3 =	vld [tilespmem:$0x30];
	_ =	sdelay $0x4  }
0x7e: {  	v35 =	vshll.u32 v3, $0x1  }
0x7f: {  	v3 =	vand.u32 $0x7, v3;
	v4 =	vand.u32 $0xFFFFFFF0, v35  }
0x80: {  	v3 =	vor.u32 v3, v4  }
0x81: {  	v4 =	vperm.xlane v3, v0;
	_ =	sdelay $0x1  }
0x82: {  	v3 =	vperm.xlane v3, v2;
	v4 =	vadd.s32 v1, v4;
	_ =	sdelay $0x1  }
0x83: {  	v3 =	vadd.s32 v1, v3;
	_ =	sdelay $0x1  }
0x84: {  	s20 =	simm.s32 $0x3200  }
0x85: {  	[hbm4b:s3+s2] =	stream.indirect_vreg.scatter [tilespmem:s20], [sflag:$0x1], $0x80, v4, vm0, $0xb8;
	[tilespmem:$0x10200] =	vst v63  }
0x86: {  	s21 =	simm.s32 $0x3A00  }
0x87: {  	[hbm4b:s3+s2] =	stream.indirect_vreg.scatter [tilespmem:s21], [sflag:$0x1], $0x80, v3, vm0, $0xb8;
	[tilespmem:$0x10200] =	vst v63  }
0x88: {  	v3 =	vld [tilespmem:$0x40];
	_ =	sdelay $0x4  }
0x89: {  	v36 =	vshll.u32 v3, $0x1  }
0x8a: {  	v3 =	vand.u32 $0x7, v3;
	v4 =	vand.u32 $0xFFFFFFF0, v36  }
0x8b: {  	v3 =	vor.u32 v3, v4  }
0x8c: {  	v4 =	vperm.xlane v3, v0;
	_ =	sdelay $0x1  }
0x8d: {  	v3 =	vperm.xlane v3, v2;
	v4 =	vadd.s32 v1, v4;
	_ =	sdelay $0x1  }
0x8e: {  	v3 =	vadd.s32 v1, v3;
	_ =	sdelay $0x1  }
0x8f: {  	s17 =	simm.s32 $0x4200  }
0x90: {  	[hbm4b:s3+s2] =	stream.indirect_vreg.scatter [tilespmem:s17], [sflag:$0x1], $0x80, v4, vm0, $0xb8;
	[tilespmem:$0x10200] =	vst v63  }
0x91: {  	s16 =	simm.s32 $0x4A00  }
0x92: {  	[hbm4b:s3+s2] =	stream.indirect_vreg.scatter [tilespmem:s16], [sflag:$0x1], $0x80, v3, vm0, $0xb8;
	[tilespmem:$0x10200] =	vst v63  }
0x93: {  	v3 =	vld [tilespmem:$0x50];
	_ =	sdelay $0x4  }
0x94: {  	v37 =	vshll.u32 v3, $0x1  }
0x95: {  	v3 =	vand.u32 $0x7, v3;
	v4 =	vand.u32 $0xFFFFFFF0, v37  }
0x96: {  	v3 =	vor.u32 v3, v4  }
0x97: {  	v4 =	vperm.xlane v3, v0;
	_ =	sdelay $0x1  }
0x98: {  	v3 =	vperm.xlane v3, v2;
	v4 =	vadd.s32 v1, v4;
	_ =	sdelay $0x1  }
0x99: {  	v3 =	vadd.s32 v1, v3;
	_ =	sdelay $0x1  }
0x9a: {  	s18 =	simm.s32 $0x5200  }
0x9b: {  	[hbm4b:s3+s2] =	stream.indirect_vreg.scatter [tilespmem:s18], [sflag:$0x1], $0x80, v4, vm0, $0xb8;
	[tilespmem:$0x10200] =	vst v63  }
0x9c: {  	s23 =	simm.s32 $0x5A00  }
0x9d: {  	[hbm4b:s3+s2] =	stream.indirect_vreg.scatter [tilespmem:s23], [sflag:$0x1], $0x80, v3, vm0, $0xb8;
	[tilespmem:$0x10200] =	vst v63  }
0x9e: {  	v3 =	vld [tilespmem:$0x60];
	_ =	sdelay $0x4  }
0x9f: {  	v38 =	vshll.u32 v3, $0x1  }
0xa0: {  	v3 =	vand.u32 $0x7, v3;
	v4 =	vand.u32 $0xFFFFFFF0, v38  }
0xa1: {  	v3 =	vor.u32 v3, v4  }
0xa2: {  	v4 =	vperm.xlane v3, v0;
	_ =	sdelay $0x1  }
0xa3: {  	v3 =	vperm.xlane v3, v2;
	v4 =	vadd.s32 v1, v4;
	_ =	sdelay $0x1  }
0xa4: {  	v3 =	vadd.s32 v1, v3;
	_ =	sdelay $0x1  }
0xa5: {  	s14 =	simm.s32 $0x6200  }
0xa6: {  	[hbm4b:s3+s2] =	stream.indirect_vreg.scatter [tilespmem:s14], [sflag:$0x1], $0x80, v4, vm0, $0xb8;
	[tilespmem:$0x10200] =	vst v63  }
0xa7: {  	s19 =	simm.s32 $0x6A00  }
0xa8: {  	[hbm4b:s3+s2] =	stream.indirect_vreg.scatter [tilespmem:s19], [sflag:$0x1], $0x80, v3, vm0, $0xb8;
	[tilespmem:$0x10200] =	vst v63  }
0xa9: {  	v3 =	vld [tilespmem:$0x70];
	_ =	sdelay $0x4  }
0xaa: {  	v39 =	vshll.u32 v3, $0x1  }
0xab: {  	v3 =	vand.u32 $0x7, v3;
	v4 =	vand.u32 $0xFFFFFFF0, v39  }
0xac: {  	v3 =	vor.u32 v3, v4  }
0xad: {  	v4 =	vperm.xlane v3, v0;
	_ =	sdelay $0x1  }
0xae: {  	v3 =	vperm.xlane v3, v2;
	v4 =	vadd.s32 v1, v4;
	_ =	sdelay $0x1  }
0xaf: {  	v3 =	vadd.s32 v1, v3;
	_ =	sdelay $0x1  }
0xb0: {  	s13 =	simm.s32 $0x7200  }
0xb1: {  	[hbm4b:s3+s2] =	stream.indirect_vreg.scatter [tilespmem:s13], [sflag:$0x1], $0x80, v4, vm0, $0xb8;
	[tilespmem:$0x10200] =	vst v63  }
0xb2: {  	s0 =	simm.s32 $0x7A00  }
0xb3: {  	[hbm4b:s3+s2] =	stream.indirect_vreg.scatter [tilespmem:s0], [sflag:$0x1], $0x80, v3, vm0, $0xb8;
	[tilespmem:$0x10200] =	vst v63  }
0xb4: {  	s25 =	simm.s32 $0x8200  }
0xb5: {  	[tilespmem:s25], [sflag:$0x4] =	stream.linear.gather [hbm4b:s6+s2], $0x400, $0x38;
	[tilespmem:$0x10200] =	vst v63  }
0xb6: {  	s26 =	sadd.s32 $0x80, s6;
	s29 =	simm.s32 $0x8A00  }
0xb7: {  	[tilespmem:s29], [sflag:$0x4] =	stream.linear.gather [hbm4b:s26+s2], $0x400, $0x38;
	[tilespmem:$0x10200] =	vst v63  }
0xb8: {  	s31 =	simm.s32 $0x9200;
	s30 =	sadd.s32 $0x100, s6  }
0xb9: {  	[tilespmem:s31], [sflag:$0x4] =	stream.linear.gather [hbm4b:s30+s2], $0x400, $0x38;
	[tilespmem:$0x10200] =	vst v63  }
0xba: {  	s12 =	simm.s32 $0x9A00;
	s0 =	sadd.s32 $0x180, s6  }
0xbb: {  	[tilespmem:s12], [sflag:$0x4] =	stream.linear.gather [hbm4b:s0+s2], $0x400, $0x38;
	[tilespmem:$0x10200] =	vst v63  }
0xbc: {  	s14 =	simm.s32 $0xA200;
	s13 =	sadd.s32 $0x200, s6  }
0xbd: {  	[tilespmem:s14], [sflag:$0x4] =	stream.linear.gather [hbm4b:s13+s2], $0x400, $0x38;
	[tilespmem:$0x10200] =	vst v63  }
0xbe: {  	s17 =	simm.s32 $0xAA00;
	s16 =	sadd.s32 $0x280, s6  }
0xbf: {  	[tilespmem:s17], [sflag:$0x4] =	stream.linear.gather [hbm4b:s16+s2], $0x400, $0x38;
	[tilespmem:$0x10200] =	vst v63  }
0xc0: {  	s18 =	sadd.s32 $0x300, s6;
	s19 =	simm.s32 $0xB200  }
0xc1: {  	[tilespmem:s19], [sflag:$0x4] =	stream.linear.gather [hbm4b:s18+s2], $0x400, $0x38;
	[tilespmem:$0x10200] =	vst v63  }
0xc2: {  	s20 =	sadd.s32 $0x380, s6;
	s21 =	simm.s32 $0xBA00  }
0xc3: {  	[tilespmem:s21], [sflag:$0x4] =	stream.linear.gather [hbm4b:s20+s2], $0x400, $0x38;
	[tilespmem:$0x10200] =	vst v63  }
0xc4: {  	s22 =	sadd.s32 $0x400, s6;
	s23 =	simm.s32 $0xC200  }
0xc5: {  	[tilespmem:s23], [sflag:$0x4] =	stream.linear.gather [hbm4b:s22+s2], $0x400, $0x38;
	[tilespmem:$0x10200] =	vst v63  }
0xc6: {  	s26 =	sadd.s32 $0x480, s6;
	s31 =	simm.s32 $0xCA00  }
0xc7: {  	[tilespmem:s31], [sflag:$0x4] =	stream.linear.gather [hbm4b:s26+s2], $0x400, $0x38;
	[tilespmem:$0x10200] =	vst v63  }
0xc8: {  	s12 =	sadd.s32 $0x500, s6;
	s16 =	simm.s32 $0xD200  }
0xc9: {  	[tilespmem:s16], [sflag:$0x4] =	stream.linear.gather [hbm4b:s12+s2], $0x400, $0x38;
	[tilespmem:$0x10200] =	vst v63  }
0xca: {  	s17 =	sadd.s32 $0x580, s6;
	s20 =	simm.s32 $0xDA00  }
0xcb: {  	[tilespmem:s20], [sflag:$0x4] =	stream.linear.gather [hbm4b:s17+s2], $0x400, $0x38;
	[tilespmem:$0x10200] =	vst v63  }
0xcc: {  	s21 =	sadd.s32 $0x600, s6;
	s22 =	simm.s32 $0xE200  }
0xcd: {  	[tilespmem:s22], [sflag:$0x4] =	stream.linear.gather [hbm4b:s21+s2], $0x400, $0x38;
	[tilespmem:$0x10200] =	vst v63  }
0xce: {  	s26 =	sadd.s32 $0x680, s6;
	s31 =	simm.s32 $0xEA00  }
0xcf: {  	[tilespmem:s31], [sflag:$0x4] =	stream.linear.gather [hbm4b:s26+s2], $0x400, $0x38;
	[tilespmem:$0x10200] =	vst v63  }
0xd0: {  	s12 =	sadd.s32 $0x700, s6;
	s22 =	simm.s32 $0xF200  }
0xd1: {  	[tilespmem:s22], [sflag:$0x4] =	stream.linear.gather [hbm4b:s12+s2], $0x400, $0x38;
	[tilespmem:$0x10200] =	vst v63  }
0xd2: {  	s26 =	sadd.s32 $0x780, s6;
	s31 =	simm.s32 $0xFA00  }
0xd3: {  	[tilespmem:s31], [sflag:$0x4] =	stream.linear.gather [hbm4b:s26+s2], $0x400, $0x38;
	[tilespmem:$0x10200] =	vst v63  }
0xd4: {  	s12 =	simm.s32 $0x8600  }
0xd5: {  	[tilespmem:s12], [sflag:$0x4] =	stream.linear.gather [hbm4b:s7+s2], $0x400, $0x38;
	[tilespmem:$0x10200] =	vst v63  }
0xd6: {  	s26 =	sadd.s32 $0x80, s7;
	s12 =	simm.s32 $0x8E00  }
0xd7: {  	[tilespmem:s12], [sflag:$0x4] =	stream.linear.gather [hbm4b:s26+s2], $0x400, $0x38;
	[tilespmem:$0x10200] =	vst v63  }
0xd8: {  	s26 =	sadd.s32 $0x100, s7;
	s12 =	simm.s32 $0x9600  }
0xd9: {  	[tilespmem:s12], [sflag:$0x4] =	stream.linear.gather [hbm4b:s26+s2], $0x400, $0x38;
	[tilespmem:$0x10200] =	vst v63  }
0xda: {  	s26 =	sadd.s32 $0x180, s7;
	s12 =	simm.s32 $0x9E00  }
0xdb: {  	[tilespmem:s12], [sflag:$0x4] =	stream.linear.gather [hbm4b:s26+s2], $0x400, $0x38;
	[tilespmem:$0x10200] =	vst v63  }
0xdc: {  	s26 =	sadd.s32 $0x200, s7;
	s12 =	simm.s32 $0xA600  }
0xdd: {  	[tilespmem:s12], [sflag:$0x4] =	stream.linear.gather [hbm4b:s26+s2], $0x400, $0x38;
	[tilespmem:$0x10200] =	vst v63  }
0xde: {  	s26 =	sadd.s32 $0x280, s7;
	s12 =	simm.s32 $0xAE00  }
0xdf: {  	[tilespmem:s12], [sflag:$0x4] =	stream.linear.gather [hbm4b:s26+s2], $0x400, $0x38;
	[tilespmem:$0x10200] =	vst v63  }
0xe0: {  	s26 =	sadd.s32 $0x300, s7;
	s12 =	simm.s32 $0xB600  }
0xe1: {  	[tilespmem:s12], [sflag:$0x4] =	stream.linear.gather [hbm4b:s26+s2], $0x400, $0x38;
	[tilespmem:$0x10200] =	vst v63  }
0xe2: {  	s26 =	sadd.s32 $0x380, s7;
	s12 =	simm.s32 $0xBE00  }
0xe3: {  	[tilespmem:s12], [sflag:$0x4] =	stream.linear.gather [hbm4b:s26+s2], $0x400, $0x38;
	[tilespmem:$0x10200] =	vst v63  }
0xe4: {  	s26 =	sadd.s32 $0x400, s7;
	s12 =	simm.s32 $0xC600  }
0xe5: {  	[tilespmem:s12], [sflag:$0x4] =	stream.linear.gather [hbm4b:s26+s2], $0x400, $0x38;
	[tilespmem:$0x10200] =	vst v63  }
0xe6: {  	s26 =	sadd.s32 $0x480, s7;
	s12 =	simm.s32 $0xCE00  }
0xe7: {  	[tilespmem:s12], [sflag:$0x4] =	stream.linear.gather [hbm4b:s26+s2], $0x400, $0x38;
	[tilespmem:$0x10200] =	vst v63  }
0xe8: {  	s26 =	sadd.s32 $0x500, s7;
	s12 =	simm.s32 $0xD600  }
0xe9: {  	[tilespmem:s12], [sflag:$0x4] =	stream.linear.gather [hbm4b:s26+s2], $0x400, $0x38;
	[tilespmem:$0x10200] =	vst v63  }
0xea: {  	s26 =	sadd.s32 $0x580, s7;
	s12 =	simm.s32 $0xDE00  }
0xeb: {  	[tilespmem:s12], [sflag:$0x4] =	stream.linear.gather [hbm4b:s26+s2], $0x400, $0x38;
	[tilespmem:$0x10200] =	vst v63  }
0xec: {  	s26 =	sadd.s32 $0x600, s7;
	s12 =	simm.s32 $0xE600  }
0xed: {  	[tilespmem:s12], [sflag:$0x4] =	stream.linear.gather [hbm4b:s26+s2], $0x400, $0x38;
	[tilespmem:$0x10200] =	vst v63  }
0xee: {  	s26 =	sadd.s32 $0x680, s7;
	s12 =	simm.s32 $0xEE00  }
0xef: {  	[tilespmem:s12], [sflag:$0x4] =	stream.linear.gather [hbm4b:s26+s2], $0x400, $0x38;
	[tilespmem:$0x10200] =	vst v63  }
0xf0: {  	s26 =	sadd.s32 $0x700, s7;
	s12 =	simm.s32 $0xF600  }
0xf1: {  	[tilespmem:s12], [sflag:$0x4] =	stream.linear.gather [hbm4b:s26+s2], $0x400, $0x38;
	[tilespmem:$0x10200] =	vst v63  }
0xf2: {  	s26 =	sadd.s32 $0x780, s7;
	s12 =	simm.s32 $0xFE00  }
0xf3: {  	[tilespmem:s12], [sflag:$0x4] =	stream.linear.gather [hbm4b:s26+s2], $0x400, $0x38;
	[tilespmem:$0x10200] =	vst v63  }
0xf4: {  	s12 =	simm.s32 $0x4  }
0xf5: {  	_ =	swait.ge [sflag:s12], $0x4000  }
0xf6: {  	[sflag:s12] =	ssyncset.done $0x0  }
0xf7: {  	[sflag:s12] =	ssyncadd.s32 $0xFFFFC000  }
0xf8: {  	_ =	swait.ge [sflag:s12], $0x4000  }
0xf9: {  	[sflag:s12] =	ssyncset.done $0x0  }
0xfa: {  	[sflag:s12] =	ssyncadd.s32 $0xFFFFC000  }
0xfb: {  	v3 =	vld [tilespmem:$0x80];
	_ =	sdelay $0x4  }
0xfc: {  	v40 =	vshll.u32 v3, $0x1  }
0xfd: {  	v3 =	vand.u32 $0x7, v3;
	v4 =	vand.u32 $0xFFFFFFF0, v40  }
0xfe: {  	v3 =	vor.u32 v3, v4  }
0xff: {  	v4 =	vperm.xlane v3, v0;
	_ =	sdelay $0x1  }
0x100: {  	v3 =	vperm.xlane v3, v2;
	v4 =	vadd.s32 v1, v4;
	_ =	sdelay $0x1  }
0x101: {  	v3 =	vadd.s32 v1, v3;
	_ =	sdelay $0x1  }
0x102: {  	s24 =	simm.s32 $0x8200  }
0x103: {  	[hbm4b:s3+s2] =	stream.indirect_vreg.scatter [tilespmem:s24], [sflag:$0x2], $0x80, v4, vm0, $0xb8;
	[tilespmem:$0x10200] =	vst v63  }
0x104: {  	s25 =	simm.s32 $0x8A00  }
0x105: {  	[hbm4b:s3+s2] =	stream.indirect_vreg.scatter [tilespmem:s25], [sflag:$0x2], $0x80, v3, vm0, $0xb8;
	[tilespmem:$0x10200] =	vst v63  }
0x106: {  	v3 =	vld [tilespmem:$0x90];
	_ =	sdelay $0x4  }
0x107: {  	v41 =	vshll.u32 v3, $0x1  }
0x108: {  	v3 =	vand.u32 $0x7, v3;
	v4 =	vand.u32 $0xFFFFFFF0, v41  }
0x109: {  	v3 =	vor.u32 v3, v4  }
0x10a: {  	v4 =	vperm.xlane v3, v0;
	_ =	sdelay $0x1  }
0x10b: {  	v3 =	vperm.xlane v3, v2;
	v4 =	vadd.s32 v1, v4;
	_ =	sdelay $0x1  }
0x10c: {  	v3 =	vadd.s32 v1, v3;
	_ =	sdelay $0x1  }
0x10d: {  	s15 =	simm.s32 $0x9200  }
0x10e: {  	[hbm4b:s3+s2] =	stream.indirect_vreg.scatter [tilespmem:s15], [sflag:$0x2], $0x80, v4, vm0, $0xb8;
	[tilespmem:$0x10200] =	vst v63  }
0x10f: {  	s30 =	simm.s32 $0x9A00  }
0x110: {  	[hbm4b:s3+s2] =	stream.indirect_vreg.scatter [tilespmem:s30], [sflag:$0x2], $0x80, v3, vm0, $0xb8;
	[tilespmem:$0x10200] =	vst v63  }
0x111: {  	v3 =	vld [tilespmem:$0xA0];
	_ =	sdelay $0x4  }
0x112: {  	v42 =	vshll.u32 v3, $0x1  }
0x113: {  	v3 =	vand.u32 $0x7, v3;
	v4 =	vand.u32 $0xFFFFFFF0, v42  }
0x114: {  	v3 =	vor.u32 v3, v4  }
0x115: {  	v4 =	vperm.xlane v3, v0;
	_ =	sdelay $0x1  }
0x116: {  	v3 =	vperm.xlane v3, v2;
	v4 =	vadd.s32 v1, v4;
	_ =	sdelay $0x1  }
0x117: {  	v3 =	vadd.s32 v1, v3;
	_ =	sdelay $0x1  }
0x118: {  	s13 =	simm.s32 $0xA200  }
0x119: {  	[hbm4b:s3+s2] =	stream.indirect_vreg.scatter [tilespmem:s13], [sflag:$0x2], $0x80, v4, vm0, $0xb8;
	[tilespmem:$0x10200] =	vst v63  }
0x11a: {  	s29 =	simm.s32 $0xAA00  }
0x11b: {  	[hbm4b:s3+s2] =	stream.indirect_vreg.scatter [tilespmem:s29], [sflag:$0x2], $0x80, v3, vm0, $0xb8;
	[tilespmem:$0x10200] =	vst v63  }
0x11c: {  	v3 =	vld [tilespmem:$0xB0];
	_ =	sdelay $0x4  }
0x11d: {  	v43 =	vshll.u32 v3, $0x1  }
0x11e: {  	v3 =	vand.u32 $0x7, v3;
	v4 =	vand.u32 $0xFFFFFFF0, v43  }
0x11f: {  	v3 =	vor.u32 v3, v4  }
0x120: {  	v4 =	vperm.xlane v3, v0;
	_ =	sdelay $0x1  }
0x121: {  	v3 =	vperm.xlane v3, v2;
	v4 =	vadd.s32 v1, v4;
	_ =	sdelay $0x1  }
0x122: {  	v3 =	vadd.s32 v1, v3;
	_ =	sdelay $0x1  }
0x123: {  	s19 =	simm.s32 $0xB200  }
0x124: {  	[hbm4b:s3+s2] =	stream.indirect_vreg.scatter [tilespmem:s19], [sflag:$0x2], $0x80, v4, vm0, $0xb8;
	[tilespmem:$0x10200] =	vst v63  }
0x125: {  	s14 =	simm.s32 $0xBA00  }
0x126: {  	[hbm4b:s3+s2] =	stream.indirect_vreg.scatter [tilespmem:s14], [sflag:$0x2], $0x80, v3, vm0, $0xb8;
	[tilespmem:$0x10200] =	vst v63  }
0x127: {  	v3 =	vld [tilespmem:$0xC0];
	_ =	sdelay $0x4  }
0x128: {  	v44 =	vshll.u32 v3, $0x1  }
0x129: {  	v3 =	vand.u32 $0x7, v3;
	v4 =	vand.u32 $0xFFFFFFF0, v44  }
0x12a: {  	v3 =	vor.u32 v3, v4  }
0x12b: {  	v4 =	vperm.xlane v3, v0;
	_ =	sdelay $0x1  }
0x12c: {  	v3 =	vperm.xlane v3, v2;
	v4 =	vadd.s32 v1, v4;
	_ =	sdelay $0x1  }
0x12d: {  	v3 =	vadd.s32 v1, v3;
	_ =	sdelay $0x1  }
0x12e: {  	s23 =	simm.s32 $0xC200  }
0x12f: {  	[hbm4b:s3+s2] =	stream.indirect_vreg.scatter [tilespmem:s23], [sflag:$0x2], $0x80, v4, vm0, $0xb8;
	[tilespmem:$0x10200] =	vst v63  }
0x130: {  	s18 =	simm.s32 $0xCA00  }
0x131: {  	[hbm4b:s3+s2] =	stream.indirect_vreg.scatter [tilespmem:s18], [sflag:$0x2], $0x80, v3, vm0, $0xb8;
	[tilespmem:$0x10200] =	vst v63  }
0x132: {  	v3 =	vld [tilespmem:$0xD0];
	_ =	sdelay $0x4  }
0x133: {  	v45 =	vshll.u32 v3, $0x1  }
0x134: {  	v3 =	vand.u32 $0x7, v3;
	v4 =	vand.u32 $0xFFFFFFF0, v45  }
0x135: {  	v3 =	vor.u32 v3, v4  }
0x136: {  	v4 =	vperm.xlane v3, v0;
	_ =	sdelay $0x1  }
0x137: {  	v3 =	vperm.xlane v3, v2;
	v4 =	vadd.s32 v1, v4;
	_ =	sdelay $0x1  }
0x138: {  	v3 =	vadd.s32 v1, v3;
	_ =	sdelay $0x1  }
0x139: {  	s16 =	simm.s32 $0xD200  }
0x13a: {  	[hbm4b:s3+s2] =	stream.indirect_vreg.scatter [tilespmem:s16], [sflag:$0x2], $0x80, v4, vm0, $0xb8;
	[tilespmem:$0x10200] =	vst v63  }
0x13b: {  	s17 =	simm.s32 $0xDA00  }
0x13c: {  	[hbm4b:s3+s2] =	stream.indirect_vreg.scatter [tilespmem:s17], [sflag:$0x2], $0x80, v3, vm0, $0xb8;
	[tilespmem:$0x10200] =	vst v63  }
0x13d: {  	v3 =	vld [tilespmem:$0xE0];
	_ =	sdelay $0x4  }
0x13e: {  	v46 =	vshll.u32 v3, $0x1  }
0x13f: {  	v3 =	vand.u32 $0x7, v3;
	v4 =	vand.u32 $0xFFFFFFF0, v46  }
0x140: {  	v3 =	vor.u32 v3, v4  }
0x141: {  	v4 =	vperm.xlane v3, v0;
	_ =	sdelay $0x1  }
0x142: {  	v3 =	vperm.xlane v3, v2;
	v4 =	vadd.s32 v1, v4;
	_ =	sdelay $0x1  }
0x143: {  	v3 =	vadd.s32 v1, v3;
	_ =	sdelay $0x1  }
0x144: {  	s21 =	simm.s32 $0xE200  }
0x145: {  	[hbm4b:s3+s2] =	stream.indirect_vreg.scatter [tilespmem:s21], [sflag:$0x2], $0x80, v4, vm0, $0xb8;
	[tilespmem:$0x10200] =	vst v63  }
0x146: {  	s20 =	simm.s32 $0xEA00  }
0x147: {  	[hbm4b:s3+s2] =	stream.indirect_vreg.scatter [tilespmem:s20], [sflag:$0x2], $0x80, v3, vm0, $0xb8;
	[tilespmem:$0x10200] =	vst v63  }
0x148: {  	v3 =	vld [tilespmem:$0xF0];
	_ =	sdelay $0x4  }
0x149: {  	v47 =	vshll.u32 v3, $0x1  }
0x14a: {  	v3 =	vand.u32 $0x7, v3;
	v4 =	vand.u32 $0xFFFFFFF0, v47  }
0x14b: {  	v3 =	vor.u32 v3, v4  }
0x14c: {  	v4 =	vperm.xlane v3, v0;
	_ =	sdelay $0x1  }
0x14d: {  	v3 =	vperm.xlane v3, v2;
	v4 =	vadd.s32 v1, v4;
	_ =	sdelay $0x1  }
0x14e: {  	v3 =	vadd.s32 v1, v3;
	_ =	sdelay $0x1  }
0x14f: {  	s22 =	simm.s32 $0xF200  }
0x150: {  	[hbm4b:s3+s2] =	stream.indirect_vreg.scatter [tilespmem:s22], [sflag:$0x2], $0x80, v4, vm0, $0xb8;
	[tilespmem:$0x10200] =	vst v63  }
0x151: {  	s0 =	simm.s32 $0xFA00;
	s15 =	simm.s32 $0x1  }
0x152: {  	[hbm4b:s3+s2] =	stream.indirect_vreg.scatter [tilespmem:s0], [sflag:$0x2], $0x80, v3, vm0, $0xb8;
	[tilespmem:$0x10200] =	vst v63  }
0x153: {  	_ =	swait.ge [sflag:s15], $0x8000  }
0x154: {  	[sflag:s15] =	ssyncset.done $0x0  }
0x155: {  	s13 =	simm.s32 $0x200;
	[sflag:s15] =	ssyncadd.s32 $0xFFFF8000  }
0x156: {  	[tilespmem:s13], [sflag:$0x3] =	stream.linear.gather [hbm4b:s8+s2], $0x400, $0x38;
	[tilespmem:$0x10200] =	vst v63  }
0x157: {  	s16 =	sadd.s32 $0x80, s8;
	s0 =	simm.s32 $0xA00  }
0x158: {  	[tilespmem:s0], [sflag:$0x3] =	stream.linear.gather [hbm4b:s16+s2], $0x400, $0x38;
	[tilespmem:$0x10200] =	vst v63  }
0x159: {  	s17 =	sadd.s32 $0x100, s8;
	s15 =	simm.s32 $0x1200  }
0x15a: {  	[tilespmem:s15], [sflag:$0x3] =	stream.linear.gather [hbm4b:s17+s2], $0x400, $0x38;
	[tilespmem:$0x10200] =	vst v63  }
0x15b: {  	s26 =	simm.s32 $0x1A00;
	s18 =	sadd.s32 $0x180, s8  }
0x15c: {  	[tilespmem:s26], [sflag:$0x3] =	stream.linear.gather [hbm4b:s18+s2], $0x400, $0x38;
	[tilespmem:$0x10200] =	vst v63  }
0x15d: {  	s25 =	simm.s32 $0x2200;
	s19 =	sadd.s32 $0x200, s8  }
0x15e: {  	[tilespmem:s25], [sflag:$0x3] =	stream.linear.gather [hbm4b:s19+s2], $0x400, $0x38;
	[tilespmem:$0x10200] =	vst v63  }
0x15f: {  	s29 =	simm.s32 $0x2A00;
	s20 =	sadd.s32 $0x280, s8  }
0x160: {  	[tilespmem:s29], [sflag:$0x3] =	stream.linear.gather [hbm4b:s20+s2], $0x400, $0x38;
	[tilespmem:$0x10200] =	vst v63  }
0x161: {  	s23 =	simm.s32 $0x3200;
	s21 =	sadd.s32 $0x300, s8  }
0x162: {  	[tilespmem:s23], [sflag:$0x3] =	stream.linear.gather [hbm4b:s21+s2], $0x400, $0x38;
	[tilespmem:$0x10200] =	vst v63  }
0x163: {  	s24 =	simm.s32 $0x3A00;
	s22 =	sadd.s32 $0x380, s8  }
0x164: {  	[tilespmem:s24], [sflag:$0x3] =	stream.linear.gather [hbm4b:s22+s2], $0x400, $0x38;
	[tilespmem:$0x10200] =	vst v63  }
0x165: {  	s30 =	sadd.s32 $0x400, s8;
	s21 =	simm.s32 $0x4200  }
0x166: {  	[tilespmem:s21], [sflag:$0x3] =	stream.linear.gather [hbm4b:s30+s2], $0x400, $0x38;
	[tilespmem:$0x10200] =	vst v63  }
0x167: {  	s14 =	sadd.s32 $0x480, s8;
	s22 =	simm.s32 $0x4A00  }
0x168: {  	[tilespmem:s22], [sflag:$0x3] =	stream.linear.gather [hbm4b:s14+s2], $0x400, $0x38;
	[tilespmem:$0x10200] =	vst v63  }
0x169: {  	s16 =	sadd.s32 $0x500, s8;
	s19 =	simm.s32 $0x5200  }
0x16a: {  	[tilespmem:s19], [sflag:$0x3] =	stream.linear.gather [hbm4b:s16+s2], $0x400, $0x38;
	[tilespmem:$0x10200] =	vst v63  }
0x16b: {  	s17 =	sadd.s32 $0x580, s8;
	s20 =	simm.s32 $0x5A00  }
0x16c: {  	[tilespmem:s20], [sflag:$0x3] =	stream.linear.gather [hbm4b:s17+s2], $0x400, $0x38;
	[tilespmem:$0x10200] =	vst v63  }
0x16d: {  	s18 =	sadd.s32 $0x600, s8;
	s17 =	simm.s32 $0x6200  }
0x16e: {  	[tilespmem:s17], [sflag:$0x3] =	stream.linear.gather [hbm4b:s18+s2], $0x400, $0x38;
	[tilespmem:$0x10200] =	vst v63  }
0x16f: {  	s30 =	sadd.s32 $0x680, s8;
	s18 =	simm.s32 $0x6A00  }
0x170: {  	[tilespmem:s18], [sflag:$0x3] =	stream.linear.gather [hbm4b:s30+s2], $0x400, $0x38;
	[tilespmem:$0x10200] =	vst v63  }
0x171: {  	s14 =	sadd.s32 $0x700, s8;
	s16 =	simm.s32 $0x7200  }
0x172: {  	[tilespmem:s16], [sflag:$0x3] =	stream.linear.gather [hbm4b:s14+s2], $0x400, $0x38;
	[tilespmem:$0x10200] =	vst v63  }
0x173: {  	s30 =	sadd.s32 $0x780, s8;
	s14 =	simm.s32 $0x7A00  }
0x174: {  	[tilespmem:s14], [sflag:$0x3] =	stream.linear.gather [hbm4b:s30+s2], $0x400, $0x38;
	[tilespmem:$0x10200] =	vst v63  }
0x175: {  	s30 =	simm.s32 $0x600  }
0x176: {  	[tilespmem:s30], [sflag:$0x3] =	stream.linear.gather [hbm4b:s9+s2], $0x400, $0x38;
	[tilespmem:$0x10200] =	vst v63  }
0x177: {  	s1 =	sadd.s32 $0x80, s9;
	s30 =	simm.s32 $0xE00  }
0x178: {  	[tilespmem:s30], [sflag:$0x3] =	stream.linear.gather [hbm4b:s1+s2], $0x400, $0x38;
	[tilespmem:$0x10200] =	vst v63  }
0x179: {  	s1 =	sadd.s32 $0x100, s9;
	s30 =	simm.s32 $0x1600  }
0x17a: {  	[tilespmem:s30], [sflag:$0x3] =	stream.linear.gather [hbm4b:s1+s2], $0x400, $0x38;
	[tilespmem:$0x10200] =	vst v63  }
0x17b: {  	s1 =	sadd.s32 $0x180, s9;
	s30 =	simm.s32 $0x1E00  }
0x17c: {  	[tilespmem:s30], [sflag:$0x3] =	stream.linear.gather [hbm4b:s1+s2], $0x400, $0x38;
	[tilespmem:$0x10200] =	vst v63  }
0x17d: {  	s1 =	sadd.s32 $0x200, s9;
	s30 =	simm.s32 $0x2600  }
0x17e: {  	[tilespmem:s30], [sflag:$0x3] =	stream.linear.gather [hbm4b:s1+s2], $0x400, $0x38;
	[tilespmem:$0x10200] =	vst v63  }
0x17f: {  	s1 =	sadd.s32 $0x280, s9;
	s30 =	simm.s32 $0x2E00  }
0x180: {  	[tilespmem:s30], [sflag:$0x3] =	stream.linear.gather [hbm4b:s1+s2], $0x400, $0x38;
	[tilespmem:$0x10200] =	vst v63  }
0x181: {  	s1 =	sadd.s32 $0x300, s9;
	s30 =	simm.s32 $0x3600  }
0x182: {  	[tilespmem:s30], [sflag:$0x3] =	stream.linear.gather [hbm4b:s1+s2], $0x400, $0x38;
	[tilespmem:$0x10200] =	vst v63  }
0x183: {  	s1 =	sadd.s32 $0x380, s9;
	s30 =	simm.s32 $0x3E00  }
0x184: {  	[tilespmem:s30], [sflag:$0x3] =	stream.linear.gather [hbm4b:s1+s2], $0x400, $0x38;
	[tilespmem:$0x10200] =	vst v63  }
0x185: {  	s1 =	sadd.s32 $0x400, s9;
	s30 =	simm.s32 $0x4600  }
0x186: {  	[tilespmem:s30], [sflag:$0x3] =	stream.linear.gather [hbm4b:s1+s2], $0x400, $0x38;
	[tilespmem:$0x10200] =	vst v63  }
0x187: {  	s1 =	sadd.s32 $0x480, s9;
	s30 =	simm.s32 $0x4E00  }
0x188: {  	[tilespmem:s30], [sflag:$0x3] =	stream.linear.gather [hbm4b:s1+s2], $0x400, $0x38;
	[tilespmem:$0x10200] =	vst v63  }
0x189: {  	s1 =	sadd.s32 $0x500, s9;
	s30 =	simm.s32 $0x5600  }
0x18a: {  	[tilespmem:s30], [sflag:$0x3] =	stream.linear.gather [hbm4b:s1+s2], $0x400, $0x38;
	[tilespmem:$0x10200] =	vst v63  }
0x18b: {  	s1 =	sadd.s32 $0x580, s9;
	s30 =	simm.s32 $0x5E00  }
0x18c: {  	[tilespmem:s30], [sflag:$0x3] =	stream.linear.gather [hbm4b:s1+s2], $0x400, $0x38;
	[tilespmem:$0x10200] =	vst v63  }
0x18d: {  	s1 =	sadd.s32 $0x600, s9;
	s30 =	simm.s32 $0x6600  }
0x18e: {  	[tilespmem:s30], [sflag:$0x3] =	stream.linear.gather [hbm4b:s1+s2], $0x400, $0x38;
	[tilespmem:$0x10200] =	vst v63  }
0x18f: {  	s1 =	sadd.s32 $0x680, s9;
	s30 =	simm.s32 $0x6E00  }
0x190: {  	[tilespmem:s30], [sflag:$0x3] =	stream.linear.gather [hbm4b:s1+s2], $0x400, $0x38;
	[tilespmem:$0x10200] =	vst v63  }
0x191: {  	s1 =	sadd.s32 $0x700, s9;
	s30 =	simm.s32 $0x7600  }
0x192: {  	[tilespmem:s30], [sflag:$0x3] =	stream.linear.gather [hbm4b:s1+s2], $0x400, $0x38;
	[tilespmem:$0x10200] =	vst v63  }
0x193: {  	s1 =	sadd.s32 $0x780, s9;
	s30 =	simm.s32 $0x7E00  }
0x194: {  	[tilespmem:s30], [sflag:$0x3] =	stream.linear.gather [hbm4b:s1+s2], $0x400, $0x38;
	[tilespmem:$0x10200] =	vst v63  }
0x195: {  	_ =	swait.ge [sflag:s28], $0x4000  }
0x196: {  	[sflag:s28] =	ssyncset.done $0x0  }
0x197: {  	[sflag:s28] =	ssyncadd.s32 $0xFFFFC000  }
0x198: {  	_ =	swait.ge [sflag:s28], $0x4000  }
0x199: {  	[sflag:s28] =	ssyncset.done $0x0  }
0x19a: {  	[sflag:s28] =	ssyncadd.s32 $0xFFFFC000  }
0x19b: {  	v3 =	vld [tilespmem:$0x100];
	_ =	sdelay $0x4  }
0x19c: {  	v48 =	vshll.u32 v3, $0x1  }
0x19d: {  	v3 =	vand.u32 $0x7, v3;
	v4 =	vand.u32 $0xFFFFFFF0, v48  }
0x19e: {  	v3 =	vor.u32 v3, v4  }
0x19f: {  	v4 =	vperm.xlane v3, v0;
	_ =	sdelay $0x1  }
0x1a0: {  	v3 =	vperm.xlane v3, v2;
	v4 =	vadd.s32 v1, v4;
	_ =	sdelay $0x1  }
0x1a1: {  	v3 =	vadd.s32 v1, v3;
	_ =	sdelay $0x2  }
0x1a2: {  	[hbm4b:s3+s2] =	stream.indirect_vreg.scatter [tilespmem:s13], [sflag:$0x1], $0x80, v4, vm0, $0xb8;
	[tilespmem:$0x10200] =	vst v63  }
0x1a3: {  	_ = 	snop  }
0x1a4: {  	[hbm4b:s3+s2] =	stream.indirect_vreg.scatter [tilespmem:s0], [sflag:$0x1], $0x80, v3, vm0, $0xb8;
	[tilespmem:$0x10200] =	vst v63  }
0x1a5: {  	v3 =	vld [tilespmem:$0x110];
	_ =	sdelay $0x4  }
0x1a6: {  	v49 =	vshll.u32 v3, $0x1  }
0x1a7: {  	v3 =	vand.u32 $0x7, v3;
	v4 =	vand.u32 $0xFFFFFFF0, v49  }
0x1a8: {  	v3 =	vor.u32 v3, v4  }
0x1a9: {  	v4 =	vperm.xlane v3, v0;
	_ =	sdelay $0x1  }
0x1aa: {  	v3 =	vperm.xlane v3, v2;
	v4 =	vadd.s32 v1, v4;
	_ =	sdelay $0x1  }
0x1ab: {  	v3 =	vadd.s32 v1, v3;
	_ =	sdelay $0x2  }
0x1ac: {  	[hbm4b:s3+s2] =	stream.indirect_vreg.scatter [tilespmem:s15], [sflag:$0x1], $0x80, v4, vm0, $0xb8;
	[tilespmem:$0x10200] =	vst v63  }
0x1ad: {  	_ = 	snop  }
0x1ae: {  	[hbm4b:s3+s2] =	stream.indirect_vreg.scatter [tilespmem:s26], [sflag:$0x1], $0x80, v3, vm0, $0xb8;
	[tilespmem:$0x10200] =	vst v63  }
0x1af: {  	v3 =	vld [tilespmem:$0x120];
	_ =	sdelay $0x4  }
0x1b0: {  	v50 =	vshll.u32 v3, $0x1  }
0x1b1: {  	v3 =	vand.u32 $0x7, v3;
	v4 =	vand.u32 $0xFFFFFFF0, v50  }
0x1b2: {  	v3 =	vor.u32 v3, v4  }
0x1b3: {  	v4 =	vperm.xlane v3, v0;
	_ =	sdelay $0x1  }
0x1b4: {  	v3 =	vperm.xlane v3, v2;
	v4 =	vadd.s32 v1, v4;
	_ =	sdelay $0x1  }
0x1b5: {  	v3 =	vadd.s32 v1, v3;
	_ =	sdelay $0x2  }
0x1b6: {  	[hbm4b:s3+s2] =	stream.indirect_vreg.scatter [tilespmem:s25], [sflag:$0x1], $0x80, v4, vm0, $0xb8;
	[tilespmem:$0x10200] =	vst v63  }
0x1b7: {  	_ = 	snop  }
0x1b8: {  	[hbm4b:s3+s2] =	stream.indirect_vreg.scatter [tilespmem:s29], [sflag:$0x1], $0x80, v3, vm0, $0xb8;
	[tilespmem:$0x10200] =	vst v63  }
0x1b9: {  	v3 =	vld [tilespmem:$0x130];
	_ =	sdelay $0x4  }
0x1ba: {  	v51 =	vshll.u32 v3, $0x1  }
0x1bb: {  	v3 =	vand.u32 $0x7, v3;
	v4 =	vand.u32 $0xFFFFFFF0, v51  }
0x1bc: {  	v3 =	vor.u32 v3, v4  }
0x1bd: {  	v4 =	vperm.xlane v3, v0;
	_ =	sdelay $0x1  }
0x1be: {  	v3 =	vperm.xlane v3, v2;
	v4 =	vadd.s32 v1, v4;
	_ =	sdelay $0x1  }
0x1bf: {  	v3 =	vadd.s32 v1, v3;
	_ =	sdelay $0x2  }
0x1c0: {  	[hbm4b:s3+s2] =	stream.indirect_vreg.scatter [tilespmem:s23], [sflag:$0x1], $0x80, v4, vm0, $0xb8;
	[tilespmem:$0x10200] =	vst v63  }
0x1c1: {  	_ = 	snop  }
0x1c2: {  	[hbm4b:s3+s2] =	stream.indirect_vreg.scatter [tilespmem:s24], [sflag:$0x1], $0x80, v3, vm0, $0xb8;
	[tilespmem:$0x10200] =	vst v63  }
0x1c3: {  	v3 =	vld [tilespmem:$0x140];
	_ =	sdelay $0x4  }
0x1c4: {  	v52 =	vshll.u32 v3, $0x1  }
0x1c5: {  	v3 =	vand.u32 $0x7, v3;
	v4 =	vand.u32 $0xFFFFFFF0, v52  }
0x1c6: {  	v3 =	vor.u32 v3, v4  }
0x1c7: {  	v4 =	vperm.xlane v3, v0;
	_ =	sdelay $0x1  }
0x1c8: {  	v3 =	vperm.xlane v3, v2;
	v4 =	vadd.s32 v1, v4;
	_ =	sdelay $0x1  }
0x1c9: {  	v3 =	vadd.s32 v1, v3;
	_ =	sdelay $0x2  }
0x1ca: {  	[hbm4b:s3+s2] =	stream.indirect_vreg.scatter [tilespmem:s21], [sflag:$0x1], $0x80, v4, vm0, $0xb8;
	[tilespmem:$0x10200] =	vst v63  }
0x1cb: {  	_ = 	snop  }
0x1cc: {  	[hbm4b:s3+s2] =	stream.indirect_vreg.scatter [tilespmem:s22], [sflag:$0x1], $0x80, v3, vm0, $0xb8;
	[tilespmem:$0x10200] =	vst v63  }
0x1cd: {  	v3 =	vld [tilespmem:$0x150];
	_ =	sdelay $0x4  }
0x1ce: {  	v53 =	vshll.u32 v3, $0x1  }
0x1cf: {  	v3 =	vand.u32 $0x7, v3;
	v4 =	vand.u32 $0xFFFFFFF0, v53  }
0x1d0: {  	v3 =	vor.u32 v3, v4  }
0x1d1: {  	v4 =	vperm.xlane v3, v0;
	_ =	sdelay $0x1  }
0x1d2: {  	v3 =	vperm.xlane v3, v2;
	v4 =	vadd.s32 v1, v4;
	_ =	sdelay $0x1  }
0x1d3: {  	v3 =	vadd.s32 v1, v3;
	_ =	sdelay $0x2  }
0x1d4: {  	[hbm4b:s3+s2] =	stream.indirect_vreg.scatter [tilespmem:s19], [sflag:$0x1], $0x80, v4, vm0, $0xb8;
	[tilespmem:$0x10200] =	vst v63  }
0x1d5: {  	_ = 	snop  }
0x1d6: {  	[hbm4b:s3+s2] =	stream.indirect_vreg.scatter [tilespmem:s20], [sflag:$0x1], $0x80, v3, vm0, $0xb8;
	[tilespmem:$0x10200] =	vst v63  }
0x1d7: {  	v3 =	vld [tilespmem:$0x160];
	_ =	sdelay $0x4  }
0x1d8: {  	v54 =	vshll.u32 v3, $0x1  }
0x1d9: {  	v3 =	vand.u32 $0x7, v3;
	v4 =	vand.u32 $0xFFFFFFF0, v54  }
0x1da: {  	v3 =	vor.u32 v3, v4  }
0x1db: {  	v4 =	vperm.xlane v3, v0;
	_ =	sdelay $0x1  }
0x1dc: {  	v3 =	vperm.xlane v3, v2;
	v4 =	vadd.s32 v1, v4;
	_ =	sdelay $0x1  }
0x1dd: {  	v3 =	vadd.s32 v1, v3;
	_ =	sdelay $0x2  }
0x1de: {  	[hbm4b:s3+s2] =	stream.indirect_vreg.scatter [tilespmem:s17], [sflag:$0x1], $0x80, v4, vm0, $0xb8;
	[tilespmem:$0x10200] =	vst v63  }
0x1df: {  	_ = 	snop  }
0x1e0: {  	[hbm4b:s3+s2] =	stream.indirect_vreg.scatter [tilespmem:s18], [sflag:$0x1], $0x80, v3, vm0, $0xb8;
	[tilespmem:$0x10200] =	vst v63  }
0x1e1: {  	v3 =	vld [tilespmem:$0x170];
	_ =	sdelay $0x4  }
0x1e2: {  	v55 =	vshll.u32 v3, $0x1  }
0x1e3: {  	v3 =	vand.u32 $0x7, v3;
	v4 =	vand.u32 $0xFFFFFFF0, v55  }
0x1e4: {  	v3 =	vor.u32 v3, v4  }
0x1e5: {  	v4 =	vperm.xlane v3, v0;
	_ =	sdelay $0x1  }
0x1e6: {  	v3 =	vperm.xlane v3, v2;
	v4 =	vadd.s32 v1, v4;
	_ =	sdelay $0x1  }
0x1e7: {  	v3 =	vadd.s32 v1, v3;
	_ =	sdelay $0x2  }
0x1e8: {  	[hbm4b:s3+s2] =	stream.indirect_vreg.scatter [tilespmem:s16], [sflag:$0x1], $0x80, v4, vm0, $0xb8;
	[tilespmem:$0x10200] =	vst v63  }
0x1e9: {  	s13 =	simm.s32 $0x2  }
0x1ea: {  	[hbm4b:s3+s2] =	stream.indirect_vreg.scatter [tilespmem:s14], [sflag:$0x1], $0x80, v3, vm0, $0xb8;
	[tilespmem:$0x10200] =	vst v63  }
0x1eb: {  	_ =	swait.ge [sflag:s13], $0x8000  }
0x1ec: {  	[sflag:s13] =	ssyncset.done $0x0  }
0x1ed: {  	s16 =	simm.s32 $0x8200;
	[sflag:s13] =	ssyncadd.s32 $0xFFFF8000  }
0x1ee: {  	[tilespmem:s16], [sflag:$0x4] =	stream.linear.gather [hbm4b:s10+s2], $0x400, $0x38;
	[tilespmem:$0x10200] =	vst v63  }
0x1ef: {  	s24 =	sadd.s32 $0x80, s10;
	s19 =	simm.s32 $0x8A00  }
0x1f0: {  	[tilespmem:s19], [sflag:$0x4] =	stream.linear.gather [hbm4b:s24+s2], $0x400, $0x38;
	[tilespmem:$0x10200] =	vst v63  }
0x1f1: {  	s25 =	sadd.s32 $0x100, s10;
	s23 =	simm.s32 $0x9200  }
0x1f2: {  	[tilespmem:s23], [sflag:$0x4] =	stream.linear.gather [hbm4b:s25+s2], $0x400, $0x38;
	[tilespmem:$0x10200] =	vst v63  }
0x1f3: {  	s26 =	sadd.s32 $0x180, s10;
	s18 =	simm.s32 $0x9A00  }
0x1f4: {  	[tilespmem:s18], [sflag:$0x4] =	stream.linear.gather [hbm4b:s26+s2], $0x400, $0x38;
	[tilespmem:$0x10200] =	vst v63  }
0x1f5: {  	s29 =	sadd.s32 $0x200, s10;
	s21 =	simm.s32 $0xA200  }
0x1f6: {  	[tilespmem:s21], [sflag:$0x4] =	stream.linear.gather [hbm4b:s29+s2], $0x400, $0x38;
	[tilespmem:$0x10200] =	vst v63  }
0x1f7: {  	s30 =	sadd.s32 $0x280, s10;
	s22 =	simm.s32 $0xAA00  }
0x1f8: {  	[tilespmem:s22], [sflag:$0x4] =	stream.linear.gather [hbm4b:s30+s2], $0x400, $0x38;
	[tilespmem:$0x10200] =	vst v63  }
0x1f9: {  	s0 =	sadd.s32 $0x300, s10;
	s24 =	simm.s32 $0xB200  }
0x1fa: {  	[tilespmem:s24], [sflag:$0x4] =	stream.linear.gather [hbm4b:s0+s2], $0x400, $0x38;
	[tilespmem:$0x10200] =	vst v63  }
0x1fb: {  	s20 =	simm.s32 $0xBA00;
	s14 =	sadd.s32 $0x380, s10  }
0x1fc: {  	[tilespmem:s20], [sflag:$0x4] =	stream.linear.gather [hbm4b:s14+s2], $0x400, $0x38;
	[tilespmem:$0x10200] =	vst v63  }
0x1fd: {  	s15 =	sadd.s32 $0x400, s10;
	s17 =	simm.s32 $0xC200  }
0x1fe: {  	[tilespmem:s17], [sflag:$0x4] =	stream.linear.gather [hbm4b:s15+s2], $0x400, $0x38;
	[tilespmem:$0x10200] =	vst v63  }
0x1ff: {  	s25 =	sadd.s32 $0x480, s10;
	s26 =	simm.s32 $0xCA00  }
0x200: {  	[tilespmem:s26], [sflag:$0x4] =	stream.linear.gather [hbm4b:s25+s2], $0x400, $0x38;
	[tilespmem:$0x10200] =	vst v63  }
0x201: {  	s30 =	sadd.s32 $0x500, s10;
	s0 =	simm.s32 $0xD200  }
0x202: {  	[tilespmem:s0], [sflag:$0x4] =	stream.linear.gather [hbm4b:s30+s2], $0x400, $0x38;
	[tilespmem:$0x10200] =	vst v63  }
0x203: {  	s15 =	sadd.s32 $0x580, s10;
	s17 =	simm.s32 $0xDA00  }
0x204: {  	[tilespmem:s17], [sflag:$0x4] =	stream.linear.gather [hbm4b:s15+s2], $0x400, $0x38;
	[tilespmem:$0x10200] =	vst v63  }
0x205: {  	s26 =	sadd.s32 $0x600, s10;
	s30 =	simm.s32 $0xE200  }
0x206: {  	[tilespmem:s30], [sflag:$0x4] =	stream.linear.gather [hbm4b:s26+s2], $0x400, $0x38;
	[tilespmem:$0x10200] =	vst v63  }
0x207: {  	s0 =	sadd.s32 $0x680, s10;
	s26 =	simm.s32 $0xEA00  }
0x208: {  	[tilespmem:s26], [sflag:$0x4] =	stream.linear.gather [hbm4b:s0+s2], $0x400, $0x38;
	[tilespmem:$0x10200] =	vst v63  }
0x209: {  	s31 =	simm.s32 $0xF200;
	s0 =	sadd.s32 $0x700, s10  }
0x20a: {  	[tilespmem:s31], [sflag:$0x4] =	stream.linear.gather [hbm4b:s0+s2], $0x400, $0x38;
	[tilespmem:$0x10200] =	vst v63  }
0x20b: {  	s1 =	sadd.s32 $0x780, s10;
	s26 =	simm.s32 $0xFA00  }
0x20c: {  	[tilespmem:s26], [sflag:$0x4] =	stream.linear.gather [hbm4b:s1+s2], $0x400, $0x38;
	[tilespmem:$0x10200] =	vst v63  }
0x20d: {  	s31 =	simm.s32 $0x8600  }
0x20e: {  	[tilespmem:s31], [sflag:$0x4] =	stream.linear.gather [hbm4b:s11+s2], $0x400, $0x38;
	[tilespmem:$0x10200] =	vst v63  }
0x20f: {  	s1 =	sadd.s32 $0x80, s11;
	s31 =	simm.s32 $0x8E00  }
0x210: {  	[tilespmem:s31], [sflag:$0x4] =	stream.linear.gather [hbm4b:s1+s2], $0x400, $0x38;
	[tilespmem:$0x10200] =	vst v63  }
0x211: {  	s1 =	sadd.s32 $0x100, s11;
	s31 =	simm.s32 $0x9600  }
0x212: {  	[tilespmem:s31], [sflag:$0x4] =	stream.linear.gather [hbm4b:s1+s2], $0x400, $0x38;
	[tilespmem:$0x10200] =	vst v63  }
0x213: {  	s1 =	sadd.s32 $0x180, s11;
	s31 =	simm.s32 $0x9E00  }
0x214: {  	[tilespmem:s31], [sflag:$0x4] =	stream.linear.gather [hbm4b:s1+s2], $0x400, $0x38;
	[tilespmem:$0x10200] =	vst v63  }
0x215: {  	s1 =	sadd.s32 $0x200, s11;
	s31 =	simm.s32 $0xA600  }
0x216: {  	[tilespmem:s31], [sflag:$0x4] =	stream.linear.gather [hbm4b:s1+s2], $0x400, $0x38;
	[tilespmem:$0x10200] =	vst v63  }
0x217: {  	s1 =	sadd.s32 $0x280, s11;
	s31 =	simm.s32 $0xAE00  }
0x218: {  	[tilespmem:s31], [sflag:$0x4] =	stream.linear.gather [hbm4b:s1+s2], $0x400, $0x38;
	[tilespmem:$0x10200] =	vst v63  }
0x219: {  	s1 =	sadd.s32 $0x300, s11;
	s31 =	simm.s32 $0xB600  }
0x21a: {  	[tilespmem:s31], [sflag:$0x4] =	stream.linear.gather [hbm4b:s1+s2], $0x400, $0x38;
	[tilespmem:$0x10200] =	vst v63  }
0x21b: {  	s1 =	sadd.s32 $0x380, s11;
	s31 =	simm.s32 $0xBE00  }
0x21c: {  	[tilespmem:s31], [sflag:$0x4] =	stream.linear.gather [hbm4b:s1+s2], $0x400, $0x38;
	[tilespmem:$0x10200] =	vst v63  }
0x21d: {  	s1 =	sadd.s32 $0x400, s11;
	s31 =	simm.s32 $0xC600  }
0x21e: {  	[tilespmem:s31], [sflag:$0x4] =	stream.linear.gather [hbm4b:s1+s2], $0x400, $0x38;
	[tilespmem:$0x10200] =	vst v63  }
0x21f: {  	s1 =	sadd.s32 $0x480, s11;
	s31 =	simm.s32 $0xCE00  }
0x220: {  	[tilespmem:s31], [sflag:$0x4] =	stream.linear.gather [hbm4b:s1+s2], $0x400, $0x38;
	[tilespmem:$0x10200] =	vst v63  }
0x221: {  	s1 =	sadd.s32 $0x500, s11;
	s31 =	simm.s32 $0xD600  }
0x222: {  	[tilespmem:s31], [sflag:$0x4] =	stream.linear.gather [hbm4b:s1+s2], $0x400, $0x38;
	[tilespmem:$0x10200] =	vst v63  }
0x223: {  	s1 =	sadd.s32 $0x580, s11;
	s31 =	simm.s32 $0xDE00  }
0x224: {  	[tilespmem:s31], [sflag:$0x4] =	stream.linear.gather [hbm4b:s1+s2], $0x400, $0x38;
	[tilespmem:$0x10200] =	vst v63  }
0x225: {  	s1 =	sadd.s32 $0x600, s11;
	s31 =	simm.s32 $0xE600  }
0x226: {  	[tilespmem:s31], [sflag:$0x4] =	stream.linear.gather [hbm4b:s1+s2], $0x400, $0x38;
	[tilespmem:$0x10200] =	vst v63  }
0x227: {  	s1 =	sadd.s32 $0x680, s11;
	s31 =	simm.s32 $0xEE00  }
0x228: {  	[tilespmem:s31], [sflag:$0x4] =	stream.linear.gather [hbm4b:s1+s2], $0x400, $0x38;
	[tilespmem:$0x10200] =	vst v63  }
0x229: {  	s1 =	sadd.s32 $0x700, s11;
	s31 =	simm.s32 $0xF600  }
0x22a: {  	[tilespmem:s31], [sflag:$0x4] =	stream.linear.gather [hbm4b:s1+s2], $0x400, $0x38;
	[tilespmem:$0x10200] =	vst v63  }
0x22b: {  	s1 =	sadd.s32 $0x780, s11;
	s31 =	simm.s32 $0xFE00  }
0x22c: {  	[tilespmem:s31], [sflag:$0x4] =	stream.linear.gather [hbm4b:s1+s2], $0x400, $0x38;
	[tilespmem:$0x10200] =	vst v63  }
0x22d: {  	s1 =	rddreg [dreg:$0xa];
	_ =	swait.ge [sflag:s12], $0x4000  }
0x22e: {  	[sflag:s12] =	ssyncset.done $0x0  }
0x22f: {  	[sflag:s12] =	ssyncadd.s32 $0xFFFFC000  }
0x230: {  	_ =	swait.ge [sflag:s12], $0x4000  }
0x231: {  	[sflag:s12] =	ssyncset.done $0x0  }
0x232: {  	[sflag:s12] =	ssyncadd.s32 $0xFFFFC000  }
0x233: {  	v3 =	vld [tilespmem:$0x180];
	_ =	sdelay $0x4  }
0x234: {  	v56 =	vshll.u32 v3, $0x1  }
0x235: {  	v3 =	vand.u32 $0x7, v3;
	v4 =	vand.u32 $0xFFFFFFF0, v56  }
0x236: {  	v3 =	vor.u32 v3, v4  }
0x237: {  	v4 =	vperm.xlane v3, v0;
	_ =	sdelay $0x1  }
0x238: {  	v3 =	vperm.xlane v3, v2;
	v4 =	vadd.s32 v1, v4;
	_ =	sdelay $0x1  }
0x239: {  	v3 =	vadd.s32 v1, v3;
	_ =	sdelay $0x2  }
0x23a: {  	[hbm4b:s3+s2] =	stream.indirect_vreg.scatter [tilespmem:s16], [sflag:$0x2], $0x80, v4, vm0, $0xb8;
	[tilespmem:$0x10200] =	vst v63  }
0x23b: {  	_ = 	snop  }
0x23c: {  	[hbm4b:s3+s2] =	stream.indirect_vreg.scatter [tilespmem:s19], [sflag:$0x2], $0x80, v3, vm0, $0xb8;
	[tilespmem:$0x10200] =	vst v63  }
0x23d: {  	v3 =	vld [tilespmem:$0x190];
	_ =	sdelay $0x4  }
0x23e: {  	v57 =	vshll.u32 v3, $0x1  }
0x23f: {  	v3 =	vand.u32 $0x7, v3;
	v4 =	vand.u32 $0xFFFFFFF0, v57  }
0x240: {  	v3 =	vor.u32 v3, v4  }
0x241: {  	v4 =	vperm.xlane v3, v0;
	_ =	sdelay $0x1  }
0x242: {  	v3 =	vperm.xlane v3, v2;
	v4 =	vadd.s32 v1, v4;
	_ =	sdelay $0x1  }
0x243: {  	v3 =	vadd.s32 v1, v3;
	_ =	sdelay $0x2  }
0x244: {  	[hbm4b:s3+s2] =	stream.indirect_vreg.scatter [tilespmem:s23], [sflag:$0x2], $0x80, v4, vm0, $0xb8;
	[tilespmem:$0x10200] =	vst v63  }
0x245: {  	_ = 	snop  }
0x246: {  	[hbm4b:s3+s2] =	stream.indirect_vreg.scatter [tilespmem:s18], [sflag:$0x2], $0x80, v3, vm0, $0xb8;
	[tilespmem:$0x10200] =	vst v63  }
0x247: {  	v3 =	vld [tilespmem:$0x1A0];
	_ =	sdelay $0x4  }
0x248: {  	v58 =	vshll.u32 v3, $0x1  }
0x249: {  	v3 =	vand.u32 $0x7, v3;
	v4 =	vand.u32 $0xFFFFFFF0, v58  }
0x24a: {  	v3 =	vor.u32 v3, v4  }
0x24b: {  	v4 =	vperm.xlane v3, v0;
	_ =	sdelay $0x1  }
0x24c: {  	v3 =	vperm.xlane v3, v2;
	v4 =	vadd.s32 v1, v4;
	_ =	sdelay $0x1  }
0x24d: {  	v3 =	vadd.s32 v1, v3;
	_ =	sdelay $0x2  }
0x24e: {  	[hbm4b:s3+s2] =	stream.indirect_vreg.scatter [tilespmem:s21], [sflag:$0x2], $0x80, v4, vm0, $0xb8;
	[tilespmem:$0x10200] =	vst v63  }
0x24f: {  	_ = 	snop  }
0x250: {  	[hbm4b:s3+s2] =	stream.indirect_vreg.scatter [tilespmem:s22], [sflag:$0x2], $0x80, v3, vm0, $0xb8;
	[tilespmem:$0x10200] =	vst v63  }
0x251: {  	v3 =	vld [tilespmem:$0x1B0];
	_ =	sdelay $0x4  }
0x252: {  	v59 =	vshll.u32 v3, $0x1  }
0x253: {  	v3 =	vand.u32 $0x7, v3;
	v4 =	vand.u32 $0xFFFFFFF0, v59  }
0x254: {  	v3 =	vor.u32 v3, v4  }
0x255: {  	v4 =	vperm.xlane v3, v0;
	_ =	sdelay $0x1  }
0x256: {  	v3 =	vperm.xlane v3, v2;
	v4 =	vadd.s32 v1, v4;
	_ =	sdelay $0x1  }
0x257: {  	v3 =	vadd.s32 v1, v3;
	_ =	sdelay $0x2  }
0x258: {  	[hbm4b:s3+s2] =	stream.indirect_vreg.scatter [tilespmem:s24], [sflag:$0x2], $0x80, v4, vm0, $0xb8;
	[tilespmem:$0x10200] =	vst v63  }
0x259: {  	_ = 	snop  }
0x25a: {  	[hbm4b:s3+s2] =	stream.indirect_vreg.scatter [tilespmem:s20], [sflag:$0x2], $0x80, v3, vm0, $0xb8;
	[tilespmem:$0x10200] =	vst v63  }
0x25b: {  	v3 =	vld [tilespmem:$0x1C0];
	_ =	sdelay $0x4  }
0x25c: {  	v60 =	vshll.u32 v3, $0x1  }
0x25d: {  	v3 =	vand.u32 $0x7, v3;
	v4 =	vand.u32 $0xFFFFFFF0, v60  }
0x25e: {  	v3 =	vor.u32 v3, v4  }
0x25f: {  	v4 =	vperm.xlane v3, v0;
	_ =	sdelay $0x1  }
0x260: {  	v3 =	vperm.xlane v3, v2;
	v4 =	vadd.s32 v1, v4;
	_ =	sdelay $0x1  }
0x261: {  	v3 =	vadd.s32 v1, v3;
	_ =	sdelay $0x1  }
0x262: {  	s29 =	simm.s32 $0xC200  }
0x263: {  	[hbm4b:s3+s2] =	stream.indirect_vreg.scatter [tilespmem:s29], [sflag:$0x2], $0x80, v4, vm0, $0xb8;
	[tilespmem:$0x10200] =	vst v63  }
0x264: {  	s25 =	simm.s32 $0xCA00  }
0x265: {  	[hbm4b:s3+s2] =	stream.indirect_vreg.scatter [tilespmem:s25], [sflag:$0x2], $0x80, v3, vm0, $0xb8;
	[tilespmem:$0x10200] =	vst v63  }
0x266: {  	v3 =	vld [tilespmem:$0x1D0];
	_ =	sdelay $0x4  }
0x267: {  	v61 =	vshll.u32 v3, $0x1  }
0x268: {  	v3 =	vand.u32 $0x7, v3;
	v4 =	vand.u32 $0xFFFFFFF0, v61  }
0x269: {  	v3 =	vor.u32 v3, v4  }
0x26a: {  	v4 =	vperm.xlane v3, v0;
	_ =	sdelay $0x1  }
0x26b: {  	v3 =	vperm.xlane v3, v2;
	v4 =	vadd.s32 v1, v4;
	_ =	sdelay $0x1  }
0x26c: {  	v3 =	vadd.s32 v1, v3;
	_ =	sdelay $0x1  }
0x26d: {  	s14 =	simm.s32 $0xD200  }
0x26e: {  	[hbm4b:s3+s2] =	stream.indirect_vreg.scatter [tilespmem:s14], [sflag:$0x2], $0x80, v4, vm0, $0xb8;
	[tilespmem:$0x10200] =	vst v63  }
0x26f: {  	_ = 	snop  }
0x270: {  	[hbm4b:s3+s2] =	stream.indirect_vreg.scatter [tilespmem:s17], [sflag:$0x2], $0x80, v3, vm0, $0xb8;
	[tilespmem:$0x10200] =	vst v63  }
0x271: {  	v3 =	vld [tilespmem:$0x1E0];
	_ =	sdelay $0x4  }
0x272: {  	v62 =	vshll.u32 v3, $0x1  }
0x273: {  	v3 =	vand.u32 $0x7, v3;
	v4 =	vand.u32 $0xFFFFFFF0, v62  }
0x274: {  	v3 =	vor.u32 v3, v4  }
0x275: {  	v4 =	vperm.xlane v3, v0;
	_ =	sdelay $0x1  }
0x276: {  	v3 =	vperm.xlane v3, v2;
	v4 =	vadd.s32 v1, v4;
	_ =	sdelay $0x1  }
0x277: {  	v3 =	vadd.s32 v1, v3;
	_ =	sdelay $0x1  }
0x278: {  	s15 =	simm.s32 $0xE200  }
0x279: {  	[hbm4b:s3+s2] =	stream.indirect_vreg.scatter [tilespmem:s15], [sflag:$0x2], $0x80, v4, vm0, $0xb8;
	[tilespmem:$0x10200] =	vst v63  }
0x27a: {  	s30 =	simm.s32 $0xEA00  }
0x27b: {  	[hbm4b:s3+s2] =	stream.indirect_vreg.scatter [tilespmem:s30], [sflag:$0x2], $0x80, v3, vm0, $0xb8;
	[tilespmem:$0x10200] =	vst v63  }
0x27c: {  	v3 =	vld [tilespmem:$0x1F0];
	_ =	sdelay $0x4  }
0x27d: {  	v63 =	vshll.u32 v3, $0x1  }
0x27e: {  	v3 =	vand.u32 $0x7, v3;
	v4 =	vand.u32 $0xFFFFFFF0, v63  }
0x27f: {  	v3 =	vor.u32 v3, v4  }
0x280: {  	v4 =	vperm.xlane v3, v0;
	_ =	sdelay $0x1  }
0x281: {  	v3 =	vperm.xlane v3, v2;
	v4 =	vadd.s32 v1, v4;
	_ =	sdelay $0x1  }
0x282: {  	v3 =	vadd.s32 v1, v3;
	_ =	sdelay $0x1  }
0x283: {  	s0 =	simm.s32 $0xF200  }
0x284: {  	[hbm4b:s3+s2] =	stream.indirect_vreg.scatter [tilespmem:s0], [sflag:$0x2], $0x80, v4, vm0, $0xb8;
	[tilespmem:$0x10200] =	vst v63  }
0x285: {  	s26 =	simm.s32 $0xFA00;
	s31 =	simm.s32 $0x1  }
0x286: {  	[hbm4b:s3+s2] =	stream.indirect_vreg.scatter [tilespmem:s26], [sflag:$0x2], $0x80, v3, vm0, $0xb8;
	[tilespmem:$0x10200] =	vst v63  }
0x287: {  	p0 =	sne.s32 s1, $0x1;
	_ =	swait.ge [sflag:s31], $0x8000  }
.Ltmp0:
0x288: {  	[sflag:s31] =	ssyncset.done $0x0;
	(pc) =	sbr.rel @p0 .LBB2_1-.Ltmp0, $4  }
0x289: {  	[sflag:s31] =	ssyncadd.s32 $0xFFFF8000  }
0x28a: {  	_ =	swait.ge [sflag:s13], $0x8000  }
0x28b: {  	[sflag:s13] =	ssyncset.done $0x0  }
0x28c: {  	s1 =	sadd.s32 $0xFFFFFFFF, s1;
	[sflag:s13] =	ssyncadd.s32 $0xFFFF8000  }
0x28d: {  	_ =	sfence.sel $0x180000  }
0x28e: {  	[bflag:$0x0] =	sbarrier.arrive $0xFFFF  }
0x28f: {  	_ =	strace $0x90000047  }
0x290: {  	s0 =	stileid.u32;
	[bflag:$0x2] =	sbarrier.arrive $0xFFFF  }
0x291: {  	p0 =	sne.s32 s0, $0x0;
	s0 =	rddreg [dreg:$0x4]  }
0x292: {  	s0 =	sadd.s32 @!p0 $0x100000, s0  }
0x293: {  	[sflag:s0] =	ssyncadd.tile.s32 @!p0 $0x1;
	_ =	shalt  }
.Lfunc_end2:
_tile_overlayer_lowered:
.L_overlay_start_2:
0x294: {  	(tag) =	ssettag $0x2  }
0x295: {  	s0 =	rddreg [dreg:$0x0];
	s2 =	stileid.u32  }
0x296: {  	s1 =	rddreg [dreg:$0x1];
	p0 =	sne.s32 s2, $0x0  }
0x297: {  	s3 =	rddreg [dreg:$0x2];
	[bflag:$0x3] =	sbarrier.arrive $0xFFFF;
	s2 =	simm.s32 @!p0 $0x1C05  }
0x298: {  	[timem:s3], [sflag:s2] =	dma.local @!p0 [hbm:s0], s1  }
0x299: {  	s0 =	simm.s32 @!p0 $0x5  }
0x29a: {  	_ =	swait.ge @!p0 [sflag:s0], s1  }
0x29b: {  	s1 =	ssub.s32 @!p0 $0x0, s1;
	[sflag:s0] =	ssyncset.done @!p0 $0x0  }
0x29c: {  	[sflag:s0] =	ssyncadd.s32 @!p0 s1  }
0x29d: {  	[bflag:$0x3] =	sbarrier.arrive $0xFFFF  }
0x29e: {  	_ =	shalt  }

// kernel: kernel.9.cloned.1.call-start
scs
__scs_entry_jumppad:
0x0: {  	(pc) =	sbr.rel $0x88, $3  }
0x1: {  	(tag) =	ssettag $0x0;
	lr =	simm.s32 $0x1  }
0x2: {  	[smem:$0x3F98] =	sst lr;
	_ =	strace $0xD0000000  }
0x3: {  	_ = 	snop  }
0x4: {  	_ = 	snop  }
0x5: {  	_ = 	snop  }
0x6: {  	_ = 	snop  }
0x7: {  	_ = 	snop  }
__scs_overlays_trampoline_lowered:
0x8: {  	[smem:$0x3FA7] =	sst s0  }
0x9: {  	[smem:$0x3FA8] =	sst s1  }
0xa: {  	[smem:$0x3FA9] =	sst s2  }
0xb: {  	[smem:$0x3FAA] =	sst s3  }
0xc: {  	[smem:$0x3FAB] =	sst s4  }
0xd: {  	[smem:$0x3FAC] =	sst s5  }
0xe: {  	[smem:$0x3FAD] =	sst s6  }
0xf: {  	[smem:$0x3FAE] =	sst s7  }
0x10: {  	[smem:$0x3FAF] =	sst s8  }
0x11: {  	[smem:$0x3FB0] =	sst s9;
	s0 =	simm.s32 @!p0 $0x0  }
0x12: {  	s1 =	sld [smem:$0x3F96];
	s0 =	simm.s32 @p0 $0x1  }
0x13: {  	[smem:$0x3FB1] =	sst s0;
	s0 =	simm.s32 @!p1 $0x0  }
0x14: {  	s2 =	sld [smem:$0x3F95];
	s0 =	simm.s32 @p1 $0x1  }
0x15: {  	[smem:$0x3FB2] =	sst s0;
	s0 =	simm.s32 @!p2 $0x0  }
0x16: {  	s3 =	sld [smem:$0x3FDB];
	s0 =	simm.s32 @p2 $0x1  }
0x17: {  	s4 =	simm.s32 $0x1BF5;
	[smem:$0x3FB4] =	sst s0  }
0x18: {  	s0 =	sld [smem:$0x3F97];
	_ =	swait.ge [sflag:s4], $0x0  }
0x19: {  	s7 =	sld [smem:$0x3F98]  }
0x1a: {  	s8 =	sadd.s32 $0xFFFFE003, lr  }
0x1b: {  	s9 =	sadd.s32 $0xFFFFFEF7, lr;
	s5 =	simm.s32 $0xFFFFFFFF;
	p2 =	slt.u32 s8, $0xFFFFF086  }
0x1c: {  	p1 =	slt.u32 s9, $0xF7A;
	s5 =	simm.s32 @!p2 $0x0  }
0x1d: {  	s5 =	simm.s32 @p1 $0x1;
	p0 =	seq.s32 s7, s2  }
0x1e: {  	s7 =	smul.u32 @!p0 $0xF7A, s2;
	p2 =	seq.s32 @!p0 s5, $0x0  }
0x1f: {  	s9 =	smul.u32 $0xF7A, s1;
	s8 =	simm.s32 @!p0 $0x1BF5;
	p2 =	por !p2, p0  }
0x20: {  	[sflag:s8] =	ssyncset.s32 @!p0 $0xFFFFF086;
	s6 =	sadd.s32 @!p0 s3, s7;
	s7 =	simm.s32 @!p0 $0x108  }
0x21: {  	s3 =	sadd.s32 s3, s9;
	s6 =	sadd.s32 @!p0 $0x88, s6;
	s7 =	simm.s32 @p2 $0x1082  }
0x22: {  	[simem:s7], [sflag:s8] =	dma.local @!p0 [hbm:s6], $0xF7A  }
0x23: {  	s9 =	sor.u32 $0xD0000000, s2;
	s6 =	simm.s32 $0x108;
	_ =	swait.ge @!p0 [sflag:s8], $0x0  }
0x24: {  	s3 =	sadd.s32 $0x88, s3;
	s6 =	simm.s32 @!p1 $0x1082;
	[sflag:s4] =	ssyncset.s32 $0xFFFFF086  }
0x25: {  	[simem:s6], [sflag:s4] =	dma.local [hbm:s3], $0xF7A  }
0x26: {  	[smem:$0x3F98] =	sst s1;
	(tag) =	ssettag s2;
	_ =	strace s9  }
0x27: {  	s1 =	sld [smem:$0x3FA8]  }
0x28: {  	s2 =	sld [smem:$0x3FA9]  }
0x29: {  	s4 =	sld [smem:$0x3FAB]  }
0x2a: {  	p0 =	seq.s32 s5, $0x0;
	s5 =	sld [smem:$0x3FAC]  }
0x2b: {  	s6 =	sld [smem:$0x3FAD]  }
0x2c: {  	s7 =	sld [smem:$0x3FAE]  }
0x2d: {  	s3 =	simm.s32 $0x108;
	s8 =	sld [smem:$0x3FAF]  }
0x2e: {  	s3 =	simm.s32 @!p0 $0x1082;
	s9 =	sld [smem:$0x3FB0]  }
0x2f: {  	lr =	sadd.s32 s0, s3;
	s0 =	sld [smem:$0x3FA7]  }
0x30: {  	s3 =	sld [smem:$0x3FAA]  }
0x31: {  	[smem:$0x3FB3] =	sst s10  }
0x32: {  	s10 =	sld [smem:$0x3FB1];
	_ =	sdelay $0x3  }
0x33: {  	p0 =	seq.s32 s10, $0x1;
	s10 =	sld [smem:$0x3FB3];
	_ =	sdelay $0x3  }
0x34: {  	[smem:$0x3FB3] =	sst s10  }
0x35: {  	s10 =	sld [smem:$0x3FB2];
	_ =	sdelay $0x3  }
0x36: {  	p1 =	seq.s32 s10, $0x1;
	s10 =	sld [smem:$0x3FB3];
	_ =	sdelay $0x3  }
0x37: {  	[smem:$0x3FB3] =	sst s10  }
0x38: {  	s10 =	sld [smem:$0x3FB4]  }
0x39: {  	_ = 	snop;
	(pc) =	sbr.ind lr, $3  }
0x3a: {  	_ = 	snop  }
0x3b: {  	_ = 	snop  }
0x3c: {  	p2 =	seq.s32 s10, $0x1;
	s10 =	sld [smem:$0x3FB3]  }
0x3d: {  	_ =	shalt  }
0x3e: {  	_ =	shalt  }
0x3f: {  	_ =	shalt  }
0x40: {  	_ =	shalt  }
0x41: {  	_ =	shalt  }
0x42: {  	_ =	shalt  }
0x43: {  	_ =	shalt  }
0x44: {  	_ =	shalt  }
0x45: {  	_ =	shalt  }
0x46: {  	_ =	shalt  }
0x47: {  	_ =	shalt  }
0x48: {  	_ =	shalt  }
0x49: {  	_ =	shalt  }
0x4a: {  	_ =	shalt  }
0x4b: {  	_ =	shalt  }
0x4c: {  	_ =	shalt  }
0x4d: {  	_ =	shalt  }
0x4e: {  	_ =	shalt  }
0x4f: {  	_ =	shalt  }
0x50: {  	_ =	shalt  }
0x51: {  	_ =	shalt  }
0x52: {  	_ =	shalt  }
0x53: {  	_ =	shalt  }
0x54: {  	_ =	shalt  }
0x55: {  	_ =	shalt  }
0x56: {  	_ =	shalt  }
0x57: {  	_ =	shalt  }
0x58: {  	_ =	shalt  }
0x59: {  	_ =	shalt  }
0x5a: {  	_ =	shalt  }
0x5b: {  	_ =	shalt  }
0x5c: {  	_ =	shalt  }
0x5d: {  	_ =	shalt  }
0x5e: {  	_ =	shalt  }
0x5f: {  	_ =	shalt  }
0x60: {  	_ =	shalt  }
0x61: {  	_ =	shalt  }
0x62: {  	_ =	shalt  }
0x63: {  	_ =	shalt  }
0x64: {  	_ =	shalt  }
0x65: {  	_ =	shalt  }
0x66: {  	_ =	shalt  }
0x67: {  	_ =	shalt  }
0x68: {  	_ =	shalt  }
0x69: {  	_ =	shalt  }
0x6a: {  	_ =	shalt  }
0x6b: {  	_ =	shalt  }
0x6c: {  	_ =	shalt  }
0x6d: {  	_ =	shalt  }
0x6e: {  	_ =	shalt  }
0x6f: {  	_ =	shalt  }
0x70: {  	_ =	shalt  }
0x71: {  	_ =	shalt  }
0x72: {  	_ =	shalt  }
0x73: {  	_ =	shalt  }
0x74: {  	_ =	shalt  }
0x75: {  	_ =	shalt  }
0x76: {  	_ =	shalt  }
0x77: {  	_ =	shalt  }
0x78: {  	_ =	shalt  }
0x79: {  	_ =	shalt  }
0x7a: {  	_ =	shalt  }
0x7b: {  	_ =	shalt  }
0x7c: {  	_ =	shalt  }
0x7d: {  	_ =	shalt  }
0x7e: {  	_ =	shalt  }
0x7f: {  	_ =	shalt  }
0x80: {  	_ =	shalt  }
0x81: {  	_ =	shalt  }
0x82: {  	_ =	shalt  }
0x83: {  	_ =	shalt  }
0x84: {  	_ =	shalt  }
0x85: {  	_ =	shalt  }
0x86: {  	_ =	shalt  }
0x87: {  	_ =	shalt  }
.Lfunc_end0:
.L_simem_size_0:
called_computation.1_lowered:
.L_overlay_start_0:
0x88: {  	s2 =	sld [smem:$0x3FD9]  }
0x89: {  	s3 =	sld [smem:$0x3FFE];
	_ =	sdelay $0x1  }
0x8a: {  	s1 =	srdreg.scid  }
0x8b: {  	s0 =	sand.u32 $0x1, s1  }
0x8c: {  	s14 =	sshll.u32 s0, $0xA;
	s2 =	sadd.s32 s3, s2  }
0x8d: {  	s2 =	sadd.s32 s2, s14  }
0x8e: {  	[smem:$0x3FBF] =	sst s2  }
0x8f: {  	_ = 	snop  }
0x90: {  	s2 =	sld [smem:$0x3FD0];
	_ =	sdelay $0x2  }
0x91: {  	s15 =	simm.s32 $0xA;
	s4 =	simm.s32 $0x10  }
0x92: {  	[smem:s4], [sflag:s15] =	dma.local [hbm:s2], $0x1  }
0x93: {  	_ =	swait.eq [sflag:s15], $0x1  }
0x94: {  	[sflag:s15] =	ssyncset.done $0x0  }
0x95: {  	s16 =	sld [smem:$0x10];
	[sflag:s15] =	ssyncadd.s32 $0xFFFFFFFF  }
0x96: {  	s17 =	sld [smem:$0x11];
	(tm) =	ssettm $0x1  }
0x97: {  	s18 =	sld [smem:$0x3FFB];
	_ =	sdelay $0x3  }
0x98: {  	_ =	strace s18  }
0x99: {  	s4 =	sld [smem:$0x3FFC];
	_ =	sdelay $0x3  }
0x9a: {  	_ =	strace s4  }
0x9b: {  	s4 =	sld [smem:$0x3FFD];
	_ =	sdelay $0x3  }
0x9c: {  	_ =	strace s4  }
0x9d: {  	_ =	strace $0x8FFFFFFF  }
0x9e: {  	s19 =	sld [smem:$0x3FDB];
	_ =	sdelay $0x1  }
0x9f: {  	s5 =	simm.s32 $_scs_section_size  }
0xa0: {  	s6 =	simm.s32 $_size__tile_overlayer_lowered;
	s7 =	simm.s32 $_tile_overlayer_lowered  }
0xa1: {  	s22 =	simm.s32 $0x1BFF;
	s21 =	sshll.u32 s7, $0x1;
	s4 =	sadd.s32 s5, s19  }
0xa2: {  	s8 =	simm.s32 $0x0;
	s20 =	sshll.u32 s6, $0x1;
	s6 =	sadd.s32 s21, s4  }
0xa3: {  	[timem:s8], [sflag:s22] =	dma.local [hbm:s6], s20  }
0xa4: {  	_ =	swait.ge [sflag:s22], s20  }
0xa5: {  	s5 =	ssub.s32 $0x0, s20;
	[sflag:s22] =	ssyncset.done $0x0  }
0xa6: {  	[sflag:s22] =	ssyncadd.s32 s5;
	_ =	sdelay $0x1  }
0xa7: {  	s23 =	simm.s32 $0x1B8B  }
0xa8: {  	_ =	swait.ge [sflag:s23], $0x1  }
0xa9: {  	[sflag:s23] =	ssyncset.done $0x0  }
0xaa: {  	s25 =	simm.s32 $0x1B8E;
	s24 =	sld [smem:$0x3FFE];
	[sflag:s23] =	ssyncadd.s32 $0xFFFFFFFF  }
0xab: {  	s26 =	simm.s32 $execute0_lowered;
	[smem:$0x3FD2] =	sst s25  }
0xac: {  	s6 =	sshll.u32 s26, $0x1;
	_ =	strace $0x80000049;
	[dreg:$0x1] =	wrdreg $0xFFFFFFFF  }
0xad: {  	s28 =	simm.s32 $_size_execute0_lowered;
	s4 =	sadd.s32 s4, s6;
	[dreg:$0x0] =	wrdreg $0x0  }
0xae: {  	s6 =	sshll.u32 s28, $0x1;
	[dreg:$0x2] =	wrdreg s4  }
0xaf: {  	[dreg:$0x3] =	wrdreg s6  }
0xb0: {  	[dreg:$0x4] =	wrdreg $0xC0  }
0xb1: {  	_ =	task [dreg:s8], $0x5FFFF  }
0xb2: {  	[dreg:$0x1] =	wrdreg $0xFFFFFFFF  }
0xb3: {  	[dreg:$0x0] =	wrdreg $0x60  }
0xb4: {  	[dreg:$0x2] =	wrdreg s24  }
0xb5: {  	[dreg:$0x3] =	wrdreg s17  }
0xb6: {  	[dreg:$0x4] =	wrdreg s16  }
0xb7: {  	[dreg:$0x5] =	wrdreg $0x9  }
0xb8: {  	_ =	task.clear_ibuf [dreg:s8], $0x6FFFF;
	_ =	strace $0x90000049  }
0xb9: {  	s29 =	simm.s32 $0x9;
	_ =	strace $0x8000004B  }
0xba: {  	_ =	swait.ge [sflag:s29], $0x1  }
0xbb: {  	[sflag:s29] =	ssyncadd.s32 $0xFFFFFFFF  }
0xbc: {  	_ =	strace $0x9000004B  }
0xbd: {  	_ =	sfence  }
0xbe: {  	s30 =	sld [smem:$0x0];
	_ =	sdelay $0x2  }
0xbf: {  	s31 =	sshll.u32 s1, $0xD;
	s1 =	sshrl.u32 s1, $0x2  }
0xc0: {  	s3 =	sand.u32 $0x4000, s31;
	s1 =	sadd.s32 s1, s30  }
0xc1: {  	s0 =	sor.u32 s3, s0;
	s1 =	sshll.u32 s1, $0x11  }
0xc2: {  	s0 =	sor.u32 s1, s0  }
0xc3: {  	s0 =	sadd.s32 $0x8F2B, s0  }
0xc4: {  	[sflag:s0] =	ssyncadd.remote.s32 $0x1  }
0xc5: {  	_ =	sfence.sel $0xFFFF  }
0xc6: {  	[dreg:$0x0] =	wrdreg $0xFFFFFFFF;
	(pc) =	sbr.abs _section_cstart, $3  }
0xc7: {  	[dreg:$0x1] =	wrdreg $0xFFFFFFFF  }
0xc8: {  	_ =	task.clear_ibuf [dreg:s8], $0x2FFFF;
	_ =	strace $0x9FFFFFFF  }
0xc9: {  	(tm) =	ssettm $0x7FFFFFFF  }
tec
execute0_lowered:
.L_overlay_start_1:
0x0: {  	(tag) =	ssettag $0x1  }
0x1: {  	s0 =	rddreg [dreg:$0x0]  }
0x2: {  	s1 =	rddreg [dreg:$0x1]  }
0x3: {  	s4 =	rddreg [dreg:$0x2];
	s2 =	simm.s32 $0x0  }
0x4: {  	s3 =	srdreg.scid;
	s6 =	stileid.u32;
	s10 =	simm.s32 $0x2  }
0x5: {  	s28 =	simm.s32 $0x8A00;
	s29 =	simm.s32 $0x9200;
	s30 =	simm.s32 $0x9A00  }
0x6: {  	s31 =	simm.s32 $0xA200;
	s11 =	simm.s32 $0xBA00;
	s12 =	simm.s32 $0xCA00  }
0x7: {  	s13 =	simm.s32 $0xD200;
	s14 =	simm.s32 $0xDA00;
	s15 =	simm.s32 $0xE200  }
0x8: {  	s16 =	simm.s32 $0xEA00;
	s17 =	simm.s32 $0xF200;
	s18 =	simm.s32 $0x1  }
0x9: {  	s19 =	simm.s32 $0x0;
	[smem:$0x7FF] =	sst s2;
	s5 =	sand.u32 $0x1, s3  }
0xa: {  	s3 =	sadd.s32 $0xC1A00, s0;
	s6 =	sshll.u32 s6, $0xA;
	s7 =	sshll.u32 s5, $0x9  }
0xb: {  	s0 =	sadd.s32 $0x1A00, s0;
	s5 =	ssub.s32 $0x2, s5;
	s6 =	sor.u32 s7, s6  }
0xc: {  	_ =	strace $0x8000004A;
	s24 =	sshrl.u32 s5, $0x1;
	s8 =	sshrl.u32 s6, $0x3  }
0xd: {  	s6 =	sshll.u32 s6, $0x4;
	s9 =	ssub.s32 s5, s24;
	s24 =	simm.s32 $0x7200  }
0xe: {  	s1 =	sadd.s32 s1, s8;
	s25 =	sor.u32 $0x1000, s6;
	s5 =	sadd.s32 s4, s6  }
0xf: {  	s6 =	sadd.s32 s0, s6;
	s26 =	smax.u32 s9, $0x1;
	s9 =	simm.s32 $0xFA00  }
0x10: {  	v2 =	vlaneseq.u32;
	[dreg:$0x4] =	wrdreg s1;
	s7 =	sadd.s32 s4, s25;
	s8 =	sadd.s32 s0, s25  }
0x11: {  	vm0 =	vmmov $0xffff;
	v1 =	vshrl.u32 v2, $0x3;
	[dreg:$0x5] =	wrdreg s26;
	s25 =	simm.s32 $0x7A00;
	s26 =	simm.s32 $0x8200  }
0x12: {  	v0 =	vand.u32 $0x7, v2;
	v2 =	vor.u32 $0x8, v2;
	v1 =	vmul.u32 $0x8, v1;
	s0 =	simm.s32 $0xAA00;
	s1 =	simm.s32 $0xB200;
	s4 =	simm.s32 $0xC200  }
.LBB2_1:
0x13: {  	s20 =	rddreg [dreg:$0x4]  }
0x14: {  	[tilespmem:s2], [sflag:$0x2] =	stream.linear.gather [hbm4b:s20+s2], $0x200, $0x38;
	[tilespmem:$0x10200] =	vst v63  }
0x15: {  	_ =	swait.ge [sflag:s10], $0x200  }
0x16: {  	[sflag:s10] =	ssyncset.done $0x0  }
0x17: {  	[sflag:s10] =	ssyncadd.s32 $0xFFFFFE00  }
0x18: {  	v3 =	vld [tilespmem:$0x0];
	_ =	sdelay $0x4  }
0x19: {  	v4 =	vshll.u32 v3, $0x1  }
0x1a: {  	v3 =	vand.u32 $0x7, v3;
	v4 =	vand.u32 $0xFFFFFFF0, v4  }
0x1b: {  	v3 =	vor.u32 v3, v4  }
0x1c: {  	v4 =	vperm.xlane v3, v0;
	_ =	sdelay $0x1  }
0x1d: {  	v3 =	vperm.xlane v3, v2;
	v4 =	vadd.s32 v1, v4;
	_ =	sdelay $0x1  }
0x1e: {  	v3 =	vadd.s32 v1, v3;
	_ =	sdelay $0x1  }
0x1f: {  	s20 =	simm.s32 $0x200  }
0x20: {  	[tilespmem:s20], [sflag:$0x1] =	stream.indirect_vreg.gather [hbm4b:s3+s2], $0x80, v4, vm0, $0xb8;
	[tilespmem:$0x10200] =	vst v63  }
0x21: {  	s21 =	simm.s32 $0xA00  }
0x22: {  	[tilespmem:s21], [sflag:$0x1] =	stream.indirect_vreg.gather [hbm4b:s3+s2], $0x80, v3, vm0, $0xb8;
	[tilespmem:$0x10200] =	vst v63  }
0x23: {  	v3 =	vld [tilespmem:$0x10];
	_ =	sdelay $0x4  }
0x24: {  	v49 =	vshll.u32 v3, $0x1  }
0x25: {  	v3 =	vand.u32 $0x7, v3;
	v4 =	vand.u32 $0xFFFFFFF0, v49  }
0x26: {  	v3 =	vor.u32 v3, v4  }
0x27: {  	v4 =	vperm.xlane v3, v0;
	_ =	sdelay $0x1  }
0x28: {  	v3 =	vperm.xlane v3, v2;
	v4 =	vadd.s32 v1, v4;
	_ =	sdelay $0x1  }
0x29: {  	v3 =	vadd.s32 v1, v3;
	_ =	sdelay $0x1  }
0x2a: {  	s22 =	simm.s32 $0x1200  }
0x2b: {  	[tilespmem:s22], [sflag:$0x1] =	stream.indirect_vreg.gather [hbm4b:s3+s2], $0x80, v4, vm0, $0xb8;
	[tilespmem:$0x10200] =	vst v63  }
0x2c: {  	s23 =	simm.s32 $0x1A00  }
0x2d: {  	[tilespmem:s23], [sflag:$0x1] =	stream.indirect_vreg.gather [hbm4b:s3+s2], $0x80, v3, vm0, $0xb8;
	[tilespmem:$0x10200] =	vst v63  }
0x2e: {  	v3 =	vld [tilespmem:$0x20];
	_ =	sdelay $0x4  }
0x2f: {  	v50 =	vshll.u32 v3, $0x1  }
0x30: {  	v3 =	vand.u32 $0x7, v3;
	v4 =	vand.u32 $0xFFFFFFF0, v50  }
0x31: {  	v3 =	vor.u32 v3, v4  }
0x32: {  	v4 =	vperm.xlane v3, v0;
	_ =	sdelay $0x1  }
0x33: {  	v3 =	vperm.xlane v3, v2;
	v4 =	vadd.s32 v1, v4;
	_ =	sdelay $0x1  }
0x34: {  	v3 =	vadd.s32 v1, v3;
	_ =	sdelay $0x1  }
0x35: {  	s22 =	simm.s32 $0x2200  }
0x36: {  	[tilespmem:s22], [sflag:$0x1] =	stream.indirect_vreg.gather [hbm4b:s3+s2], $0x80, v4, vm0, $0xb8;
	[tilespmem:$0x10200] =	vst v63  }
0x37: {  	s23 =	simm.s32 $0x2A00  }
0x38: {  	[tilespmem:s23], [sflag:$0x1] =	stream.indirect_vreg.gather [hbm4b:s3+s2], $0x80, v3, vm0, $0xb8;
	[tilespmem:$0x10200] =	vst v63  }
0x39: {  	v3 =	vld [tilespmem:$0x30];
	_ =	sdelay $0x4  }
0x3a: {  	v51 =	vshll.u32 v3, $0x1  }
0x3b: {  	v3 =	vand.u32 $0x7, v3;
	v4 =	vand.u32 $0xFFFFFFF0, v51  }
0x3c: {  	v3 =	vor.u32 v3, v4  }
0x3d: {  	v4 =	vperm.xlane v3, v0;
	_ =	sdelay $0x1  }
0x3e: {  	v3 =	vperm.xlane v3, v2;
	v4 =	vadd.s32 v1, v4;
	_ =	sdelay $0x1  }
0x3f: {  	v3 =	vadd.s32 v1, v3;
	_ =	sdelay $0x1  }
0x40: {  	s22 =	simm.s32 $0x3200  }
0x41: {  	[tilespmem:s22], [sflag:$0x1] =	stream.indirect_vreg.gather [hbm4b:s3+s2], $0x80, v4, vm0, $0xb8;
	[tilespmem:$0x10200] =	vst v63  }
0x42: {  	s23 =	simm.s32 $0x3A00  }
0x43: {  	[tilespmem:s23], [sflag:$0x1] =	stream.indirect_vreg.gather [hbm4b:s3+s2], $0x80, v3, vm0, $0xb8;
	[tilespmem:$0x10200] =	vst v63  }
0x44: {  	v3 =	vld [tilespmem:$0x40];
	_ =	sdelay $0x4  }
0x45: {  	v52 =	vshll.u32 v3, $0x1  }
0x46: {  	v3 =	vand.u32 $0x7, v3;
	v4 =	vand.u32 $0xFFFFFFF0, v52  }
0x47: {  	v3 =	vor.u32 v3, v4  }
0x48: {  	v4 =	vperm.xlane v3, v0;
	_ =	sdelay $0x1  }
0x49: {  	v3 =	vperm.xlane v3, v2;
	v4 =	vadd.s32 v1, v4;
	_ =	sdelay $0x1  }
0x4a: {  	v3 =	vadd.s32 v1, v3;
	_ =	sdelay $0x1  }
0x4b: {  	s22 =	simm.s32 $0x4200  }
0x4c: {  	[tilespmem:s22], [sflag:$0x1] =	stream.indirect_vreg.gather [hbm4b:s3+s2], $0x80, v4, vm0, $0xb8;
	[tilespmem:$0x10200] =	vst v63  }
0x4d: {  	s23 =	simm.s32 $0x4A00  }
0x4e: {  	[tilespmem:s23], [sflag:$0x1] =	stream.indirect_vreg.gather [hbm4b:s3+s2], $0x80, v3, vm0, $0xb8;
	[tilespmem:$0x10200] =	vst v63  }
0x4f: {  	v3 =	vld [tilespmem:$0x50];
	_ =	sdelay $0x4  }
0x50: {  	v53 =	vshll.u32 v3, $0x1  }
0x51: {  	v3 =	vand.u32 $0x7, v3;
	v4 =	vand.u32 $0xFFFFFFF0, v53  }
0x52: {  	v3 =	vor.u32 v3, v4  }
0x53: {  	v4 =	vperm.xlane v3, v0;
	_ =	sdelay $0x1  }
0x54: {  	v3 =	vperm.xlane v3, v2;
	v4 =	vadd.s32 v1, v4;
	_ =	sdelay $0x1  }
0x55: {  	v3 =	vadd.s32 v1, v3;
	_ =	sdelay $0x1  }
0x56: {  	s22 =	simm.s32 $0x5200  }
0x57: {  	[tilespmem:s22], [sflag:$0x1] =	stream.indirect_vreg.gather [hbm4b:s3+s2], $0x80, v4, vm0, $0xb8;
	[tilespmem:$0x10200] =	vst v63  }
0x58: {  	s23 =	simm.s32 $0x5A00  }
0x59: {  	[tilespmem:s23], [sflag:$0x1] =	stream.indirect_vreg.gather [hbm4b:s3+s2], $0x80, v3, vm0, $0xb8;
	[tilespmem:$0x10200] =	vst v63  }
0x5a: {  	v3 =	vld [tilespmem:$0x60];
	_ =	sdelay $0x4  }
0x5b: {  	v54 =	vshll.u32 v3, $0x1  }
0x5c: {  	v3 =	vand.u32 $0x7, v3;
	v4 =	vand.u32 $0xFFFFFFF0, v54  }
0x5d: {  	v3 =	vor.u32 v3, v4  }
0x5e: {  	v4 =	vperm.xlane v3, v0;
	_ =	sdelay $0x1  }
0x5f: {  	v3 =	vperm.xlane v3, v2;
	v4 =	vadd.s32 v1, v4;
	_ =	sdelay $0x1  }
0x60: {  	v3 =	vadd.s32 v1, v3;
	_ =	sdelay $0x1  }
0x61: {  	s22 =	simm.s32 $0x6200  }
0x62: {  	[tilespmem:s22], [sflag:$0x1] =	stream.indirect_vreg.gather [hbm4b:s3+s2], $0x80, v4, vm0, $0xb8;
	[tilespmem:$0x10200] =	vst v63  }
0x63: {  	s23 =	simm.s32 $0x6A00  }
0x64: {  	[tilespmem:s23], [sflag:$0x1] =	stream.indirect_vreg.gather [hbm4b:s3+s2], $0x80, v3, vm0, $0xb8;
	[tilespmem:$0x10200] =	vst v63  }
0x65: {  	v3 =	vld [tilespmem:$0x70];
	_ =	sdelay $0x4  }
0x66: {  	v55 =	vshll.u32 v3, $0x1  }
0x67: {  	v3 =	vand.u32 $0x7, v3;
	v4 =	vand.u32 $0xFFFFFFF0, v55  }
0x68: {  	v3 =	vor.u32 v3, v4  }
0x69: {  	v4 =	vperm.xlane v3, v0;
	_ =	sdelay $0x1  }
0x6a: {  	v3 =	vperm.xlane v3, v2;
	v4 =	vadd.s32 v1, v4;
	_ =	sdelay $0x1  }
0x6b: {  	v3 =	vadd.s32 v1, v3;
	_ =	sdelay $0x2  }
0x6c: {  	[tilespmem:s24], [sflag:$0x1] =	stream.indirect_vreg.gather [hbm4b:s3+s2], $0x80, v4, vm0, $0xb8;
	[tilespmem:$0x10200] =	vst v63  }
0x6d: {  	_ = 	snop  }
0x6e: {  	[tilespmem:s25], [sflag:$0x1] =	stream.indirect_vreg.gather [hbm4b:s3+s2], $0x80, v3, vm0, $0xb8;
	[tilespmem:$0x10200] =	vst v63  }
0x6f: {  	v3 =	vld [tilespmem:$0x80];
	_ =	sdelay $0x4  }
0x70: {  	v56 =	vshll.u32 v3, $0x1  }
0x71: {  	v3 =	vand.u32 $0x7, v3;
	v4 =	vand.u32 $0xFFFFFFF0, v56  }
0x72: {  	v3 =	vor.u32 v3, v4  }
0x73: {  	v4 =	vperm.xlane v3, v0;
	_ =	sdelay $0x1  }
0x74: {  	v3 =	vperm.xlane v3, v2;
	v4 =	vadd.s32 v1, v4;
	_ =	sdelay $0x1  }
0x75: {  	v3 =	vadd.s32 v1, v3;
	_ =	sdelay $0x2  }
0x76: {  	[tilespmem:s26], [sflag:$0x1] =	stream.indirect_vreg.gather [hbm4b:s3+s2], $0x80, v4, vm0, $0xb8;
	[tilespmem:$0x10200] =	vst v63  }
0x77: {  	_ = 	snop  }
0x78: {  	[tilespmem:s28], [sflag:$0x1] =	stream.indirect_vreg.gather [hbm4b:s3+s2], $0x80, v3, vm0, $0xb8;
	[tilespmem:$0x10200] =	vst v63  }
0x79: {  	v3 =	vld [tilespmem:$0x90];
	_ =	sdelay $0x4  }
0x7a: {  	v57 =	vshll.u32 v3, $0x1  }
0x7b: {  	v3 =	vand.u32 $0x7, v3;
	v4 =	vand.u32 $0xFFFFFFF0, v57  }
0x7c: {  	v3 =	vor.u32 v3, v4  }
0x7d: {  	v4 =	vperm.xlane v3, v0;
	_ =	sdelay $0x1  }
0x7e: {  	v3 =	vperm.xlane v3, v2;
	v4 =	vadd.s32 v1, v4;
	_ =	sdelay $0x1  }
0x7f: {  	v3 =	vadd.s32 v1, v3;
	_ =	sdelay $0x2  }
0x80: {  	[tilespmem:s29], [sflag:$0x1] =	stream.indirect_vreg.gather [hbm4b:s3+s2], $0x80, v4, vm0, $0xb8;
	[tilespmem:$0x10200] =	vst v63  }
0x81: {  	_ = 	snop  }
0x82: {  	[tilespmem:s30], [sflag:$0x1] =	stream.indirect_vreg.gather [hbm4b:s3+s2], $0x80, v3, vm0, $0xb8;
	[tilespmem:$0x10200] =	vst v63  }
0x83: {  	v3 =	vld [tilespmem:$0xA0];
	_ =	sdelay $0x4  }
0x84: {  	v58 =	vshll.u32 v3, $0x1  }
0x85: {  	v3 =	vand.u32 $0x7, v3;
	v4 =	vand.u32 $0xFFFFFFF0, v58  }
0x86: {  	v3 =	vor.u32 v3, v4  }
0x87: {  	v4 =	vperm.xlane v3, v0;
	_ =	sdelay $0x1  }
0x88: {  	v3 =	vperm.xlane v3, v2;
	v4 =	vadd.s32 v1, v4;
	_ =	sdelay $0x1  }
0x89: {  	v3 =	vadd.s32 v1, v3;
	_ =	sdelay $0x2  }
0x8a: {  	[tilespmem:s31], [sflag:$0x1] =	stream.indirect_vreg.gather [hbm4b:s3+s2], $0x80, v4, vm0, $0xb8;
	[tilespmem:$0x10200] =	vst v63  }
0x8b: {  	_ = 	snop  }
0x8c: {  	[tilespmem:s0], [sflag:$0x1] =	stream.indirect_vreg.gather [hbm4b:s3+s2], $0x80, v3, vm0, $0xb8;
	[tilespmem:$0x10200] =	vst v63  }
0x8d: {  	v3 =	vld [tilespmem:$0xB0];
	_ =	sdelay $0x4  }
0x8e: {  	v59 =	vshll.u32 v3, $0x1  }
0x8f: {  	v3 =	vand.u32 $0x7, v3;
	v4 =	vand.u32 $0xFFFFFFF0, v59  }
0x90: {  	v3 =	vor.u32 v3, v4  }
0x91: {  	v4 =	vperm.xlane v3, v0;
	_ =	sdelay $0x1  }
0x92: {  	v3 =	vperm.xlane v3, v2;
	v4 =	vadd.s32 v1, v4;
	_ =	sdelay $0x1  }
0x93: {  	v3 =	vadd.s32 v1, v3;
	_ =	sdelay $0x2  }
0x94: {  	[tilespmem:s1], [sflag:$0x1] =	stream.indirect_vreg.gather [hbm4b:s3+s2], $0x80, v4, vm0, $0xb8;
	[tilespmem:$0x10200] =	vst v63  }
0x95: {  	_ = 	snop  }
0x96: {  	[tilespmem:s11], [sflag:$0x1] =	stream.indirect_vreg.gather [hbm4b:s3+s2], $0x80, v3, vm0, $0xb8;
	[tilespmem:$0x10200] =	vst v63  }
0x97: {  	v3 =	vld [tilespmem:$0xC0];
	_ =	sdelay $0x4  }
0x98: {  	v60 =	vshll.u32 v3, $0x1  }
0x99: {  	v3 =	vand.u32 $0x7, v3;
	v4 =	vand.u32 $0xFFFFFFF0, v60  }
0x9a: {  	v3 =	vor.u32 v3, v4  }
0x9b: {  	v4 =	vperm.xlane v3, v0;
	_ =	sdelay $0x1  }
0x9c: {  	v3 =	vperm.xlane v3, v2;
	v4 =	vadd.s32 v1, v4;
	_ =	sdelay $0x1  }
0x9d: {  	v3 =	vadd.s32 v1, v3;
	_ =	sdelay $0x2  }
0x9e: {  	[tilespmem:s4], [sflag:$0x1] =	stream.indirect_vreg.gather [hbm4b:s3+s2], $0x80, v4, vm0, $0xb8;
	[tilespmem:$0x10200] =	vst v63  }
0x9f: {  	_ = 	snop  }
0xa0: {  	[tilespmem:s12], [sflag:$0x1] =	stream.indirect_vreg.gather [hbm4b:s3+s2], $0x80, v3, vm0, $0xb8;
	[tilespmem:$0x10200] =	vst v63  }
0xa1: {  	v3 =	vld [tilespmem:$0xD0];
	_ =	sdelay $0x4  }
0xa2: {  	v61 =	vshll.u32 v3, $0x1  }
0xa3: {  	v3 =	vand.u32 $0x7, v3;
	v4 =	vand.u32 $0xFFFFFFF0, v61  }
0xa4: {  	v3 =	vor.u32 v3, v4  }
0xa5: {  	v4 =	vperm.xlane v3, v0;
	_ =	sdelay $0x1  }
0xa6: {  	v3 =	vperm.xlane v3, v2;
	v4 =	vadd.s32 v1, v4;
	_ =	sdelay $0x1  }
0xa7: {  	v3 =	vadd.s32 v1, v3;
	_ =	sdelay $0x2  }
0xa8: {  	[tilespmem:s13], [sflag:$0x1] =	stream.indirect_vreg.gather [hbm4b:s3+s2], $0x80, v4, vm0, $0xb8;
	[tilespmem:$0x10200] =	vst v63  }
0xa9: {  	_ = 	snop  }
0xaa: {  	[tilespmem:s14], [sflag:$0x1] =	stream.indirect_vreg.gather [hbm4b:s3+s2], $0x80, v3, vm0, $0xb8;
	[tilespmem:$0x10200] =	vst v63  }
0xab: {  	v3 =	vld [tilespmem:$0xE0];
	_ =	sdelay $0x4  }
0xac: {  	v62 =	vshll.u32 v3, $0x1  }
0xad: {  	v3 =	vand.u32 $0x7, v3;
	v4 =	vand.u32 $0xFFFFFFF0, v62  }
0xae: {  	v3 =	vor.u32 v3, v4  }
0xaf: {  	v4 =	vperm.xlane v3, v0;
	_ =	sdelay $0x1  }
0xb0: {  	v3 =	vperm.xlane v3, v2;
	v4 =	vadd.s32 v1, v4;
	_ =	sdelay $0x1  }
0xb1: {  	v3 =	vadd.s32 v1, v3;
	_ =	sdelay $0x2  }
0xb2: {  	[tilespmem:s15], [sflag:$0x1] =	stream.indirect_vreg.gather [hbm4b:s3+s2], $0x80, v4, vm0, $0xb8;
	[tilespmem:$0x10200] =	vst v63  }
0xb3: {  	_ = 	snop  }
0xb4: {  	[tilespmem:s16], [sflag:$0x1] =	stream.indirect_vreg.gather [hbm4b:s3+s2], $0x80, v3, vm0, $0xb8;
	[tilespmem:$0x10200] =	vst v63  }
0xb5: {  	v3 =	vld [tilespmem:$0xF0];
	_ =	sdelay $0x4  }
0xb6: {  	v63 =	vshll.u32 v3, $0x1  }
0xb7: {  	v3 =	vand.u32 $0x7, v3;
	v4 =	vand.u32 $0xFFFFFFF0, v63  }
0xb8: {  	v3 =	vor.u32 v3, v4  }
0xb9: {  	v4 =	vperm.xlane v3, v0;
	_ =	sdelay $0x1  }
0xba: {  	v3 =	vperm.xlane v3, v2;
	v4 =	vadd.s32 v1, v4;
	_ =	sdelay $0x1  }
0xbb: {  	v3 =	vadd.s32 v1, v3;
	_ =	sdelay $0x2  }
0xbc: {  	[tilespmem:s17], [sflag:$0x1] =	stream.indirect_vreg.gather [hbm4b:s3+s2], $0x80, v4, vm0, $0xb8;
	[tilespmem:$0x10200] =	vst v63  }
0xbd: {  	_ = 	snop  }
0xbe: {  	[tilespmem:s9], [sflag:$0x1] =	stream.indirect_vreg.gather [hbm4b:s3+s2], $0x80, v3, vm0, $0xb8;
	[tilespmem:$0x10200] =	vst v63  }
0xbf: {  	_ =	swait.ge [sflag:s18], $0x8000  }
0xc0: {  	[sflag:s18] =	ssyncset.done $0x0  }
0xc1: {  	[sflag:s18] =	ssyncadd.s32 $0xFFFF8000  }
0xc2: {  	_ =	swait.ge [sflag:s18], $0x8000  }
0xc3: {  	s21 =	simm.s32 $0x80;
	[sflag:s18] =	ssyncset.done $0x0  }
0xc4: {  	s22 =	simm.s32 $0xA00;
	s23 =	sadd.s32 $0x0, s5;
	[sflag:s18] =	ssyncadd.s32 $0xFFFF8000  }
.LBB2_2:
0xc5: {  	[hbm4b:s23+s2] =	stream.linear.scatter [tilespmem:s20], [sflag:$0x2], $0x400, $0x38;
	[tilespmem:$0x10200] =	vst v63  }
0xc6: {  	s23 =	smov.u32 s21;
	s20 =	smov.u32 s22;
	p0 =	sne.s32 s21, $0xF80  }
.Ltmp0:
0xc7: {  	s21 =	sadd.s32 $0x80, s21;
	(pc) =	sbr.rel @p0 .LBB2_2-.Ltmp0, $2  }
0xc8: {  	_ =	sdelay $0x2  }
0xc9: {  	s22 =	sadd.s32 $0x800, s22;
	s23 =	sadd.s32 s23, s5  }
0xca: {  	[hbm4b:s23+s2] =	stream.linear.scatter [tilespmem:s20], [sflag:$0x2], $0x400, $0x38;
	[tilespmem:$0x10200] =	vst v63  }
0xcb: {  	_ =	swait.ge [sflag:s10], $0x8000  }
0xcc: {  	s20 =	simm.s32 $0x600;
	s21 =	simm.s32 $0x80;
	[sflag:s10] =	ssyncset.done $0x0  }
0xcd: {  	s23 =	sadd.s32 $0x0, s6;
	s22 =	simm.s32 $0xE00;
	[sflag:s10] =	ssyncadd.s32 $0xFFFF8000  }
.LBB2_4:
0xce: {  	[hbm4b:s23+s2] =	stream.linear.scatter [tilespmem:s20], [sflag:$0x2], $0x400, $0x38;
	[tilespmem:$0x10200] =	vst v63  }
0xcf: {  	s23 =	smov.u32 s21;
	s20 =	smov.u32 s22;
	p0 =	sne.s32 s21, $0xF80  }
.Ltmp1:
0xd0: {  	s21 =	sadd.s32 $0x80, s21;
	(pc) =	sbr.rel @p0 .LBB2_4-.Ltmp1, $2  }
0xd1: {  	_ =	sdelay $0x2  }
0xd2: {  	s22 =	sadd.s32 $0x800, s22;
	s23 =	sadd.s32 s23, s6  }
0xd3: {  	[hbm4b:s23+s2] =	stream.linear.scatter [tilespmem:s20], [sflag:$0x2], $0x400, $0x38;
	[tilespmem:$0x10200] =	vst v63  }
0xd4: {  	_ =	swait.ge [sflag:s10], $0x8000  }
0xd5: {  	[sflag:s10] =	ssyncset.done $0x0  }
0xd6: {  	[sflag:s10] =	ssyncadd.s32 $0xFFFF8000  }
0xd7: {  	v3 =	vld [tilespmem:$0x100];
	_ =	sdelay $0x4  }
0xd8: {  	v4 =	vshll.u32 v3, $0x1  }
0xd9: {  	v3 =	vand.u32 $0x7, v3;
	v4 =	vand.u32 $0xFFFFFFF0, v4  }
0xda: {  	v3 =	vor.u32 v3, v4  }
0xdb: {  	v4 =	vperm.xlane v3, v0;
	_ =	sdelay $0x1  }
0xdc: {  	v3 =	vperm.xlane v3, v2;
	v4 =	vadd.s32 v1, v4;
	_ =	sdelay $0x1  }
0xdd: {  	v3 =	vadd.s32 v1, v3;
	_ =	sdelay $0x1  }
0xde: {  	s21 =	simm.s32 $0x0;
	s20 =	simm.s32 $0x200  }
0xdf: {  	[tilespmem:s20], [sflag:$0x1] =	stream.indirect_vreg.gather [hbm4b:s3+s21], $0x80, v4, vm0, $0xb8;
	[tilespmem:$0x10200] =	vst v63  }
0xe0: {  	s22 =	simm.s32 $0xA00  }
0xe1: {  	[tilespmem:s22], [sflag:$0x1] =	stream.indirect_vreg.gather [hbm4b:s3+s21], $0x80, v3, vm0, $0xb8;
	[tilespmem:$0x10200] =	vst v63  }
0xe2: {  	v3 =	vld [tilespmem:$0x110];
	_ =	sdelay $0x4  }
0xe3: {  	v49 =	vshll.u32 v3, $0x1  }
0xe4: {  	v3 =	vand.u32 $0x7, v3;
	v4 =	vand.u32 $0xFFFFFFF0, v49  }
0xe5: {  	v3 =	vor.u32 v3, v4  }
0xe6: {  	v4 =	vperm.xlane v3, v0;
	_ =	sdelay $0x1  }
0xe7: {  	v3 =	vperm.xlane v3, v2;
	v4 =	vadd.s32 v1, v4;
	_ =	sdelay $0x1  }
0xe8: {  	v3 =	vadd.s32 v1, v3;
	_ =	sdelay $0x1  }
0xe9: {  	s23 =	simm.s32 $0x1200  }
0xea: {  	[tilespmem:s23], [sflag:$0x1] =	stream.indirect_vreg.gather [hbm4b:s3+s21], $0x80, v4, vm0, $0xb8;
	[tilespmem:$0x10200] =	vst v63  }
0xeb: {  	s23 =	simm.s32 $0x1A00  }
0xec: {  	[tilespmem:s23], [sflag:$0x1] =	stream.indirect_vreg.gather [hbm4b:s3+s21], $0x80, v3, vm0, $0xb8;
	[tilespmem:$0x10200] =	vst v63  }
0xed: {  	v3 =	vld [tilespmem:$0x120];
	_ =	sdelay $0x4  }
0xee: {  	v50 =	vshll.u32 v3, $0x1  }
0xef: {  	v3 =	vand.u32 $0x7, v3;
	v4 =	vand.u32 $0xFFFFFFF0, v50  }
0xf0: {  	v3 =	vor.u32 v3, v4  }
0xf1: {  	v4 =	vperm.xlane v3, v0;
	_ =	sdelay $0x1  }
0xf2: {  	v3 =	vperm.xlane v3, v2;
	v4 =	vadd.s32 v1, v4;
	_ =	sdelay $0x1  }
0xf3: {  	v3 =	vadd.s32 v1, v3;
	_ =	sdelay $0x1  }
0xf4: {  	s23 =	simm.s32 $0x2200  }
0xf5: {  	[tilespmem:s23], [sflag:$0x1] =	stream.indirect_vreg.gather [hbm4b:s3+s21], $0x80, v4, vm0, $0xb8;
	[tilespmem:$0x10200] =	vst v63  }
0xf6: {  	s23 =	simm.s32 $0x2A00  }
0xf7: {  	[tilespmem:s23], [sflag:$0x1] =	stream.indirect_vreg.gather [hbm4b:s3+s21], $0x80, v3, vm0, $0xb8;
	[tilespmem:$0x10200] =	vst v63  }
0xf8: {  	v3 =	vld [tilespmem:$0x130];
	_ =	sdelay $0x4  }
0xf9: {  	v51 =	vshll.u32 v3, $0x1  }
0xfa: {  	v3 =	vand.u32 $0x7, v3;
	v4 =	vand.u32 $0xFFFFFFF0, v51  }
0xfb: {  	v3 =	vor.u32 v3, v4  }
0xfc: {  	v4 =	vperm.xlane v3, v0;
	_ =	sdelay $0x1  }
0xfd: {  	v3 =	vperm.xlane v3, v2;
	v4 =	vadd.s32 v1, v4;
	_ =	sdelay $0x1  }
0xfe: {  	v3 =	vadd.s32 v1, v3;
	_ =	sdelay $0x1  }
0xff: {  	s23 =	simm.s32 $0x3200  }
0x100: {  	[tilespmem:s23], [sflag:$0x1] =	stream.indirect_vreg.gather [hbm4b:s3+s21], $0x80, v4, vm0, $0xb8;
	[tilespmem:$0x10200] =	vst v63  }
0x101: {  	s23 =	simm.s32 $0x3A00  }
0x102: {  	[tilespmem:s23], [sflag:$0x1] =	stream.indirect_vreg.gather [hbm4b:s3+s21], $0x80, v3, vm0, $0xb8;
	[tilespmem:$0x10200] =	vst v63  }
0x103: {  	v3 =	vld [tilespmem:$0x140];
	_ =	sdelay $0x4  }
0x104: {  	v52 =	vshll.u32 v3, $0x1  }
0x105: {  	v3 =	vand.u32 $0x7, v3;
	v4 =	vand.u32 $0xFFFFFFF0, v52  }
0x106: {  	v3 =	vor.u32 v3, v4  }
0x107: {  	v4 =	vperm.xlane v3, v0;
	_ =	sdelay $0x1  }
0x108: {  	v3 =	vperm.xlane v3, v2;
	v4 =	vadd.s32 v1, v4;
	_ =	sdelay $0x1  }
0x109: {  	v3 =	vadd.s32 v1, v3;
	_ =	sdelay $0x1  }
0x10a: {  	s23 =	simm.s32 $0x4200  }
0x10b: {  	[tilespmem:s23], [sflag:$0x1] =	stream.indirect_vreg.gather [hbm4b:s3+s21], $0x80, v4, vm0, $0xb8;
	[tilespmem:$0x10200] =	vst v63  }
0x10c: {  	s23 =	simm.s32 $0x4A00  }
0x10d: {  	[tilespmem:s23], [sflag:$0x1] =	stream.indirect_vreg.gather [hbm4b:s3+s21], $0x80, v3, vm0, $0xb8;
	[tilespmem:$0x10200] =	vst v63  }
0x10e: {  	v3 =	vld [tilespmem:$0x150];
	_ =	sdelay $0x4  }
0x10f: {  	v53 =	vshll.u32 v3, $0x1  }
0x110: {  	v3 =	vand.u32 $0x7, v3;
	v4 =	vand.u32 $0xFFFFFFF0, v53  }
0x111: {  	v3 =	vor.u32 v3, v4  }
0x112: {  	v4 =	vperm.xlane v3, v0;
	_ =	sdelay $0x1  }
0x113: {  	v3 =	vperm.xlane v3, v2;
	v4 =	vadd.s32 v1, v4;
	_ =	sdelay $0x1  }
0x114: {  	v3 =	vadd.s32 v1, v3;
	_ =	sdelay $0x1  }
0x115: {  	s23 =	simm.s32 $0x5200  }
0x116: {  	[tilespmem:s23], [sflag:$0x1] =	stream.indirect_vreg.gather [hbm4b:s3+s21], $0x80, v4, vm0, $0xb8;
	[tilespmem:$0x10200] =	vst v63  }
0x117: {  	s23 =	simm.s32 $0x5A00  }
0x118: {  	[tilespmem:s23], [sflag:$0x1] =	stream.indirect_vreg.gather [hbm4b:s3+s21], $0x80, v3, vm0, $0xb8;
	[tilespmem:$0x10200] =	vst v63  }
0x119: {  	v3 =	vld [tilespmem:$0x160];
	_ =	sdelay $0x4  }
0x11a: {  	v54 =	vshll.u32 v3, $0x1  }
0x11b: {  	v3 =	vand.u32 $0x7, v3;
	v4 =	vand.u32 $0xFFFFFFF0, v54  }
0x11c: {  	v3 =	vor.u32 v3, v4  }
0x11d: {  	v4 =	vperm.xlane v3, v0;
	_ =	sdelay $0x1  }
0x11e: {  	v3 =	vperm.xlane v3, v2;
	v4 =	vadd.s32 v1, v4;
	_ =	sdelay $0x1  }
0x11f: {  	v3 =	vadd.s32 v1, v3;
	_ =	sdelay $0x1  }
0x120: {  	s23 =	simm.s32 $0x6200  }
0x121: {  	[tilespmem:s23], [sflag:$0x1] =	stream.indirect_vreg.gather [hbm4b:s3+s21], $0x80, v4, vm0, $0xb8;
	[tilespmem:$0x10200] =	vst v63  }
0x122: {  	s23 =	simm.s32 $0x6A00  }
0x123: {  	[tilespmem:s23], [sflag:$0x1] =	stream.indirect_vreg.gather [hbm4b:s3+s21], $0x80, v3, vm0, $0xb8;
	[tilespmem:$0x10200] =	vst v63  }
0x124: {  	v3 =	vld [tilespmem:$0x170];
	_ =	sdelay $0x4  }
0x125: {  	v55 =	vshll.u32 v3, $0x1  }
0x126: {  	v3 =	vand.u32 $0x7, v3;
	v4 =	vand.u32 $0xFFFFFFF0, v55  }
0x127: {  	v3 =	vor.u32 v3, v4  }
0x128: {  	v4 =	vperm.xlane v3, v0;
	_ =	sdelay $0x1  }
0x129: {  	v3 =	vperm.xlane v3, v2;
	v4 =	vadd.s32 v1, v4;
	_ =	sdelay $0x1  }
0x12a: {  	v3 =	vadd.s32 v1, v3;
	_ =	sdelay $0x2  }
0x12b: {  	[tilespmem:s24], [sflag:$0x1] =	stream.indirect_vreg.gather [hbm4b:s3+s21], $0x80, v4, vm0, $0xb8;
	[tilespmem:$0x10200] =	vst v63  }
0x12c: {  	_ = 	snop  }
0x12d: {  	[tilespmem:s25], [sflag:$0x1] =	stream.indirect_vreg.gather [hbm4b:s3+s21], $0x80, v3, vm0, $0xb8;
	[tilespmem:$0x10200] =	vst v63  }
0x12e: {  	v3 =	vld [tilespmem:$0x180];
	_ =	sdelay $0x4  }
0x12f: {  	v56 =	vshll.u32 v3, $0x1  }
0x130: {  	v3 =	vand.u32 $0x7, v3;
	v4 =	vand.u32 $0xFFFFFFF0, v56  }
0x131: {  	v3 =	vor.u32 v3, v4  }
0x132: {  	v4 =	vperm.xlane v3, v0;
	_ =	sdelay $0x1  }
0x133: {  	v3 =	vperm.xlane v3, v2;
	v4 =	vadd.s32 v1, v4;
	_ =	sdelay $0x1  }
0x134: {  	v3 =	vadd.s32 v1, v3;
	_ =	sdelay $0x2  }
0x135: {  	[tilespmem:s26], [sflag:$0x1] =	stream.indirect_vreg.gather [hbm4b:s3+s21], $0x80, v4, vm0, $0xb8;
	[tilespmem:$0x10200] =	vst v63  }
0x136: {  	_ = 	snop  }
0x137: {  	[tilespmem:s28], [sflag:$0x1] =	stream.indirect_vreg.gather [hbm4b:s3+s21], $0x80, v3, vm0, $0xb8;
	[tilespmem:$0x10200] =	vst v63  }
0x138: {  	v3 =	vld [tilespmem:$0x190];
	_ =	sdelay $0x4  }
0x139: {  	v57 =	vshll.u32 v3, $0x1  }
0x13a: {  	v3 =	vand.u32 $0x7, v3;
	v4 =	vand.u32 $0xFFFFFFF0, v57  }
0x13b: {  	v3 =	vor.u32 v3, v4  }
0x13c: {  	v4 =	vperm.xlane v3, v0;
	_ =	sdelay $0x1  }
0x13d: {  	v3 =	vperm.xlane v3, v2;
	v4 =	vadd.s32 v1, v4;
	_ =	sdelay $0x1  }
0x13e: {  	v3 =	vadd.s32 v1, v3;
	_ =	sdelay $0x2  }
0x13f: {  	[tilespmem:s29], [sflag:$0x1] =	stream.indirect_vreg.gather [hbm4b:s3+s21], $0x80, v4, vm0, $0xb8;
	[tilespmem:$0x10200] =	vst v63  }
0x140: {  	_ = 	snop  }
0x141: {  	[tilespmem:s30], [sflag:$0x1] =	stream.indirect_vreg.gather [hbm4b:s3+s21], $0x80, v3, vm0, $0xb8;
	[tilespmem:$0x10200] =	vst v63  }
0x142: {  	v3 =	vld [tilespmem:$0x1A0];
	_ =	sdelay $0x4  }
0x143: {  	v58 =	vshll.u32 v3, $0x1  }
0x144: {  	v3 =	vand.u32 $0x7, v3;
	v4 =	vand.u32 $0xFFFFFFF0, v58  }
0x145: {  	v3 =	vor.u32 v3, v4  }
0x146: {  	v4 =	vperm.xlane v3, v0;
	_ =	sdelay $0x1  }
0x147: {  	v3 =	vperm.xlane v3, v2;
	v4 =	vadd.s32 v1, v4;
	_ =	sdelay $0x1  }
0x148: {  	v3 =	vadd.s32 v1, v3;
	_ =	sdelay $0x2  }
0x149: {  	[tilespmem:s31], [sflag:$0x1] =	stream.indirect_vreg.gather [hbm4b:s3+s21], $0x80, v4, vm0, $0xb8;
	[tilespmem:$0x10200] =	vst v63  }
0x14a: {  	_ = 	snop  }
0x14b: {  	[tilespmem:s0], [sflag:$0x1] =	stream.indirect_vreg.gather [hbm4b:s3+s21], $0x80, v3, vm0, $0xb8;
	[tilespmem:$0x10200] =	vst v63  }
0x14c: {  	v3 =	vld [tilespmem:$0x1B0];
	_ =	sdelay $0x4  }
0x14d: {  	v59 =	vshll.u32 v3, $0x1  }
0x14e: {  	v3 =	vand.u32 $0x7, v3;
	v4 =	vand.u32 $0xFFFFFFF0, v59  }
0x14f: {  	v3 =	vor.u32 v3, v4  }
0x150: {  	v4 =	vperm.xlane v3, v0;
	_ =	sdelay $0x1  }
0x151: {  	v3 =	vperm.xlane v3, v2;
	v4 =	vadd.s32 v1, v4;
	_ =	sdelay $0x1  }
0x152: {  	v3 =	vadd.s32 v1, v3;
	_ =	sdelay $0x2  }
0x153: {  	[tilespmem:s1], [sflag:$0x1] =	stream.indirect_vreg.gather [hbm4b:s3+s21], $0x80, v4, vm0, $0xb8;
	[tilespmem:$0x10200] =	vst v63  }
0x154: {  	_ = 	snop  }
0x155: {  	[tilespmem:s11], [sflag:$0x1] =	stream.indirect_vreg.gather [hbm4b:s3+s21], $0x80, v3, vm0, $0xb8;
	[tilespmem:$0x10200] =	vst v63  }
0x156: {  	v3 =	vld [tilespmem:$0x1C0];
	_ =	sdelay $0x4  }
0x157: {  	v60 =	vshll.u32 v3, $0x1  }
0x158: {  	v3 =	vand.u32 $0x7, v3;
	v4 =	vand.u32 $0xFFFFFFF0, v60  }
0x159: {  	v3 =	vor.u32 v3, v4  }
0x15a: {  	v4 =	vperm.xlane v3, v0;
	_ =	sdelay $0x1  }
0x15b: {  	v3 =	vperm.xlane v3, v2;
	v4 =	vadd.s32 v1, v4;
	_ =	sdelay $0x1  }
0x15c: {  	v3 =	vadd.s32 v1, v3;
	_ =	sdelay $0x2  }
0x15d: {  	[tilespmem:s4], [sflag:$0x1] =	stream.indirect_vreg.gather [hbm4b:s3+s21], $0x80, v4, vm0, $0xb8;
	[tilespmem:$0x10200] =	vst v63  }
0x15e: {  	_ = 	snop  }
0x15f: {  	[tilespmem:s12], [sflag:$0x1] =	stream.indirect_vreg.gather [hbm4b:s3+s21], $0x80, v3, vm0, $0xb8;
	[tilespmem:$0x10200] =	vst v63  }
0x160: {  	v3 =	vld [tilespmem:$0x1D0];
	_ =	sdelay $0x4  }
0x161: {  	v61 =	vshll.u32 v3, $0x1  }
0x162: {  	v3 =	vand.u32 $0x7, v3;
	v4 =	vand.u32 $0xFFFFFFF0, v61  }
0x163: {  	v3 =	vor.u32 v3, v4  }
0x164: {  	v4 =	vperm.xlane v3, v0;
	_ =	sdelay $0x1  }
0x165: {  	v3 =	vperm.xlane v3, v2;
	v4 =	vadd.s32 v1, v4;
	_ =	sdelay $0x1  }
0x166: {  	v3 =	vadd.s32 v1, v3;
	_ =	sdelay $0x2  }
0x167: {  	[tilespmem:s13], [sflag:$0x1] =	stream.indirect_vreg.gather [hbm4b:s3+s21], $0x80, v4, vm0, $0xb8;
	[tilespmem:$0x10200] =	vst v63  }
0x168: {  	_ = 	snop  }
0x169: {  	[tilespmem:s14], [sflag:$0x1] =	stream.indirect_vreg.gather [hbm4b:s3+s21], $0x80, v3, vm0, $0xb8;
	[tilespmem:$0x10200] =	vst v63  }
0x16a: {  	v3 =	vld [tilespmem:$0x1E0];
	_ =	sdelay $0x4  }
0x16b: {  	v62 =	vshll.u32 v3, $0x1  }
0x16c: {  	v3 =	vand.u32 $0x7, v3;
	v4 =	vand.u32 $0xFFFFFFF0, v62  }
0x16d: {  	v3 =	vor.u32 v3, v4  }
0x16e: {  	v4 =	vperm.xlane v3, v0;
	_ =	sdelay $0x1  }
0x16f: {  	v3 =	vperm.xlane v3, v2;
	v4 =	vadd.s32 v1, v4;
	_ =	sdelay $0x1  }
0x170: {  	v3 =	vadd.s32 v1, v3;
	_ =	sdelay $0x2  }
0x171: {  	[tilespmem:s15], [sflag:$0x1] =	stream.indirect_vreg.gather [hbm4b:s3+s21], $0x80, v4, vm0, $0xb8;
	[tilespmem:$0x10200] =	vst v63  }
0x172: {  	_ = 	snop  }
0x173: {  	[tilespmem:s16], [sflag:$0x1] =	stream.indirect_vreg.gather [hbm4b:s3+s21], $0x80, v3, vm0, $0xb8;
	[tilespmem:$0x10200] =	vst v63  }
0x174: {  	v3 =	vld [tilespmem:$0x1F0];
	_ =	sdelay $0x4  }
0x175: {  	v63 =	vshll.u32 v3, $0x1  }
0x176: {  	v3 =	vand.u32 $0x7, v3;
	v4 =	vand.u32 $0xFFFFFFF0, v63  }
0x177: {  	v3 =	vor.u32 v3, v4  }
0x178: {  	v4 =	vperm.xlane v3, v0;
	_ =	sdelay $0x1  }
0x179: {  	v3 =	vperm.xlane v3, v2;
	v4 =	vadd.s32 v1, v4;
	_ =	sdelay $0x1  }
0x17a: {  	v3 =	vadd.s32 v1, v3;
	_ =	sdelay $0x2  }
0x17b: {  	[tilespmem:s17], [sflag:$0x1] =	stream.indirect_vreg.gather [hbm4b:s3+s21], $0x80, v4, vm0, $0xb8;
	[tilespmem:$0x10200] =	vst v63  }
0x17c: {  	_ = 	snop  }
0x17d: {  	[tilespmem:s9], [sflag:$0x1] =	stream.indirect_vreg.gather [hbm4b:s3+s21], $0x80, v3, vm0, $0xb8;
	[tilespmem:$0x10200] =	vst v63  }
0x17e: {  	_ =	swait.ge [sflag:s18], $0x8000  }
0x17f: {  	[sflag:s18] =	ssyncset.done $0x0  }
0x180: {  	[sflag:s18] =	ssyncadd.s32 $0xFFFF8000  }
0x181: {  	_ =	swait.ge [sflag:s18], $0x8000  }
0x182: {  	s22 =	simm.s32 $0xA00;
	[sflag:s18] =	ssyncset.done $0x0  }
0x183: {  	s23 =	sadd.s32 $0x0, s7;
	s21 =	simm.s32 $0x80;
	[sflag:s18] =	ssyncadd.s32 $0xFFFF8000  }
.LBB2_6:
0x184: {  	[hbm4b:s23+s2] =	stream.linear.scatter [tilespmem:s20], [sflag:$0x2], $0x400, $0x38;
	[tilespmem:$0x10200] =	vst v63  }
0x185: {  	s23 =	smov.u32 s21;
	s20 =	smov.u32 s22;
	p0 =	sne.s32 s21, $0xF80  }
.Ltmp2:
0x186: {  	s21 =	sadd.s32 $0x80, s21;
	(pc) =	sbr.rel @p0 .LBB2_6-.Ltmp2, $2  }
0x187: {  	_ =	sdelay $0x2  }
0x188: {  	s22 =	sadd.s32 $0x800, s22;
	s23 =	sadd.s32 s23, s7  }
0x189: {  	[hbm4b:s23+s2] =	stream.linear.scatter [tilespmem:s20], [sflag:$0x2], $0x400, $0x38;
	[tilespmem:$0x10200] =	vst v63  }
0x18a: {  	_ =	swait.ge [sflag:s10], $0x8000  }
0x18b: {  	s20 =	simm.s32 $0x600;
	s21 =	simm.s32 $0x80;
	[sflag:s10] =	ssyncset.done $0x0  }
0x18c: {  	s23 =	sadd.s32 $0x0, s8;
	s22 =	simm.s32 $0xE00;
	[sflag:s10] =	ssyncadd.s32 $0xFFFF8000  }
.LBB2_8:
0x18d: {  	[hbm4b:s23+s2] =	stream.linear.scatter [tilespmem:s20], [sflag:$0x2], $0x400, $0x38;
	[tilespmem:$0x10200] =	vst v63  }
0x18e: {  	s23 =	smov.u32 s21;
	s20 =	smov.u32 s22;
	p0 =	sne.s32 s21, $0xF80  }
.Ltmp3:
0x18f: {  	s21 =	sadd.s32 $0x80, s21;
	(pc) =	sbr.rel @p0 .LBB2_8-.Ltmp3, $2  }
0x190: {  	_ =	sdelay $0x2  }
0x191: {  	s22 =	sadd.s32 $0x800, s22;
	s23 =	sadd.s32 s23, s8  }
0x192: {  	[hbm4b:s23+s2] =	stream.linear.scatter [tilespmem:s20], [sflag:$0x2], $0x400, $0x38;
	[tilespmem:$0x10200] =	vst v63  }
0x193: {  	_ =	swait.ge [sflag:s10], $0x8000  }
0x194: {  	s19 =	sadd.s32 $0x1, s19;
	s23 =	rddreg [dreg:$0x5]  }
0x195: {  	p0 =	sne.s32 s19, s23  }
.Ltmp4:
0x196: {  	_ = 	snop;
	(pc) =	sbr.rel @p0 .LBB2_1-.Ltmp4, $3  }
0x197: {  	_ =	sdelay $0x1  }
0x198: {  	[sflag:s10] =	ssyncset.done $0x0  }
0x199: {  	[sflag:s10] =	ssyncadd.s32 $0xFFFF8000  }
0x19a: {  	_ =	sfence.sel $0x180000  }
0x19b: {  	[bflag:$0x0] =	sbarrier.arrive $0xFFFF  }
0x19c: {  	_ =	strace $0x9000004A  }
0x19d: {  	s0 =	stileid.u32;
	[bflag:$0x2] =	sbarrier.arrive $0xFFFF  }
0x19e: {  	p0 =	sne.s32 s0, $0x0;
	s0 =	rddreg [dreg:$0x3]  }
0x19f: {  	s0 =	sadd.s32 @!p0 $0x100000, s0  }
0x1a0: {  	[sflag:s0] =	ssyncadd.tile.s32 @!p0 $0x1;
	_ =	shalt  }
.Lfunc_end2:
_tile_overlayer_lowered:
.L_overlay_start_2:
0x1a1: {  	(tag) =	ssettag $0x2  }
0x1a2: {  	s0 =	rddreg [dreg:$0x0];
	s2 =	stileid.u32  }
0x1a3: {  	s1 =	rddreg [dreg:$0x1];
	p0 =	sne.s32 s2, $0x0  }
0x1a4: {  	s3 =	rddreg [dreg:$0x2];
	[bflag:$0x3] =	sbarrier.arrive $0xFFFF;
	s2 =	simm.s32 @!p0 $0x1C02  }
0x1a5: {  	[timem:s3], [sflag:s2] =	dma.local @!p0 [hbm:s0], s1  }
0x1a6: {  	s0 =	simm.s32 @!p0 $0x2  }
0x1a7: {  	_ =	swait.ge @!p0 [sflag:s0], s1  }
0x1a8: {  	s1 =	ssub.s32 @!p0 $0x0, s1;
	[sflag:s0] =	ssyncset.done @!p0 $0x0  }
0x1a9: {  	[sflag:s0] =	ssyncadd.s32 @!p0 s1  }
0x1aa: {  	[bflag:$0x3] =	sbarrier.arrive $0xFFFF  }
0x1ab: {  	_ =	shalt  }

</sc_bundles>
